<compile_context>
chip_gen: v7x
topology: tpu7x:2x2x1
jax: 0.10.2.dev20260603
libtpu: 0.0.44.dev20260713+nightly
codegen_flags: <defaults>
</compile_context>

<pallas_src>
import jax
import jax.numpy as jnp
from jax import lax
from jax.experimental import pallas as pl
from jax.experimental.pallas import tpu as pltpu
from jax.experimental.pallas import tpu_sc as plsc

T = 8
N = 50000
NP = 51200
E = 800000
G = 64
H_GNN = 64
H_GRU = 32

NC = 2
NS = 16
TPC = T // NC
EPT = E // NS
K = 2000
NCHUNK = EPT // K
PLANE = TPC * 2 * NP
ACC_W = 3 * PLANE
OUT_PLANE = T * 2 * NP
XB = 2000
XPC = (2 * N) // XB
OCP = 1600
ONP = ACC_W // OCP


def _sc_edge_body(ea_hbm, ei_hbm, x_hbm, out_hbm,
                  ea_a, src_a, dst_a, g0_a, g1_a, val_a, idx_a,
                  ea_b, src_b, dst_b, g0_b, g1_b, val_b, idx_b,
                  xb_buf, x_sh, acc_sh,
                  in_sem_a, in_sem_b, g_sem_a, g_sem_b, s_sem_a, s_sem_b):
  c = lax.axis_index("c")
  s = lax.axis_index("s")

  slot_a = (ea_a, src_a, dst_a, g0_a, g1_a, val_a, idx_a,
            in_sem_a, g_sem_a, s_sem_a)
  slot_b = (ea_b, src_b, dst_b, g0_b, g1_b, val_b, idx_b,
            in_sem_b, g_sem_b, s_sem_b)

  def zero_vals(i, carry):
    val_a[pl.ds(i * 16, 16)] = jnp.zeros((16,), jnp.float32)
    val_b[pl.ds(i * 16, 16)] = jnp.zeros((16,), jnp.float32)
    return carry
  lax.fori_loop(0, (3 * K) // 16, zero_vals, 0)

  zone = ACC_W // NS
  base = s * zone
  def zero_acc(j, carry):
    off = jnp.minimum(j * (3 * K), zone - 3 * K)
    pltpu.sync_copy(val_a, acc_sh.at[pl.ds(base + off, 3 * K)])
    return carry
  lax.fori_loop(0, (zone + 3 * K - 1) // (3 * K), zero_acc, 0)

  def fill_ones(i, carry):
    val_a[pl.ds(2 * K + i * 16, 16)] = jnp.ones((16,), jnp.float32)
    val_b[pl.ds(2 * K + i * 16, 16)] = jnp.ones((16,), jnp.float32)
    return carry
  lax.fori_loop(0, K // 16, fill_ones, 0)

  def start_in(slot, t, ch):
    ea_c, src_c, dst_c = slot[0], slot[1], slot[2]
    in_sem = slot[7]
    ebase = t * E + s * EPT + ch * K
    ibase = t * 2 * E + s * EPT + ch * K
    pltpu.async_copy(ea_hbm.at[pl.ds(ebase, K)], ea_c, in_sem)
    pltpu.async_copy(ei_hbm.at[pl.ds(ibase, K)], src_c, in_sem)
    pltpu.async_copy(ei_hbm.at[pl.ds(ibase + E, K)], dst_c, in_sem)

  def wait_in(slot, t, ch):
    ea_c, src_c, dst_c = slot[0], slot[1], slot[2]
    in_sem = slot[7]
    ebase = t * E + s * EPT + ch * K
    ibase = t * 2 * E + s * EPT + ch * K
    pltpu.make_async_copy(ea_hbm.at[pl.ds(ebase, K)], ea_c, in_sem).wait()
    pltpu.make_async_copy(ei_hbm.at[pl.ds(ibase, K)], src_c, in_sem).wait()
    pltpu.make_async_copy(ei_hbm.at[pl.ds(ibase + E, K)], dst_c, in_sem).wait()

  def wait_scatter(slot):
    val_c, idx_c, s_sem = slot[5], slot[6], slot[9]
    pltpu.make_async_copy(val_c, acc_sh.at[idx_c], s_sem).wait()

  def run_chunk(slot, qoff):
    (ea_c, src_c, dst_c, g0_c, g1_c, val_c, idx_c,
     in_sem, g_sem, s_sem) = slot

    def idx_body(i, carry):
      b = i * 16
      ea_v = ea_c[pl.ds(b, 16)]
      dst_v = dst_c[pl.ds(b, 16)]
      neg = (ea_v < 0.0).astype(jnp.int32)
      idx = dst_v + neg * NP + qoff
      idx_c[pl.ds(b, 16)] = idx
      idx_c[pl.ds(K + b, 16)] = idx + PLANE
      idx_c[pl.ds(2 * K + b, 16)] = idx + 2 * PLANE
      dst_c[pl.ds(b, 16)] = src_c[pl.ds(b, 16)] + N
      return carry
    lax.fori_loop(0, K // 16, idx_body, 0)

    pltpu.async_copy(x_sh.at[src_c], g0_c, g_sem)
    pltpu.async_copy(x_sh.at[dst_c], g1_c, g_sem)
    pltpu.make_async_copy(x_sh.at[src_c], g0_c, g_sem).wait()
    pltpu.make_async_copy(x_sh.at[dst_c], g1_c, g_sem).wait()

    def val_body(i, carry):
      b = i * 16
      a = jnp.abs(ea_c[pl.ds(b, 16)])
      val_c[pl.ds(b, 16)] = a * g0_c[pl.ds(b, 16)]
      val_c[pl.ds(K + b, 16)] = a * g1_c[pl.ds(b, 16)]
      return carry
    lax.fori_loop(0, K // 16, val_body, 0)

    pltpu.async_copy(val_c, acc_sh.at[idx_c], s_sem, add=True)

  def t_body(q, carry):
    t = c * TPC + q
    plsc.subcore_barrier()
    def xstage(j, carry1):
      piece = s + NS * j
      @pl.when(piece < XPC)
      def _():
        off = piece * XB
        pltpu.sync_copy(x_hbm.at[pl.ds(t * 2 * N + off, XB)], xb_buf)
        pltpu.sync_copy(xb_buf, x_sh.at[pl.ds(off, XB)])
      return carry1
    lax.fori_loop(0, (XPC + NS - 1) // NS, xstage, 0)
    plsc.subcore_barrier()
    qoff = q * 2 * NP

    start_in(slot_a, t, 0)

    def body(j, carry2):
      a_ch = 2 * j
      b_ch = 2 * j + 1
      start_in(slot_b, t, b_ch)
      wait_in(slot_a, t, a_ch)
      @pl.when(j > 0)
      def _():
        wait_scatter(slot_a)
      run_chunk(slot_a, qoff)
      start_in(slot_a, t, a_ch + 2)
      wait_in(slot_b, t, b_ch)
      @pl.when(j > 0)
      def _():
        wait_scatter(slot_b)
      run_chunk(slot_b, qoff)
      return carry2
    lax.fori_loop(0, (NCHUNK - 1) // 2, body, 0)

    wait_in(slot_a, t, NCHUNK - 1)
    wait_scatter(slot_a)
    run_chunk(slot_a, qoff)

    wait_scatter(slot_a)
    wait_scatter(slot_b)
    return carry

  lax.fori_loop(0, TPC, t_body, 0)

  plsc.subcore_barrier()

  def out_body(j, carry):
    piece = s + NS * j
    w = piece * OCP
    p = w // PLANE
    dst = w + p * PLANE + c * (TPC * 2 * NP)
    pltpu.sync_copy(acc_sh.at[pl.ds(w, OCP)], xb_buf.at[pl.ds(0, OCP)])
    pltpu.sync_copy(xb_buf.at[pl.ds(0, OCP)], out_hbm.at[pl.ds(dst, OCP)])
    return carry
  lax.fori_loop(0, ONP // NS, out_body, 0)


def _sc_edge_accumulate(ea_flat, ei_flat, x_flat):
  mesh = plsc.VectorSubcoreMesh(core_axis_name="c", subcore_axis_name="s")
  vmem_slot = [
      pltpu.VMEM((K,), jnp.float32),
      pltpu.VMEM((K,), jnp.int32),
      pltpu.VMEM((K,), jnp.int32),
      pltpu.VMEM((K,), jnp.float32),
      pltpu.VMEM((K,), jnp.float32),
      pltpu.VMEM((3 * K,), jnp.float32),
      pltpu.VMEM((3 * K,), jnp.int32),
  ]
  fn = pl.kernel(
      _sc_edge_body,
      out_type=jax.ShapeDtypeStruct((3 * OUT_PLANE,), jnp.float32),
      mesh=mesh,
      compiler_params=pltpu.CompilerParams(needs_layout_passes=False),
      scratch_types=[
          *vmem_slot,
          *vmem_slot,
          pltpu.VMEM((XB,), jnp.float32),
          pltpu.VMEM_SHARED((2 * N,), jnp.float32),
          pltpu.VMEM_SHARED((ACC_W,), jnp.float32),
          pltpu.SemaphoreType.DMA,
          pltpu.SemaphoreType.DMA,
          pltpu.SemaphoreType.DMA,
          pltpu.SemaphoreType.DMA,
          pltpu.SemaphoreType.DMA,
          pltpu.SemaphoreType.DMA,
      ],
  )
  return fn(ea_flat, ei_flat, x_flat)


BN = 2048
NB = NP // BN
TB = 4


def _dense_body(s0_ref, s1_ref, ct_ref, x_ref, bt_ref, w1_ref, w2_ref,
                wr_ref, bc_ref, po_ref):
  nb = pl.program_id(1)

  w1 = w1_ref[...]
  w2 = w2_ref[...]
  up = jnp.dot(w2, jnp.maximum(w1, 0.0),
               preferred_element_type=jnp.float32)
  un = jnp.dot(w2, jnp.maximum(-w1, 0.0),
               preferred_element_type=jnp.float32)
  wr = wr_ref[...]
  m7 = jnp.concatenate(
      [up[:H_GNN], up[H_GNN:], un[:H_GNN], un[H_GNN:],
       wr[:, 0:1], wr[:, 1:2], bc_ref[...]], axis=1)
  iota_g = lax.broadcasted_iota(jnp.int32, (G, BN), 0)
  ones_row = jnp.ones((1, BN), jnp.float32)
  ones_row_b = jnp.ones((1, BN), jnp.bfloat16)

  for tp in range(TB):
    rp_, rn_ = 2 * tp, 2 * tp + 1
    ap0 = s0_ref[0, rp_:rp_ + 1, :]
    an0 = s0_ref[0, rn_:rn_ + 1, :]
    ap1 = s1_ref[0, rp_:rp_ + 1, :]
    an1 = s1_ref[0, rn_:rn_ + 1, :]
    rcnt = 1.0 / jnp.maximum(
        ct_ref[0, rp_:rp_ + 1, :] + ct_ref[0, rn_:rn_ + 1, :], 1.0)
    x0 = x_ref[rp_:rp_ + 1, :]
    x1 = x_ref[rn_:rn_ + 1, :]
    bt = bt_ref[rp_:rp_ + 1, :]

    f7 = jnp.concatenate(
        [ap0 * rcnt, ap1 * rcnt, an0 * rcnt, an1 * rcnt,
         x0, x1, ones_row], axis=0)
    out_t = jnp.maximum(
        jnp.dot(m7, f7, preferred_element_type=jnp.float32),
        0.0).astype(jnp.bfloat16)

    ohf = (bt == iota_g).astype(jnp.bfloat16)
    pooled = lax.dot_general(out_t, ohf, (((1,), (1,)), ((), ())),
                             preferred_element_type=jnp.float32)
    pc = lax.dot_general(ones_row_b, ohf, (((1,), (1,)), ((), ())),
                         preferred_element_type=jnp.float32)

    @pl.when(nb == 0)
    def _():
      po_ref[0, tp, :H_GNN, :] = pooled
      po_ref[0, tp, H_GNN:, :] = pc

    @pl.when(nb != 0)
    def _():
      po_ref[0, tp, :H_GNN, :] += pooled
      po_ref[0, tp, H_GNN:, :] += pc


def _dense_pool(planes, x16, bt16, w1, w2, wr, bc):
  return pl.pallas_call(
      _dense_body,
      grid=(T // TB, NB),
      in_specs=[
          pl.BlockSpec((1, 2 * TB, BN), lambda rb, nb: (0, rb, nb)),
          pl.BlockSpec((1, 2 * TB, BN), lambda rb, nb: (1, rb, nb)),
          pl.BlockSpec((1, 2 * TB, BN), lambda rb, nb: (2, rb, nb)),
          pl.BlockSpec((2 * TB, BN), lambda rb, nb: (rb, nb)),
          pl.BlockSpec((2 * TB, BN), lambda rb, nb: (rb, nb)),
          pl.BlockSpec((16, 1), lambda rb, nb: (0, 0)),
          pl.BlockSpec((128, 16), lambda rb, nb: (0, 0)),
          pl.BlockSpec((G, 2), lambda rb, nb: (0, 0)),
          pl.BlockSpec((G, 1), lambda rb, nb: (0, 0)),
      ],
      out_specs=pl.BlockSpec((1, TB, H_GNN + 1, G), lambda rb, nb: (rb, 0, 0, 0)),
      out_shape=jax.ShapeDtypeStruct((T // TB, TB, H_GNN + 1, G), jnp.float32),
  )(planes, planes, planes, x16, bt16, w1, w2, wr, bc)


def _gru_body(po_ref, wih_ref, whh_ref, bih_ref, bhh_ref, wfc_ref, bfc_ref,
              out_ref):
  wih = wih_ref[...]
  whh = whh_ref[...]
  bih = bih_ref[...]
  bhh = bhh_ref[...]
  h = jnp.zeros((H_GRU, G), jnp.float32)
  for t in range(T):
    pot = po_ref[t]
    seq_t = pot[:H_GNN, :] / jnp.maximum(pot[H_GNN:, :], 1.0)
    gx = jnp.dot(wih, seq_t, preferred_element_type=jnp.float32) + bih
    gh = jnp.dot(whh, h, preferred_element_type=jnp.float32) + bhh
    r = jax.nn.sigmoid(gx[:H_GRU] + gh[:H_GRU])
    z = jax.nn.sigmoid(gx[H_GRU:2 * H_GRU] + gh[H_GRU:2 * H_GRU])
    nn = jnp.tanh(gx[2 * H_GRU:] + r * gh[2 * H_GRU:])
    h = (1.0 - z) * nn + z * h
  logit = jnp.dot(wfc_ref[...], h, preferred_element_type=jnp.float32)
  out_ref[...] = jax.nn.sigmoid(logit + bfc_ref[...])


def _gru(po, wih, whh, bih, bhh, wfc, bfc):
  return pl.pallas_call(
      _gru_body,
      out_shape=jax.ShapeDtypeStruct((1, G), jnp.float32),
  )(po, wih, whh, bih, bhh, wfc, bfc)


@jax.jit
def kernel(x_list, edge_index_list, edge_attr_list, batch_list, W1, b1, W2, b2,
           W_root, b_conv, W_ih, W_hh, b_ih, b_hh, W_fc, b_fc):
  ea_flat = edge_attr_list.reshape(T * E)
  ei_flat = edge_index_list.reshape(T * 2 * E)
  xt = x_list.transpose(0, 2, 1)
  x_flat = xt.reshape(T * 2 * N)

  acc = _sc_edge_accumulate(ea_flat, ei_flat, x_flat)
  planes = acc.reshape(3, T * 2, NP)

  x16 = jnp.pad(xt.reshape(T * 2, N),
                ((0, 0), (0, NP - N)))
  bt16 = jnp.pad(jnp.repeat(batch_list, 2, axis=0),
                 ((0, 0), (0, NP - N)), constant_values=G)

  po4 = _dense_pool(planes, x16, bt16, W1, W2, W_root,
                    b_conv.reshape(G, 1))
  po = po4.reshape(T, H_GNN + 1, G)

  out = _gru(po, W_ih, W_hh, b_ih.reshape(3 * H_GRU, 1),
             b_hh.reshape(3 * H_GRU, 1), W_fc, b_fc.reshape(1, 1))
  return out.reshape(G)

# --- scband reference (transcript-rebuilt; emitter-appended) ---
"""Pipeline reference for scband-leak-stgnn-67662914781624 (READ-ONLY COPY).

The authoritative reference and input builder live on the scoring server;
editing this copy changes nothing except your own understanding.
"""

import jax, jax.numpy as jnp
import numpy as np

T, N, E, G = 8, 50000, 800000, 64
NODE_IN, EDGE_IN, H_GNN, H_GRU = 2, 1, 64, 32


def setup_inputs(seed: int = 0) -> dict:
    key = jax.random.key(seed)
    ks = jax.random.split(key, 20)
    x_list = jax.random.normal(ks[0], (T, N, NODE_IN), dtype=jnp.float32)
    edge_index_list = jax.random.randint(ks[1], (T, 2, E), 0, N, dtype=jnp.int32)
    edge_attr_list = jax.random.normal(ks[2], (T, E, EDGE_IN), dtype=jnp.float32)
    batch_list = jnp.sort(jax.random.randint(ks[3], (T, N), 0, G, dtype=jnp.int32), axis=-1)
    s = 0.1
    W1 = jax.random.normal(ks[4], (16, EDGE_IN), dtype=jnp.float32) * s
    b1 = jnp.zeros((16,), jnp.float32)
    W2 = jax.random.normal(ks[5], (NODE_IN * H_GNN, 16), dtype=jnp.float32) * s
    b2 = jnp.zeros((NODE_IN * H_GNN,), jnp.float32)
    W_root = jax.random.normal(ks[6], (H_GNN, NODE_IN), dtype=jnp.float32) * s
    b_conv = jnp.zeros((H_GNN,), jnp.float32)
    W_ih = jax.random.normal(ks[7], (3 * H_GRU, H_GNN), dtype=jnp.float32) * s
    W_hh = jax.random.normal(ks[8], (3 * H_GRU, H_GRU), dtype=jnp.float32) * s
    b_ih = jnp.zeros((3 * H_GRU,), jnp.float32)
    b_hh = jnp.zeros((3 * H_GRU,), jnp.float32)
    W_fc = jax.random.normal(ks[9], (1, H_GRU), dtype=jnp.float32) * s
    b_fc = jnp.zeros((1,), jnp.float32)
    return {"x_list": x_list, "edge_index_list": edge_index_list, "edge_attr_list": edge_attr_list,
            "batch_list": batch_list, "W1": W1, "b1": b1, "W2": W2, "b2": b2,
            "W_root": W_root, "b_conv": b_conv, "W_ih": W_ih, "W_hh": W_hh,
            "b_ih": b_ih, "b_hh": b_hh, "W_fc": W_fc, "b_fc": b_fc}


def reference(x_list, edge_index_list, edge_attr_list, batch_list,
              W1, b1, W2, b2, W_root, b_conv, W_ih, W_hh, b_ih, b_hh, W_fc, b_fc):
    pooled_list = []
    for t in range(T):
        x = x_list[t]
        ei = edge_index_list[t]
        ea = edge_attr_list[t]
        bt = batch_list[t]
        # edge network: Linear(edge_in,16) -> ReLU -> Linear(16, node_in*hidden_gnn)
        h = jax.nn.relu(ea @ W1.T + b1)
        w_edge = (h @ W2.T + b2).reshape(E, NODE_IN, H_GNN)
        src = ei[0]
        dst = ei[1]
        # NNConv message: x_src (per-edge) times edge-conditioned weight, aggr='mean' by dst
        msg = jnp.einsum('ei,eio->eo', x[src], w_edge)
        s = jax.ops.segment_sum(msg, dst, num_segments=N)
        cnt = jax.ops.segment_sum(jnp.ones((E,), jnp.float32), dst, num_segments=N)
        agg = s / jnp.maximum(cnt, 1.0)[:, None]
        out = agg + x @ W_root.T + b_conv
        x2 = jax.nn.relu(out)
        # global_mean_pool over graph ids
        ps = jax.ops.segment_sum(x2, bt, num_segments=G)
        pc = jax.ops.segment_sum(jnp.ones((N,), jnp.float32), bt, num_segments=G)
        pooled = ps / jnp.maximum(pc, 1.0)[:, None]
        pooled_list.append(pooled[:, None, :])
    seq = jnp.concatenate(pooled_list, axis=1)  # [G, T, H_GNN]
    # GRU (batch_first) unrolled
    h = jnp.zeros((G, H_GRU), jnp.float32)
    for t in range(T):
        gx = seq[:, t] @ W_ih.T + b_ih
        gh = h @ W_hh.T + b_hh
        r = jax.nn.sigmoid(gx[:, :H_GRU] + gh[:, :H_GRU])
        z = jax.nn.sigmoid(gx[:, H_GRU:2 * H_GRU] + gh[:, H_GRU:2 * H_GRU])
        n = jnp.tanh(gx[:, 2 * H_GRU:] + r * gh[:, 2 * H_GRU:])
        h = (1.0 - z) * n + z * h
    return jax.nn.sigmoid(h @ W_fc.T + b_fc).squeeze(1)

if __name__ == "__main__":
    import jax
    _d = setup_inputs()
    print(jax.jit(kernel)(*tuple(_d.values())))

</pallas_src>

<mosaic_0001>
#map = affine_map<(d0, d1) -> (0)>
module attributes {stable_mosaic.version = 14 : i64} {
  func.func @_sc_edge_body(%arg0: i32, %arg1: i32, %arg2: memref<6400000xf32, #tpu.memory_space<hbm>>, %arg3: memref<12800000xi32, #tpu.memory_space<hbm>>, %arg4: memref<800000xf32, #tpu.memory_space<hbm>>, %arg5: memref<2457600xf32, #tpu.memory_space<hbm>>, %arg6: memref<2000xf32, #tpu.memory_space<vmem>>, %arg7: memref<2000xi32, #tpu.memory_space<vmem>>, %arg8: memref<2000xi32, #tpu.memory_space<vmem>>, %arg9: memref<2000xf32, #tpu.memory_space<vmem>>, %arg10: memref<2000xf32, #tpu.memory_space<vmem>>, %arg11: memref<6000xf32, #tpu.memory_space<vmem>>, %arg12: memref<6000xi32, #tpu.memory_space<vmem>>, %arg13: memref<2000xf32, #tpu.memory_space<vmem>>, %arg14: memref<2000xi32, #tpu.memory_space<vmem>>, %arg15: memref<2000xi32, #tpu.memory_space<vmem>>, %arg16: memref<2000xf32, #tpu.memory_space<vmem>>, %arg17: memref<2000xf32, #tpu.memory_space<vmem>>, %arg18: memref<6000xf32, #tpu.memory_space<vmem>>, %arg19: memref<6000xi32, #tpu.memory_space<vmem>>, %arg20: memref<2000xf32, #tpu.memory_space<vmem>>, %arg21: memref<100000xf32, #tpu.memory_space<vmem_shared>>, %arg22: memref<1228800xf32, #tpu.memory_space<vmem_shared>>, %arg23: memref<!tpu.dma_semaphore, #tpu.memory_space<semaphore_mem>>, %arg24: memref<!tpu.dma_semaphore, #tpu.memory_space<semaphore_mem>>, %arg25: memref<!tpu.dma_semaphore, #tpu.memory_space<semaphore_mem>>, %arg26: memref<!tpu.dma_semaphore, #tpu.memory_space<semaphore_mem>>, %arg27: memref<!tpu.dma_semaphore, #tpu.memory_space<semaphore_mem>>, %arg28: memref<!tpu.dma_semaphore, #tpu.memory_space<semaphore_mem>>) attributes {dimension_semantics = [#tpu.dimension_semantics<core_parallel>, #tpu.dimension_semantics<subcore_parallel>], iteration_bounds = array<i64: 2, 16>, scalar_prefetch = 0 : i64, scratch_operands = 23 : i64, tpu.core_type = #tpu.core_type<sc_vector_subcore>, window_params = [{transform_indices = #map}, {transform_indices = #map}, {transform_indices = #map}, {transform_indices = #map}]} {
    %scan3A = arith.constant 0 : i32
    %scan3A_0 = arith.constant 0 : i32
    %scan3A_1 = arith.constant 375 : i32
    %scan3A_2 = arith.addi %scan3A_0, %scan3A_1 : i32
    %scan3A_3 = arith.constant 1 : i32
    scf.for %scan3A_30 = %scan3A_0 to %scan3A_2 step %scan3A_3  : i32 {
      %broadcast_in_dim3A = arith.constant 0.000000e+00 : f32
      %broadcast_in_dim3A_31 = vector.broadcast %broadcast_in_dim3A : f32 to vector<16xf32>
      %mul3A_32 = arith.constant 16 : i32
      %mul3A_33 = arith.muli %scan3A_30, %mul3A_32 : i32
      %swap3A = arith.index_cast %mul3A_33 : i32 to index
      %swap3A_34 = tpu.vector_load %arg11[%swap3A] {strides = array<i32>} : memref<6000xf32, #tpu.memory_space<vmem>>, vector<16xf32>,
      tpu.vector_store %arg11[%swap3A], %broadcast_in_dim3A_31 {strides = array<i32>} : memref<6000xf32, #tpu.memory_space<vmem>>, vector<16xf32>,
      %broadcast_in_dim3A_35 = arith.constant 0.000000e+00 : f32
      %broadcast_in_dim3A_36 = vector.broadcast %broadcast_in_dim3A_35 : f32 to vector<16xf32>
      %mul3A_37 = arith.constant 16 : i32
      %mul3A_38 = arith.muli %scan3A_30, %mul3A_37 : i32
      %swap3A_39 = arith.index_cast %mul3A_38 : i32 to index
      %swap3A_40 = tpu.vector_load %arg18[%swap3A_39] {strides = array<i32>} : memref<6000xf32, #tpu.memory_space<vmem>>, vector<16xf32>,
      tpu.vector_store %arg18[%swap3A_39], %broadcast_in_dim3A_36 {strides = array<i32>} : memref<6000xf32, #tpu.memory_space<vmem>>, vector<16xf32>,
    }
    %scan3A_4 = arith.constant 375 : i32
    %mul3A = arith.constant 76800 : i32
    %mul3A_5 = arith.muli %arg1, %mul3A : i32
    %scan3A_6 = arith.constant 0 : i32
    %scan3A_7 = arith.constant 0 : i32
    %scan3A_8 = arith.constant 13 : i32
    %scan3A_9 = arith.addi %scan3A_7, %scan3A_8 : i32
    %scan3A_10 = arith.constant 1 : i32
    scf.for %scan3A_30 = %scan3A_7 to %scan3A_9 step %scan3A_10  : i32 {
      %mul3A_31 = arith.constant 6000 : i32
      %mul3A_32 = arith.muli %scan3A_30, %mul3A_31 : i32
      %min3A = arith.constant 70800 : i32
      %min3A_33 = arith.minsi %mul3A_32, %min3A : i32
      %add3A = arith.addi %mul3A_5, %min3A_33 : i32
      "tpu.region"() ({
        %run_scoped3A = tpu.sem_alloc : memref<!tpu.dma_semaphore, #tpu.memory_space<semaphore_mem>>
        %dma_start3A = tpu.memref_slice %arg22[%add3A] : memref<1228800xf32, #tpu.memory_space<vmem_shared>> -> memref<6000xf32, #tpu.memory_space<vmem_shared>>
        %dma_start3A_34 = tpu.memref_slice %arg22[%add3A] : memref<1228800xf32, #tpu.memory_space<vmem_shared>> -> memref<6000xf32, #tpu.memory_space<vmem_shared>>
        tpu.enqueue_dma source(%arg11 : memref<6000xf32, #tpu.memory_space<vmem>>) target(%dma_start3A_34 : memref<6000xf32, #tpu.memory_space<vmem_shared>>) target_semaphore(%run_scoped3A : memref<!tpu.dma_semaphore, #tpu.memory_space<semaphore_mem>>)
        %dma_wait3A = tpu.memref_slice %arg22[%add3A] : memref<1228800xf32, #tpu.memory_space<vmem_shared>> -> memref<6000xf32, #tpu.memory_space<vmem_shared>>
        %dma_wait3A_35 = tpu.memref_slice %arg22[%add3A] : memref<1228800xf32, #tpu.memory_space<vmem_shared>> -> memref<6000xf32, #tpu.memory_space<vmem_shared>>
        tpu.wait_dma2 semaphore(%run_scoped3A : memref<!tpu.dma_semaphore, #tpu.memory_space<semaphore_mem>>) src(%arg11 : memref<6000xf32, #tpu.memory_space<vmem>>) dst(%dma_wait3A_35 : memref<6000xf32, #tpu.memory_space<vmem_shared>>)
        tpu.yield
      }) : () -> ()
    }
    %scan3A_11 = arith.constant 13 : i32
    %scan3A_12 = arith.constant 0 : i32
    %scan3A_13 = arith.constant 0 : i32
    %scan3A_14 = arith.constant 125 : i32
    %scan3A_15 = arith.addi %scan3A_13, %scan3A_14 : i32
    %scan3A_16 = arith.constant 1 : i32
    scf.for %scan3A_30 = %scan3A_13 to %scan3A_15 step %scan3A_16  : i32 {
      %broadcast_in_dim3A = arith.constant 1.000000e+00 : f32
      %broadcast_in_dim3A_31 = vector.broadcast %broadcast_in_dim3A : f32 to vector<16xf32>
      %mul3A_32 = arith.constant 16 : i32
      %mul3A_33 = arith.muli %scan3A_30, %mul3A_32 : i32
      %add3A = arith.constant 4000 : i32
      %add3A_34 = arith.addi %add3A, %mul3A_33 : i32
      %swap3A = arith.index_cast %add3A_34 : i32 to index
      %swap3A_35 = tpu.vector_load %arg11[%swap3A] {strides = array<i32>} : memref<6000xf32, #tpu.memory_space<vmem>>, vector<16xf32>,
      tpu.vector_store %arg11[%swap3A], %broadcast_in_dim3A_31 {strides = array<i32>} : memref<6000xf32, #tpu.memory_space<vmem>>, vector<16xf32>,
      %broadcast_in_dim3A_36 = arith.constant 1.000000e+00 : f32
      %broadcast_in_dim3A_37 = vector.broadcast %broadcast_in_dim3A_36 : f32 to vector<16xf32>
      %mul3A_38 = arith.constant 16 : i32
      %mul3A_39 = arith.muli %scan3A_30, %mul3A_38 : i32
      %add3A_40 = arith.constant 4000 : i32
      %add3A_41 = arith.addi %add3A_40, %mul3A_39 : i32
      %swap3A_42 = arith.index_cast %add3A_41 : i32 to index
      %swap3A_43 = tpu.vector_load %arg18[%swap3A_42] {strides = array<i32>} : memref<6000xf32, #tpu.memory_space<vmem>>, vector<16xf32>,
      tpu.vector_store %arg18[%swap3A_42], %broadcast_in_dim3A_37 {strides = array<i32>} : memref<6000xf32, #tpu.memory_space<vmem>>, vector<16xf32>,
    }
    %scan3A_17 = arith.constant 125 : i32
    %scan3A_18 = arith.constant 0 : i32
    %scan3A_19 = arith.constant 0 : i32
    %scan3A_20 = arith.constant 4 : i32
    %scan3A_21 = arith.addi %scan3A_19, %scan3A_20 : i32
    %scan3A_22 = arith.constant 1 : i32
    scf.for %scan3A_30 = %scan3A_19 to %scan3A_21 step %scan3A_22  : i32 {
      %mul3A_31 = arith.constant 4 : i32
      %mul3A_32 = arith.muli %arg0, %mul3A_31 : i32
      %add3A = arith.addi %mul3A_32, %scan3A_30 : i32
      %barrier3A_33 = arith.constant 0 : index
      tpu.barrier barrier_id(%barrier3A_33)
      %scan3A_34 = arith.constant 0 : i32
      %scan3A_35 = arith.constant 0 : i32
      %scan3A_36 = arith.constant 4 : i32
      %scan3A_37 = arith.addi %scan3A_35, %scan3A_36 : i32
      %scan3A_38 = arith.constant 1 : i32
      scf.for %scan3A_125 = %scan3A_35 to %scan3A_37 step %scan3A_38  : i32 {
        %mul3A_126 = arith.constant 16 : i32
        %mul3A_127 = arith.muli %mul3A_126, %scan3A_125 : i32
        %add3A_128 = arith.addi %arg1, %mul3A_127 : i32
        %lt3A = arith.constant 50 : i32
        %lt3A_129 = arith.cmpi slt, %add3A_128, %lt3A : i32
        %convert_element_type3A = arith.extui %lt3A_129 : i1 to i32
        %cond3A = arith.constant 0 : i32
        %cond3A_130 = arith.cmpi ne, %convert_element_type3A, %cond3A : i32
        scf.if %cond3A_130 {
          %mul3A_131 = arith.constant 2000 : i32
          %mul3A_132 = arith.muli %add3A_128, %mul3A_131 : i32
          %mul3A_133 = arith.constant 2 : i32
          %mul3A_134 = arith.muli %add3A, %mul3A_133 : i32
          %mul3A_135 = arith.constant 50000 : i32
          %mul3A_136 = arith.muli %mul3A_134, %mul3A_135 : i32
          %add3A_137 = arith.addi %mul3A_136, %mul3A_132 : i32
          "tpu.region"() ({
            %run_scoped3A = tpu.sem_alloc : memref<!tpu.dma_semaphore, #tpu.memory_space<semaphore_mem>>
            %dma_start3A_138 = tpu.memref_slice %arg4[%add3A_137] : memref<800000xf32, #tpu.memory_space<hbm>> -> memref<2000xf32, #tpu.memory_space<hbm>>
            %dma_start3A_139 = tpu.memref_slice %arg4[%add3A_137] : memref<800000xf32, #tpu.memory_space<hbm>> -> memref<2000xf32, #tpu.memory_space<hbm>>
            tpu.enqueue_dma source(%dma_start3A_139 : memref<2000xf32, #tpu.memory_space<hbm>>) target(%arg20 : memref<2000xf32, #tpu.memory_space<vmem>>) target_semaphore(%run_scoped3A : memref<!tpu.dma_semaphore, #tpu.memory_space<semaphore_mem>>)
            %dma_wait3A_140 = tpu.memref_slice %arg4[%add3A_137] : memref<800000xf32, #tpu.memory_space<hbm>> -> memref<2000xf32, #tpu.memory_space<hbm>>
            %dma_wait3A_141 = tpu.memref_slice %arg4[%add3A_137] : memref<800000xf32, #tpu.memory_space<hbm>> -> memref<2000xf32, #tpu.memory_space<hbm>>
            tpu.wait_dma2 semaphore(%run_scoped3A : memref<!tpu.dma_semaphore, #tpu.memory_space<semaphore_mem>>) src(%dma_wait3A_141 : memref<2000xf32, #tpu.memory_space<hbm>>) dst(%arg20 : memref<2000xf32, #tpu.memory_space<vmem>>)
            tpu.yield
          }) : () -> ()
          "tpu.region"() ({
            %run_scoped3A = tpu.sem_alloc : memref<!tpu.dma_semaphore, #tpu.memory_space<semaphore_mem>>
            %dma_start3A_138 = tpu.memref_slice %arg21[%mul3A_132] : memref<100000xf32, #tpu.memory_space<vmem_shared>> -> memref<2000xf32, #tpu.memory_space<vmem_shared>>
            %dma_start3A_139 = tpu.memref_slice %arg21[%mul3A_132] : memref<100000xf32, #tpu.memory_space<vmem_shared>> -> memref<2000xf32, #tpu.memory_space<vmem_shared>>
            tpu.enqueue_dma source(%arg20 : memref<2000xf32, #tpu.memory_space<vmem>>) target(%dma_start3A_139 : memref<2000xf32, #tpu.memory_space<vmem_shared>>) target_semaphore(%run_scoped3A : memref<!tpu.dma_semaphore, #tpu.memory_space<semaphore_mem>>)
            %dma_wait3A_140 = tpu.memref_slice %arg21[%mul3A_132] : memref<100000xf32, #tpu.memory_space<vmem_shared>> -> memref<2000xf32, #tpu.memory_space<vmem_shared>>
            %dma_wait3A_141 = tpu.memref_slice %arg21[%mul3A_132] : memref<100000xf32, #tpu.memory_space<vmem_shared>> -> memref<2000xf32, #tpu.memory_space<vmem_shared>>
            tpu.wait_dma2 semaphore(%run_scoped3A : memref<!tpu.dma_semaphore, #tpu.memory_space<semaphore_mem>>) src(%arg20 : memref<2000xf32, #tpu.memory_space<vmem>>) dst(%dma_wait3A_141 : memref<2000xf32, #tpu.memory_space<vmem_shared>>)
            tpu.yield
          }) : () -> ()
        } else {
        }
      }
      %scan3A_39 = arith.constant 4 : i32
      %barrier3A_40 = arith.constant 0 : index
      tpu.barrier barrier_id(%barrier3A_40)
      %mul3A_41 = arith.constant 2 : i32
      %mul3A_42 = arith.muli %scan3A_30, %mul3A_41 : i32
      %mul3A_43 = arith.constant 51200 : i32
      %mul3A_44 = arith.muli %mul3A_42, %mul3A_43 : i32
      %mul3A_45 = arith.constant 800000 : i32
      %mul3A_46 = arith.muli %add3A, %mul3A_45 : i32
      %mul3A_47 = arith.constant 50000 : i32
      %mul3A_48 = arith.muli %arg1, %mul3A_47 : i32
      %add3A_49 = arith.addi %mul3A_46, %mul3A_48 : i32
      %add3A_50 = arith.constant 0 : i32
      %add3A_51 = arith.addi %add3A_49, %add3A_50 : i32
      %mul3A_52 = arith.constant 2 : i32
      %mul3A_53 = arith.muli %add3A, %mul3A_52 : i32
      %mul3A_54 = arith.constant 800000 : i32
      %mul3A_55 = arith.muli %mul3A_53, %mul3A_54 : i32
      %mul3A_56 = arith.constant 50000 : i32
      %mul3A_57 = arith.muli %arg1, %mul3A_56 : i32
      %add3A_58 = arith.addi %mul3A_55, %mul3A_57 : i32
      %add3A_59 = arith.constant 0 : i32
      %add3A_60 = arith.addi %add3A_58, %add3A_59 : i32
      %dma_start3A = tpu.memref_slice %arg2[%add3A_51] : memref<6400000xf32, #tpu.memory_space<hbm>> -> memref<2000xf32, #tpu.memory_space<hbm>>
      %dma_start3A_61 = tpu.memref_slice %arg2[%add3A_51] : memref<6400000xf32, #tpu.memory_space<hbm>> -> memref<2000xf32, #tpu.memory_space<hbm>>
      tpu.enqueue_dma source(%dma_start3A_61 : memref<2000xf32, #tpu.memory_space<hbm>>) target(%arg6 : memref<2000xf32, #tpu.memory_space<vmem>>) target_semaphore(%arg23 : memref<!tpu.dma_semaphore, #tpu.memory_space<semaphore_mem>>)
      %dma_start3A_62 = tpu.memref_slice %arg3[%add3A_60] : memref<12800000xi32, #tpu.memory_space<hbm>> -> memref<2000xi32, #tpu.memory_space<hbm>>
      %dma_start3A_63 = tpu.memref_slice %arg3[%add3A_60] : memref<12800000xi32, #tpu.memory_space<hbm>> -> memref<2000xi32, #tpu.memory_space<hbm>>
      tpu.enqueue_dma source(%dma_start3A_63 : memref<2000xi32, #tpu.memory_space<hbm>>) target(%arg7 : memref<2000xi32, #tpu.memory_space<vmem>>) target_semaphore(%arg23 : memref<!tpu.dma_semaphore, #tpu.memory_space<semaphore_mem>>)
      %add3A_64 = arith.constant 800000 : i32
      %add3A_65 = arith.addi %add3A_60, %add3A_64 : i32
      %dma_start3A_66 = tpu.memref_slice %arg3[%add3A_65] : memref<12800000xi32, #tpu.memory_space<hbm>> -> memref<2000xi32, #tpu.memory_space<hbm>>
      %dma_start3A_67 = tpu.memref_slice %arg3[%add3A_65] : memref<12800000xi32, #tpu.memory_space<hbm>> -> memref<2000xi32, #tpu.memory_space<hbm>>
      tpu.enqueue_dma source(%dma_start3A_67 : memref<2000xi32, #tpu.memory_space<hbm>>) target(%arg8 : memref<2000xi32, #tpu.memory_space<vmem>>) target_semaphore(%arg23 : memref<!tpu.dma_semaphore, #tpu.memory_space<semaphore_mem>>)
      %scan3A_68 = arith.constant 0 : i32
      %scan3A_69 = arith.constant 0 : i32
      %scan3A_70 = arith.constant 12 : i32
      %scan3A_71 = arith.addi %scan3A_69, %scan3A_70 : i32
      %scan3A_72 = arith.constant 1 : i32
      scf.for %scan3A_125 = %scan3A_69 to %scan3A_71 step %scan3A_72  : i32 {
        %mul3A_126 = arith.constant 2 : i32
        %mul3A_127 = arith.muli %mul3A_126, %scan3A_125 : i32
        %mul3A_128 = arith.constant 2 : i32
        %mul3A_129 = arith.muli %mul3A_128, %scan3A_125 : i32
        %add3A_130 = arith.constant 1 : i32
        %add3A_131 = arith.addi %mul3A_129, %add3A_130 : i32
        %mul3A_132 = arith.constant 800000 : i32
        %mul3A_133 = arith.muli %add3A, %mul3A_132 : i32
        %mul3A_134 = arith.constant 50000 : i32
        %mul3A_135 = arith.muli %arg1, %mul3A_134 : i32
        %add3A_136 = arith.addi %mul3A_133, %mul3A_135 : i32
        %mul3A_137 = arith.constant 2000 : i32
        %mul3A_138 = arith.muli %add3A_131, %mul3A_137 : i32
        %add3A_139 = arith.addi %add3A_136, %mul3A_138 : i32
        %mul3A_140 = arith.constant 2 : i32
        %mul3A_141 = arith.muli %add3A, %mul3A_140 : i32
        %mul3A_142 = arith.constant 800000 : i32
        %mul3A_143 = arith.muli %mul3A_141, %mul3A_142 : i32
        %mul3A_144 = arith.constant 50000 : i32
        %mul3A_145 = arith.muli %arg1, %mul3A_144 : i32
        %add3A_146 = arith.addi %mul3A_143, %mul3A_145 : i32
        %mul3A_147 = arith.constant 2000 : i32
        %mul3A_148 = arith.muli %add3A_131, %mul3A_147 : i32
        %add3A_149 = arith.addi %add3A_146, %mul3A_148 : i32
        %dma_start3A_150 = tpu.memref_slice %arg2[%add3A_139] : memref<6400000xf32, #tpu.memory_space<hbm>> -> memref<2000xf32, #tpu.memory_space<hbm>>
        %dma_start3A_151 = tpu.memref_slice %arg2[%add3A_139] : memref<6400000xf32, #tpu.memory_space<hbm>> -> memref<2000xf32, #tpu.memory_space<hbm>>
        tpu.enqueue_dma source(%dma_start3A_151 : memref<2000xf32, #tpu.memory_space<hbm>>) target(%arg13 : memref<2000xf32, #tpu.memory_space<vmem>>) target_semaphore(%arg24 : memref<!tpu.dma_semaphore, #tpu.memory_space<semaphore_mem>>)
        %dma_start3A_152 = tpu.memref_slice %arg3[%add3A_149] : memref<12800000xi32, #tpu.memory_space<hbm>> -> memref<2000xi32, #tpu.memory_space<hbm>>
        %dma_start3A_153 = tpu.memref_slice %arg3[%add3A_149] : memref<12800000xi32, #tpu.memory_space<hbm>> -> memref<2000xi32, #tpu.memory_space<hbm>>
        tpu.enqueue_dma source(%dma_start3A_153 : memref<2000xi32, #tpu.memory_space<hbm>>) target(%arg14 : memref<2000xi32, #tpu.memory_space<vmem>>) target_semaphore(%arg24 : memref<!tpu.dma_semaphore, #tpu.memory_space<semaphore_mem>>)
        %add3A_154 = arith.constant 800000 : i32
        %add3A_155 = arith.addi %add3A_149, %add3A_154 : i32
        %dma_start3A_156 = tpu.memref_slice %arg3[%add3A_155] : memref<12800000xi32, #tpu.memory_space<hbm>> -> memref<2000xi32, #tpu.memory_space<hbm>>
        %dma_start3A_157 = tpu.memref_slice %arg3[%add3A_155] : memref<12800000xi32, #tpu.memory_space<hbm>> -> memref<2000xi32, #tpu.memory_space<hbm>>
        tpu.enqueue_dma source(%dma_start3A_157 : memref<2000xi32, #tpu.memory_space<hbm>>) target(%arg15 : memref<2000xi32, #tpu.memory_space<vmem>>) target_semaphore(%arg24 : memref<!tpu.dma_semaphore, #tpu.memory_space<semaphore_mem>>)
        %mul3A_158 = arith.constant 800000 : i32
        %mul3A_159 = arith.muli %add3A, %mul3A_158 : i32
        %mul3A_160 = arith.constant 50000 : i32
        %mul3A_161 = arith.muli %arg1, %mul3A_160 : i32
        %add3A_162 = arith.addi %mul3A_159, %mul3A_161 : i32
        %mul3A_163 = arith.constant 2000 : i32
        %mul3A_164 = arith.muli %mul3A_127, %mul3A_163 : i32
        %add3A_165 = arith.addi %add3A_162, %mul3A_164 : i32
        %mul3A_166 = arith.constant 2 : i32
        %mul3A_167 = arith.muli %add3A, %mul3A_166 : i32
        %mul3A_168 = arith.constant 800000 : i32
        %mul3A_169 = arith.muli %mul3A_167, %mul3A_168 : i32
        %mul3A_170 = arith.constant 50000 : i32
        %mul3A_171 = arith.muli %arg1, %mul3A_170 : i32
        %add3A_172 = arith.addi %mul3A_169, %mul3A_171 : i32
        %mul3A_173 = arith.constant 2000 : i32
        %mul3A_174 = arith.muli %mul3A_127, %mul3A_173 : i32
        %add3A_175 = arith.addi %add3A_172, %mul3A_174 : i32
        %dma_wait3A_176 = tpu.memref_slice %arg2[%add3A_165] : memref<6400000xf32, #tpu.memory_space<hbm>> -> memref<2000xf32, #tpu.memory_space<hbm>>
        %dma_wait3A_177 = tpu.memref_slice %arg2[%add3A_165] : memref<6400000xf32, #tpu.memory_space<hbm>> -> memref<2000xf32, #tpu.memory_space<hbm>>
        tpu.wait_dma2 semaphore(%arg23 : memref<!tpu.dma_semaphore, #tpu.memory_space<semaphore_mem>>) src(%dma_wait3A_177 : memref<2000xf32, #tpu.memory_space<hbm>>) dst(%arg6 : memref<2000xf32, #tpu.memory_space<vmem>>)
        %dma_wait3A_178 = tpu.memref_slice %arg3[%add3A_175] : memref<12800000xi32, #tpu.memory_space<hbm>> -> memref<2000xi32, #tpu.memory_space<hbm>>
        %dma_wait3A_179 = tpu.memref_slice %arg3[%add3A_175] : memref<12800000xi32, #tpu.memory_space<hbm>> -> memref<2000xi32, #tpu.memory_space<hbm>>
        tpu.wait_dma2 semaphore(%arg23 : memref<!tpu.dma_semaphore, #tpu.memory_space<semaphore_mem>>) src(%dma_wait3A_179 : memref<2000xi32, #tpu.memory_space<hbm>>) dst(%arg7 : memref<2000xi32, #tpu.memory_space<vmem>>)
        %add3A_180 = arith.constant 800000 : i32
        %add3A_181 = arith.addi %add3A_175, %add3A_180 : i32
        %dma_wait3A_182 = tpu.memref_slice %arg3[%add3A_181] : memref<12800000xi32, #tpu.memory_space<hbm>> -> memref<2000xi32, #tpu.memory_space<hbm>>
        %dma_wait3A_183 = tpu.memref_slice %arg3[%add3A_181] : memref<12800000xi32, #tpu.memory_space<hbm>> -> memref<2000xi32, #tpu.memory_space<hbm>>
        tpu.wait_dma2 semaphore(%arg23 : memref<!tpu.dma_semaphore, #tpu.memory_space<semaphore_mem>>) src(%dma_wait3A_183 : memref<2000xi32, #tpu.memory_space<hbm>>) dst(%arg8 : memref<2000xi32, #tpu.memory_space<vmem>>)
        %gt3A = arith.constant 0 : i32
        %gt3A_184 = arith.cmpi sgt, %scan3A_125, %gt3A : i32
        %convert_element_type3A = arith.extui %gt3A_184 : i1 to i32
        %cond3A = arith.constant 0 : i32
        %cond3A_185 = arith.cmpi ne, %convert_element_type3A, %cond3A : i32
        scf.if %cond3A_185 {
          %dma_wait3A_289 = arith.constant 0 : i32
          %dma_wait3A_290 = tpu.memref_slice %arg22[%dma_wait3A_289] : memref<1228800xf32, #tpu.memory_space<vmem_shared>> -> memref<1228800xf32, #tpu.memory_space<vmem_shared>>
          tpu.wait_indirect_dma semaphore(%arg27 : memref<!tpu.dma_semaphore, #tpu.memory_space<semaphore_mem>>) src(%arg11 : memref<6000xf32, #tpu.memory_space<vmem>>) dst(%dma_wait3A_290 : memref<1228800xf32, #tpu.memory_space<vmem_shared>>)
        } else {
        }
        %scan3A_186 = arith.constant 0 : i32
        %scan3A_187 = arith.constant 0 : i32
        %scan3A_188 = arith.constant 125 : i32
        %scan3A_189 = arith.addi %scan3A_187, %scan3A_188 : i32
        %scan3A_190 = arith.constant 1 : i32
        scf.for %scan3A_289 = %scan3A_187 to %scan3A_189 step %scan3A_190  : i32 {
          %mul3A_290 = arith.constant 16 : i32
          %mul3A_291 = arith.muli %scan3A_289, %mul3A_290 : i32
          %get3A = arith.index_cast %mul3A_291 : i32 to index
          %get3A_292 = tpu.vector_load %arg6[%get3A] {strides = array<i32>} : memref<2000xf32, #tpu.memory_space<vmem>>, vector<16xf32>,
          %get3A_293 = arith.index_cast %mul3A_291 : i32 to index
          %get3A_294 = tpu.vector_load %arg8[%get3A_293] {strides = array<i32>} : memref<2000xi32, #tpu.memory_space<vmem>>, vector<16xi32>,
          %lt3A = arith.constant 0.000000e+00 : f32
          %lt3A_295 = vector.broadcast %lt3A : f32 to vector<16xf32>
          %lt3A_296 = arith.cmpf olt, %get3A_292, %lt3A_295 : vector<16xf32>
          %convert_element_type3A_297 = arith.extui %lt3A_296 : vector<16xi1> to vector<16xi32>
          %mul3A_298 = arith.constant 51200 : i32
          %mul3A_299 = vector.broadcast %mul3A_298 : i32 to vector<16xi32>
          %mul3A_300 = arith.muli %convert_element_type3A_297, %mul3A_299 : vector<16xi32>
          %add3A_301 = arith.addi %get3A_294, %mul3A_300 : vector<16xi32>
          %add3A_302 = vector.broadcast %mul3A_44 : i32 to vector<16xi32>
          %add3A_303 = arith.addi %add3A_301, %add3A_302 : vector<16xi32>
          %swap3A = arith.index_cast %mul3A_291 : i32 to index
          %swap3A_304 = tpu.vector_load %arg12[%swap3A] {strides = array<i32>} : memref<6000xi32, #tpu.memory_space<vmem>>, vector<16xi32>,
          tpu.vector_store %arg12[%swap3A], %add3A_303 {strides = array<i32>} : memref<6000xi32, #tpu.memory_space<vmem>>, vector<16xi32>,
          %add3A_305 = arith.constant 409600 : i32
          %add3A_306 = vector.broadcast %add3A_305 : i32 to vector<16xi32>
          %add3A_307 = arith.addi %add3A_303, %add3A_306 : vector<16xi32>
          %add3A_308 = arith.constant 2000 : i32
          %add3A_309 = arith.addi %add3A_308, %mul3A_291 : i32
          %swap3A_310 = arith.index_cast %add3A_309 : i32 to index
          %swap3A_311 = tpu.vector_load %arg12[%swap3A_310] {strides = array<i32>} : memref<6000xi32, #tpu.memory_space<vmem>>, vector<16xi32>,
          tpu.vector_store %arg12[%swap3A_310], %add3A_307 {strides = array<i32>} : memref<6000xi32, #tpu.memory_space<vmem>>, vector<16xi32>,
          %add3A_312 = arith.constant 819200 : i32
          %add3A_313 = vector.broadcast %add3A_312 : i32 to vector<16xi32>
          %add3A_314 = arith.addi %add3A_303, %add3A_313 : vector<16xi32>
          %add3A_315 = arith.constant 4000 : i32
          %add3A_316 = arith.addi %add3A_315, %mul3A_291 : i32
          %swap3A_317 = arith.index_cast %add3A_316 : i32 to index
          %swap3A_318 = tpu.vector_load %arg12[%swap3A_317] {strides = array<i32>} : memref<6000xi32, #tpu.memory_space<vmem>>, vector<16xi32>,
          tpu.vector_store %arg12[%swap3A_317], %add3A_314 {strides = array<i32>} : memref<6000xi32, #tpu.memory_space<vmem>>, vector<16xi32>,
          %get3A_319 = arith.index_cast %mul3A_291 : i32 to index
          %get3A_320 = tpu.vector_load %arg7[%get3A_319] {strides = array<i32>} : memref<2000xi32, #tpu.memory_space<vmem>>, vector<16xi32>,
          %add3A_321 = arith.constant 50000 : i32
          %add3A_322 = vector.broadcast %add3A_321 : i32 to vector<16xi32>
          %add3A_323 = arith.addi %get3A_320, %add3A_322 : vector<16xi32>
          %swap3A_324 = arith.index_cast %mul3A_291 : i32 to index
          %swap3A_325 = tpu.vector_load %arg8[%swap3A_324] {strides = array<i32>} : memref<2000xi32, #tpu.memory_space<vmem>>, vector<16xi32>,
          tpu.vector_store %arg8[%swap3A_324], %add3A_323 {strides = array<i32>} : memref<2000xi32, #tpu.memory_space<vmem>>, vector<16xi32>,
        }
        %scan3A_191 = arith.constant 125 : i32
        %dma_start3A_192 = arith.constant 0 : i32
        %dma_start3A_193 = tpu.memref_slice %arg21[%dma_start3A_192] : memref<100000xf32, #tpu.memory_space<vmem_shared>> -> memref<100000xf32, #tpu.memory_space<vmem_shared>>
        tpu.enqueue_indirect_dma source(%dma_start3A_193 : memref<100000xf32, #tpu.memory_space<vmem_shared>>) target(%arg9 : memref<2000xf32, #tpu.memory_space<vmem>>) offsets(%arg7 : memref<2000xi32, #tpu.memory_space<vmem>>) semaphore(%arg25 : memref<!tpu.dma_semaphore, #tpu.memory_space<semaphore_mem>>)
        %dma_start3A_194 = arith.constant 0 : i32
        %dma_start3A_195 = tpu.memref_slice %arg21[%dma_start3A_194] : memref<100000xf32, #tpu.memory_space<vmem_shared>> -> memref<100000xf32, #tpu.memory_space<vmem_shared>>
        tpu.enqueue_indirect_dma source(%dma_start3A_195 : memref<100000xf32, #tpu.memory_space<vmem_shared>>) target(%arg10 : memref<2000xf32, #tpu.memory_space<vmem>>) offsets(%arg8 : memref<2000xi32, #tpu.memory_space<vmem>>) semaphore(%arg25 : memref<!tpu.dma_semaphore, #tpu.memory_space<semaphore_mem>>)
        %dma_wait3A_196 = arith.constant 0 : i32
        %dma_wait3A_197 = tpu.memref_slice %arg21[%dma_wait3A_196] : memref<100000xf32, #tpu.memory_space<vmem_shared>> -> memref<100000xf32, #tpu.memory_space<vmem_shared>>
        tpu.wait_indirect_dma semaphore(%arg25 : memref<!tpu.dma_semaphore, #tpu.memory_space<semaphore_mem>>) src(%dma_wait3A_197 : memref<100000xf32, #tpu.memory_space<vmem_shared>>) dst(%arg9 : memref<2000xf32, #tpu.memory_space<vmem>>)
        %dma_wait3A_198 = arith.constant 0 : i32
        %dma_wait3A_199 = tpu.memref_slice %arg21[%dma_wait3A_198] : memref<100000xf32, #tpu.memory_space<vmem_shared>> -> memref<100000xf32, #tpu.memory_space<vmem_shared>>
        tpu.wait_indirect_dma semaphore(%arg25 : memref<!tpu.dma_semaphore, #tpu.memory_space<semaphore_mem>>) src(%dma_wait3A_199 : memref<100000xf32, #tpu.memory_space<vmem_shared>>) dst(%arg10 : memref<2000xf32, #tpu.memory_space<vmem>>)
        %scan3A_200 = arith.constant 0 : i32
        %scan3A_201 = arith.constant 0 : i32
        %scan3A_202 = arith.constant 125 : i32
        %scan3A_203 = arith.addi %scan3A_201, %scan3A_202 : i32
        %scan3A_204 = arith.constant 1 : i32
        scf.for %scan3A_289 = %scan3A_201 to %scan3A_203 step %scan3A_204  : i32 {
          %mul3A_290 = arith.constant 16 : i32
          %mul3A_291 = arith.muli %scan3A_289, %mul3A_290 : i32
          %get3A = arith.index_cast %mul3A_291 : i32 to index
          %get3A_292 = tpu.vector_load %arg6[%get3A] {strides = array<i32>} : memref<2000xf32, #tpu.memory_space<vmem>>, vector<16xf32>,
          %abs3A = math.absf %get3A_292 : vector<16xf32>
          %get3A_293 = arith.index_cast %mul3A_291 : i32 to index
          %get3A_294 = tpu.vector_load %arg9[%get3A_293] {strides = array<i32>} : memref<2000xf32, #tpu.memory_space<vmem>>, vector<16xf32>,
          %mul3A_295 = arith.mulf %abs3A, %get3A_294 : vector<16xf32>
          %swap3A = arith.index_cast %mul3A_291 : i32 to index
          %swap3A_296 = tpu.vector_load %arg11[%swap3A] {strides = array<i32>} : memref<6000xf32, #tpu.memory_space<vmem>>, vector<16xf32>,
          tpu.vector_store %arg11[%swap3A], %mul3A_295 {strides = array<i32>} : memref<6000xf32, #tpu.memory_space<vmem>>, vector<16xf32>,
          %get3A_297 = arith.index_cast %mul3A_291 : i32 to index
          %get3A_298 = tpu.vector_load %arg10[%get3A_297] {strides = array<i32>} : memref<2000xf32, #tpu.memory_space<vmem>>, vector<16xf32>,
          %mul3A_299 = arith.mulf %abs3A, %get3A_298 : vector<16xf32>
          %add3A_300 = arith.constant 2000 : i32
          %add3A_301 = arith.addi %add3A_300, %mul3A_291 : i32
          %swap3A_302 = arith.index_cast %add3A_301 : i32 to index
          %swap3A_303 = tpu.vector_load %arg11[%swap3A_302] {strides = array<i32>} : memref<6000xf32, #tpu.memory_space<vmem>>, vector<16xf32>,
          tpu.vector_store %arg11[%swap3A_302], %mul3A_299 {strides = array<i32>} : memref<6000xf32, #tpu.memory_space<vmem>>, vector<16xf32>,
        }
        %scan3A_205 = arith.constant 125 : i32
        %dma_start3A_206 = arith.constant 0 : i32
        %dma_start3A_207 = tpu.memref_slice %arg22[%dma_start3A_206] : memref<1228800xf32, #tpu.memory_space<vmem_shared>> -> memref<1228800xf32, #tpu.memory_space<vmem_shared>>
        tpu.enqueue_indirect_dma source(%arg11 : memref<6000xf32, #tpu.memory_space<vmem>>) target(%dma_start3A_207 : memref<1228800xf32, #tpu.memory_space<vmem_shared>>) offsets(%arg12 : memref<6000xi32, #tpu.memory_space<vmem>>) semaphore(%arg27 : memref<!tpu.dma_semaphore, #tpu.memory_space<semaphore_mem>>) {add = true}
        %add3A_208 = arith.constant 2 : i32
        %add3A_209 = arith.addi %mul3A_127, %add3A_208 : i32
        %mul3A_210 = arith.constant 800000 : i32
        %mul3A_211 = arith.muli %add3A, %mul3A_210 : i32
        %mul3A_212 = arith.constant 50000 : i32
        %mul3A_213 = arith.muli %arg1, %mul3A_212 : i32
        %add3A_214 = arith.addi %mul3A_211, %mul3A_213 : i32
        %mul3A_215 = arith.constant 2000 : i32
        %mul3A_216 = arith.muli %add3A_209, %mul3A_215 : i32
        %add3A_217 = arith.addi %add3A_214, %mul3A_216 : i32
        %mul3A_218 = arith.constant 2 : i32
        %mul3A_219 = arith.muli %add3A, %mul3A_218 : i32
        %mul3A_220 = arith.constant 800000 : i32
        %mul3A_221 = arith.muli %mul3A_219, %mul3A_220 : i32
        %mul3A_222 = arith.constant 50000 : i32
        %mul3A_223 = arith.muli %arg1, %mul3A_222 : i32
        %add3A_224 = arith.addi %mul3A_221, %mul3A_223 : i32
        %mul3A_225 = arith.constant 2000 : i32
        %mul3A_226 = arith.muli %add3A_209, %mul3A_225 : i32
        %add3A_227 = arith.addi %add3A_224, %mul3A_226 : i32
        %dma_start3A_228 = tpu.memref_slice %arg2[%add3A_217] : memref<6400000xf32, #tpu.memory_space<hbm>> -> memref<2000xf32, #tpu.memory_space<hbm>>
        %dma_start3A_229 = tpu.memref_slice %arg2[%add3A_217] : memref<6400000xf32, #tpu.memory_space<hbm>> -> memref<2000xf32, #tpu.memory_space<hbm>>
        tpu.enqueue_dma source(%dma_start3A_229 : memref<2000xf32, #tpu.memory_space<hbm>>) target(%arg6 : memref<2000xf32, #tpu.memory_space<vmem>>) target_semaphore(%arg23 : memref<!tpu.dma_semaphore, #tpu.memory_space<semaphore_mem>>)
        %dma_start3A_230 = tpu.memref_slice %arg3[%add3A_227] : memref<12800000xi32, #tpu.memory_space<hbm>> -> memref<2000xi32, #tpu.memory_space<hbm>>
        %dma_start3A_231 = tpu.memref_slice %arg3[%add3A_227] : memref<12800000xi32, #tpu.memory_space<hbm>> -> memref<2000xi32, #tpu.memory_space<hbm>>
        tpu.enqueue_dma source(%dma_start3A_231 : memref<2000xi32, #tpu.memory_space<hbm>>) target(%arg7 : memref<2000xi32, #tpu.memory_space<vmem>>) target_semaphore(%arg23 : memref<!tpu.dma_semaphore, #tpu.memory_space<semaphore_mem>>)
        %add3A_232 = arith.constant 800000 : i32
        %add3A_233 = arith.addi %add3A_227, %add3A_232 : i32
        %dma_start3A_234 = tpu.memref_slice %arg3[%add3A_233] : memref<12800000xi32, #tpu.memory_space<hbm>> -> memref<2000xi32, #tpu.memory_space<hbm>>
        %dma_start3A_235 = tpu.memref_slice %arg3[%add3A_233] : memref<12800000xi32, #tpu.memory_space<hbm>> -> memref<2000xi32, #tpu.memory_space<hbm>>
        tpu.enqueue_dma source(%dma_start3A_235 : memref<2000xi32, #tpu.memory_space<hbm>>) target(%arg8 : memref<2000xi32, #tpu.memory_space<vmem>>) target_semaphore(%arg23 : memref<!tpu.dma_semaphore, #tpu.memory_space<semaphore_mem>>)
        %mul3A_236 = arith.constant 800000 : i32
        %mul3A_237 = arith.muli %add3A, %mul3A_236 : i32
        %mul3A_238 = arith.constant 50000 : i32
        %mul3A_239 = arith.muli %arg1, %mul3A_238 : i32
        %add3A_240 = arith.addi %mul3A_237, %mul3A_239 : i32
        %mul3A_241 = arith.constant 2000 : i32
        %mul3A_242 = arith.muli %add3A_131, %mul3A_241 : i32
        %add3A_243 = arith.addi %add3A_240, %mul3A_242 : i32
        %mul3A_244 = arith.constant 2 : i32
        %mul3A_245 = arith.muli %add3A, %mul3A_244 : i32
        %mul3A_246 = arith.constant 800000 : i32
        %mul3A_247 = arith.muli %mul3A_245, %mul3A_246 : i32
        %mul3A_248 = arith.constant 50000 : i32
        %mul3A_249 = arith.muli %arg1, %mul3A_248 : i32
        %add3A_250 = arith.addi %mul3A_247, %mul3A_249 : i32
        %mul3A_251 = arith.constant 2000 : i32
        %mul3A_252 = arith.muli %add3A_131, %mul3A_251 : i32
        %add3A_253 = arith.addi %add3A_250, %mul3A_252 : i32
        %dma_wait3A_254 = tpu.memref_slice %arg2[%add3A_243] : memref<6400000xf32, #tpu.memory_space<hbm>> -> memref<2000xf32, #tpu.memory_space<hbm>>
        %dma_wait3A_255 = tpu.memref_slice %arg2[%add3A_243] : memref<6400000xf32, #tpu.memory_space<hbm>> -> memref<2000xf32, #tpu.memory_space<hbm>>
        tpu.wait_dma2 semaphore(%arg24 : memref<!tpu.dma_semaphore, #tpu.memory_space<semaphore_mem>>) src(%dma_wait3A_255 : memref<2000xf32, #tpu.memory_space<hbm>>) dst(%arg13 : memref<2000xf32, #tpu.memory_space<vmem>>)
        %dma_wait3A_256 = tpu.memref_slice %arg3[%add3A_253] : memref<12800000xi32, #tpu.memory_space<hbm>> -> memref<2000xi32, #tpu.memory_space<hbm>>
        %dma_wait3A_257 = tpu.memref_slice %arg3[%add3A_253] : memref<12800000xi32, #tpu.memory_space<hbm>> -> memref<2000xi32, #tpu.memory_space<hbm>>
        tpu.wait_dma2 semaphore(%arg24 : memref<!tpu.dma_semaphore, #tpu.memory_space<semaphore_mem>>) src(%dma_wait3A_257 : memref<2000xi32, #tpu.memory_space<hbm>>) dst(%arg14 : memref<2000xi32, #tpu.memory_space<vmem>>)
        %add3A_258 = arith.constant 800000 : i32
        %add3A_259 = arith.addi %add3A_253, %add3A_258 : i32
        %dma_wait3A_260 = tpu.memref_slice %arg3[%add3A_259] : memref<12800000xi32, #tpu.memory_space<hbm>> -> memref<2000xi32, #tpu.memory_space<hbm>>
        %dma_wait3A_261 = tpu.memref_slice %arg3[%add3A_259] : memref<12800000xi32, #tpu.memory_space<hbm>> -> memref<2000xi32, #tpu.memory_space<hbm>>
        tpu.wait_dma2 semaphore(%arg24 : memref<!tpu.dma_semaphore, #tpu.memory_space<semaphore_mem>>) src(%dma_wait3A_261 : memref<2000xi32, #tpu.memory_space<hbm>>) dst(%arg15 : memref<2000xi32, #tpu.memory_space<vmem>>)
        %gt3A_262 = arith.constant 0 : i32
        %gt3A_263 = arith.cmpi sgt, %scan3A_125, %gt3A_262 : i32
        %convert_element_type3A_264 = arith.extui %gt3A_263 : i1 to i32
        %cond3A_265 = arith.constant 0 : i32
        %cond3A_266 = arith.cmpi ne, %convert_element_type3A_264, %cond3A_265 : i32
        scf.if %cond3A_266 {
          %dma_wait3A_289 = arith.constant 0 : i32
          %dma_wait3A_290 = tpu.memref_slice %arg22[%dma_wait3A_289] : memref<1228800xf32, #tpu.memory_space<vmem_shared>> -> memref<1228800xf32, #tpu.memory_space<vmem_shared>>
          tpu.wait_indirect_dma semaphore(%arg28 : memref<!tpu.dma_semaphore, #tpu.memory_space<semaphore_mem>>) src(%arg18 : memref<6000xf32, #tpu.memory_space<vmem>>) dst(%dma_wait3A_290 : memref<1228800xf32, #tpu.memory_space<vmem_shared>>)
        } else {
        }
        %scan3A_267 = arith.constant 0 : i32
        %scan3A_268 = arith.constant 0 : i32
        %scan3A_269 = arith.constant 125 : i32
        %scan3A_270 = arith.addi %scan3A_268, %scan3A_269 : i32
        %scan3A_271 = arith.constant 1 : i32
        scf.for %scan3A_289 = %scan3A_268 to %scan3A_270 step %scan3A_271  : i32 {
          %mul3A_290 = arith.constant 16 : i32
          %mul3A_291 = arith.muli %scan3A_289, %mul3A_290 : i32
          %get3A = arith.index_cast %mul3A_291 : i32 to index
          %get3A_292 = tpu.vector_load %arg13[%get3A] {strides = array<i32>} : memref<2000xf32, #tpu.memory_space<vmem>>, vector<16xf32>,
          %get3A_293 = arith.index_cast %mul3A_291 : i32 to index
          %get3A_294 = tpu.vector_load %arg15[%get3A_293] {strides = array<i32>} : memref<2000xi32, #tpu.memory_space<vmem>>, vector<16xi32>,
          %lt3A = arith.constant 0.000000e+00 : f32
          %lt3A_295 = vector.broadcast %lt3A : f32 to vector<16xf32>
          %lt3A_296 = arith.cmpf olt, %get3A_292, %lt3A_295 : vector<16xf32>
          %convert_element_type3A_297 = arith.extui %lt3A_296 : vector<16xi1> to vector<16xi32>
          %mul3A_298 = arith.constant 51200 : i32
          %mul3A_299 = vector.broadcast %mul3A_298 : i32 to vector<16xi32>
          %mul3A_300 = arith.muli %convert_element_type3A_297, %mul3A_299 : vector<16xi32>
          %add3A_301 = arith.addi %get3A_294, %mul3A_300 : vector<16xi32>
          %add3A_302 = vector.broadcast %mul3A_44 : i32 to vector<16xi32>
          %add3A_303 = arith.addi %add3A_301, %add3A_302 : vector<16xi32>
          %swap3A = arith.index_cast %mul3A_291 : i32 to index
          %swap3A_304 = tpu.vector_load %arg19[%swap3A] {strides = array<i32>} : memref<6000xi32, #tpu.memory_space<vmem>>, vector<16xi32>,
          tpu.vector_store %arg19[%swap3A], %add3A_303 {strides = array<i32>} : memref<6000xi32, #tpu.memory_space<vmem>>, vector<16xi32>,
          %add3A_305 = arith.constant 409600 : i32
          %add3A_306 = vector.broadcast %add3A_305 : i32 to vector<16xi32>
          %add3A_307 = arith.addi %add3A_303, %add3A_306 : vector<16xi32>
          %add3A_308 = arith.constant 2000 : i32
          %add3A_309 = arith.addi %add3A_308, %mul3A_291 : i32
          %swap3A_310 = arith.index_cast %add3A_309 : i32 to index
          %swap3A_311 = tpu.vector_load %arg19[%swap3A_310] {strides = array<i32>} : memref<6000xi32, #tpu.memory_space<vmem>>, vector<16xi32>,
          tpu.vector_store %arg19[%swap3A_310], %add3A_307 {strides = array<i32>} : memref<6000xi32, #tpu.memory_space<vmem>>, vector<16xi32>,
          %add3A_312 = arith.constant 819200 : i32
          %add3A_313 = vector.broadcast %add3A_312 : i32 to vector<16xi32>
          %add3A_314 = arith.addi %add3A_303, %add3A_313 : vector<16xi32>
          %add3A_315 = arith.constant 4000 : i32
          %add3A_316 = arith.addi %add3A_315, %mul3A_291 : i32
          %swap3A_317 = arith.index_cast %add3A_316 : i32 to index
          %swap3A_318 = tpu.vector_load %arg19[%swap3A_317] {strides = array<i32>} : memref<6000xi32, #tpu.memory_space<vmem>>, vector<16xi32>,
          tpu.vector_store %arg19[%swap3A_317], %add3A_314 {strides = array<i32>} : memref<6000xi32, #tpu.memory_space<vmem>>, vector<16xi32>,
          %get3A_319 = arith.index_cast %mul3A_291 : i32 to index
          %get3A_320 = tpu.vector_load %arg14[%get3A_319] {strides = array<i32>} : memref<2000xi32, #tpu.memory_space<vmem>>, vector<16xi32>,
          %add3A_321 = arith.constant 50000 : i32
          %add3A_322 = vector.broadcast %add3A_321 : i32 to vector<16xi32>
          %add3A_323 = arith.addi %get3A_320, %add3A_322 : vector<16xi32>
          %swap3A_324 = arith.index_cast %mul3A_291 : i32 to index
          %swap3A_325 = tpu.vector_load %arg15[%swap3A_324] {strides = array<i32>} : memref<2000xi32, #tpu.memory_space<vmem>>, vector<16xi32>,
          tpu.vector_store %arg15[%swap3A_324], %add3A_323 {strides = array<i32>} : memref<2000xi32, #tpu.memory_space<vmem>>, vector<16xi32>,
        }
        %scan3A_272 = arith.constant 125 : i32
        %dma_start3A_273 = arith.constant 0 : i32
        %dma_start3A_274 = tpu.memref_slice %arg21[%dma_start3A_273] : memref<100000xf32, #tpu.memory_space<vmem_shared>> -> memref<100000xf32, #tpu.memory_space<vmem_shared>>
        tpu.enqueue_indirect_dma source(%dma_start3A_274 : memref<100000xf32, #tpu.memory_space<vmem_shared>>) target(%arg16 : memref<2000xf32, #tpu.memory_space<vmem>>) offsets(%arg14 : memref<2000xi32, #tpu.memory_space<vmem>>) semaphore(%arg26 : memref<!tpu.dma_semaphore, #tpu.memory_space<semaphore_mem>>)
        %dma_start3A_275 = arith.constant 0 : i32
        %dma_start3A_276 = tpu.memref_slice %arg21[%dma_start3A_275] : memref<100000xf32, #tpu.memory_space<vmem_shared>> -> memref<100000xf32, #tpu.memory_space<vmem_shared>>
        tpu.enqueue_indirect_dma source(%dma_start3A_276 : memref<100000xf32, #tpu.memory_space<vmem_shared>>) target(%arg17 : memref<2000xf32, #tpu.memory_space<vmem>>) offsets(%arg15 : memref<2000xi32, #tpu.memory_space<vmem>>) semaphore(%arg26 : memref<!tpu.dma_semaphore, #tpu.memory_space<semaphore_mem>>)
        %dma_wait3A_277 = arith.constant 0 : i32
        %dma_wait3A_278 = tpu.memref_slice %arg21[%dma_wait3A_277] : memref<100000xf32, #tpu.memory_space<vmem_shared>> -> memref<100000xf32, #tpu.memory_space<vmem_shared>>
        tpu.wait_indirect_dma semaphore(%arg26 : memref<!tpu.dma_semaphore, #tpu.memory_space<semaphore_mem>>) src(%dma_wait3A_278 : memref<100000xf32, #tpu.memory_space<vmem_shared>>) dst(%arg16 : memref<2000xf32, #tpu.memory_space<vmem>>)
        %dma_wait3A_279 = arith.constant 0 : i32
        %dma_wait3A_280 = tpu.memref_slice %arg21[%dma_wait3A_279] : memref<100000xf32, #tpu.memory_space<vmem_shared>> -> memref<100000xf32, #tpu.memory_space<vmem_shared>>
        tpu.wait_indirect_dma semaphore(%arg26 : memref<!tpu.dma_semaphore, #tpu.memory_space<semaphore_mem>>) src(%dma_wait3A_280 : memref<100000xf32, #tpu.memory_space<vmem_shared>>) dst(%arg17 : memref<2000xf32, #tpu.memory_space<vmem>>)
        %scan3A_281 = arith.constant 0 : i32
        %scan3A_282 = arith.constant 0 : i32
        %scan3A_283 = arith.constant 125 : i32
        %scan3A_284 = arith.addi %scan3A_282, %scan3A_283 : i32
        %scan3A_285 = arith.constant 1 : i32
        scf.for %scan3A_289 = %scan3A_282 to %scan3A_284 step %scan3A_285  : i32 {
          %mul3A_290 = arith.constant 16 : i32
          %mul3A_291 = arith.muli %scan3A_289, %mul3A_290 : i32
          %get3A = arith.index_cast %mul3A_291 : i32 to index
          %get3A_292 = tpu.vector_load %arg13[%get3A] {strides = array<i32>} : memref<2000xf32, #tpu.memory_space<vmem>>, vector<16xf32>,
          %abs3A = math.absf %get3A_292 : vector<16xf32>
          %get3A_293 = arith.index_cast %mul3A_291 : i32 to index
          %get3A_294 = tpu.vector_load %arg16[%get3A_293] {strides = array<i32>} : memref<2000xf32, #tpu.memory_space<vmem>>, vector<16xf32>,
          %mul3A_295 = arith.mulf %abs3A, %get3A_294 : vector<16xf32>
          %swap3A = arith.index_cast %mul3A_291 : i32 to index
          %swap3A_296 = tpu.vector_load %arg18[%swap3A] {strides = array<i32>} : memref<6000xf32, #tpu.memory_space<vmem>>, vector<16xf32>,
          tpu.vector_store %arg18[%swap3A], %mul3A_295 {strides = array<i32>} : memref<6000xf32, #tpu.memory_space<vmem>>, vector<16xf32>,
          %get3A_297 = arith.index_cast %mul3A_291 : i32 to index
          %get3A_298 = tpu.vector_load %arg17[%get3A_297] {strides = array<i32>} : memref<2000xf32, #tpu.memory_space<vmem>>, vector<16xf32>,
          %mul3A_299 = arith.mulf %abs3A, %get3A_298 : vector<16xf32>
          %add3A_300 = arith.constant 2000 : i32
          %add3A_301 = arith.addi %add3A_300, %mul3A_291 : i32
          %swap3A_302 = arith.index_cast %add3A_301 : i32 to index
          %swap3A_303 = tpu.vector_load %arg18[%swap3A_302] {strides = array<i32>} : memref<6000xf32, #tpu.memory_space<vmem>>, vector<16xf32>,
          tpu.vector_store %arg18[%swap3A_302], %mul3A_299 {strides = array<i32>} : memref<6000xf32, #tpu.memory_space<vmem>>, vector<16xf32>,
        }
        %scan3A_286 = arith.constant 125 : i32
        %dma_start3A_287 = arith.constant 0 : i32
        %dma_start3A_288 = tpu.memref_slice %arg22[%dma_start3A_287] : memref<1228800xf32, #tpu.memory_space<vmem_shared>> -> memref<1228800xf32, #tpu.memory_space<vmem_shared>>
        tpu.enqueue_indirect_dma source(%arg18 : memref<6000xf32, #tpu.memory_space<vmem>>) target(%dma_start3A_288 : memref<1228800xf32, #tpu.memory_space<vmem_shared>>) offsets(%arg19 : memref<6000xi32, #tpu.memory_space<vmem>>) semaphore(%arg28 : memref<!tpu.dma_semaphore, #tpu.memory_space<semaphore_mem>>) {add = true}
      }
      %scan3A_73 = arith.constant 12 : i32
      %mul3A_74 = arith.constant 800000 : i32
      %mul3A_75 = arith.muli %add3A, %mul3A_74 : i32
      %mul3A_76 = arith.constant 50000 : i32
      %mul3A_77 = arith.muli %arg1, %mul3A_76 : i32
      %add3A_78 = arith.addi %mul3A_75, %mul3A_77 : i32
      %add3A_79 = arith.constant 48000 : i32
      %add3A_80 = arith.addi %add3A_78, %add3A_79 : i32
      %mul3A_81 = arith.constant 2 : i32
      %mul3A_82 = arith.muli %add3A, %mul3A_81 : i32
      %mul3A_83 = arith.constant 800000 : i32
      %mul3A_84 = arith.muli %mul3A_82, %mul3A_83 : i32
      %mul3A_85 = arith.constant 50000 : i32
      %mul3A_86 = arith.muli %arg1, %mul3A_85 : i32
      %add3A_87 = arith.addi %mul3A_84, %mul3A_86 : i32
      %add3A_88 = arith.constant 48000 : i32
      %add3A_89 = arith.addi %add3A_87, %add3A_88 : i32
      %dma_wait3A = tpu.memref_slice %arg2[%add3A_80] : memref<6400000xf32, #tpu.memory_space<hbm>> -> memref<2000xf32, #tpu.memory_space<hbm>>
      %dma_wait3A_90 = tpu.memref_slice %arg2[%add3A_80] : memref<6400000xf32, #tpu.memory_space<hbm>> -> memref<2000xf32, #tpu.memory_space<hbm>>
      tpu.wait_dma2 semaphore(%arg23 : memref<!tpu.dma_semaphore, #tpu.memory_space<semaphore_mem>>) src(%dma_wait3A_90 : memref<2000xf32, #tpu.memory_space<hbm>>) dst(%arg6 : memref<2000xf32, #tpu.memory_space<vmem>>)
      %dma_wait3A_91 = tpu.memref_slice %arg3[%add3A_89] : memref<12800000xi32, #tpu.memory_space<hbm>> -> memref<2000xi32, #tpu.memory_space<hbm>>
      %dma_wait3A_92 = tpu.memref_slice %arg3[%add3A_89] : memref<12800000xi32, #tpu.memory_space<hbm>> -> memref<2000xi32, #tpu.memory_space<hbm>>
      tpu.wait_dma2 semaphore(%arg23 : memref<!tpu.dma_semaphore, #tpu.memory_space<semaphore_mem>>) src(%dma_wait3A_92 : memref<2000xi32, #tpu.memory_space<hbm>>) dst(%arg7 : memref<2000xi32, #tpu.memory_space<vmem>>)
      %add3A_93 = arith.constant 800000 : i32
      %add3A_94 = arith.addi %add3A_89, %add3A_93 : i32
      %dma_wait3A_95 = tpu.memref_slice %arg3[%add3A_94] : memref<12800000xi32, #tpu.memory_space<hbm>> -> memref<2000xi32, #tpu.memory_space<hbm>>
      %dma_wait3A_96 = tpu.memref_slice %arg3[%add3A_94] : memref<12800000xi32, #tpu.memory_space<hbm>> -> memref<2000xi32, #tpu.memory_space<hbm>>
      tpu.wait_dma2 semaphore(%arg23 : memref<!tpu.dma_semaphore, #tpu.memory_space<semaphore_mem>>) src(%dma_wait3A_96 : memref<2000xi32, #tpu.memory_space<hbm>>) dst(%arg8 : memref<2000xi32, #tpu.memory_space<vmem>>)
      %dma_wait3A_97 = arith.constant 0 : i32
      %dma_wait3A_98 = tpu.memref_slice %arg22[%dma_wait3A_97] : memref<1228800xf32, #tpu.memory_space<vmem_shared>> -> memref<1228800xf32, #tpu.memory_space<vmem_shared>>
      tpu.wait_indirect_dma semaphore(%arg27 : memref<!tpu.dma_semaphore, #tpu.memory_space<semaphore_mem>>) src(%arg11 : memref<6000xf32, #tpu.memory_space<vmem>>) dst(%dma_wait3A_98 : memref<1228800xf32, #tpu.memory_space<vmem_shared>>)
      %scan3A_99 = arith.constant 0 : i32
      %scan3A_100 = arith.constant 0 : i32
      %scan3A_101 = arith.constant 125 : i32
      %scan3A_102 = arith.addi %scan3A_100, %scan3A_101 : i32
      %scan3A_103 = arith.constant 1 : i32
      scf.for %scan3A_125 = %scan3A_100 to %scan3A_102 step %scan3A_103  : i32 {
        %mul3A_126 = arith.constant 16 : i32
        %mul3A_127 = arith.muli %scan3A_125, %mul3A_126 : i32
        %get3A = arith.index_cast %mul3A_127 : i32 to index
        %get3A_128 = tpu.vector_load %arg6[%get3A] {strides = array<i32>} : memref<2000xf32, #tpu.memory_space<vmem>>, vector<16xf32>,
        %get3A_129 = arith.index_cast %mul3A_127 : i32 to index
        %get3A_130 = tpu.vector_load %arg8[%get3A_129] {strides = array<i32>} : memref<2000xi32, #tpu.memory_space<vmem>>, vector<16xi32>,
        %lt3A = arith.constant 0.000000e+00 : f32
        %lt3A_131 = vector.broadcast %lt3A : f32 to vector<16xf32>
        %lt3A_132 = arith.cmpf olt, %get3A_128, %lt3A_131 : vector<16xf32>
        %convert_element_type3A = arith.extui %lt3A_132 : vector<16xi1> to vector<16xi32>
        %mul3A_133 = arith.constant 51200 : i32
        %mul3A_134 = vector.broadcast %mul3A_133 : i32 to vector<16xi32>
        %mul3A_135 = arith.muli %convert_element_type3A, %mul3A_134 : vector<16xi32>
        %add3A_136 = arith.addi %get3A_130, %mul3A_135 : vector<16xi32>
        %add3A_137 = vector.broadcast %mul3A_44 : i32 to vector<16xi32>
        %add3A_138 = arith.addi %add3A_136, %add3A_137 : vector<16xi32>
        %swap3A = arith.index_cast %mul3A_127 : i32 to index
        %swap3A_139 = tpu.vector_load %arg12[%swap3A] {strides = array<i32>} : memref<6000xi32, #tpu.memory_space<vmem>>, vector<16xi32>,
        tpu.vector_store %arg12[%swap3A], %add3A_138 {strides = array<i32>} : memref<6000xi32, #tpu.memory_space<vmem>>, vector<16xi32>,
        %add3A_140 = arith.constant 409600 : i32
        %add3A_141 = vector.broadcast %add3A_140 : i32 to vector<16xi32>
        %add3A_142 = arith.addi %add3A_138, %add3A_141 : vector<16xi32>
        %add3A_143 = arith.constant 2000 : i32
        %add3A_144 = arith.addi %add3A_143, %mul3A_127 : i32
        %swap3A_145 = arith.index_cast %add3A_144 : i32 to index
        %swap3A_146 = tpu.vector_load %arg12[%swap3A_145] {strides = array<i32>} : memref<6000xi32, #tpu.memory_space<vmem>>, vector<16xi32>,
        tpu.vector_store %arg12[%swap3A_145], %add3A_142 {strides = array<i32>} : memref<6000xi32, #tpu.memory_space<vmem>>, vector<16xi32>,
        %add3A_147 = arith.constant 819200 : i32
        %add3A_148 = vector.broadcast %add3A_147 : i32 to vector<16xi32>
        %add3A_149 = arith.addi %add3A_138, %add3A_148 : vector<16xi32>
        %add3A_150 = arith.constant 4000 : i32
        %add3A_151 = arith.addi %add3A_150, %mul3A_127 : i32
        %swap3A_152 = arith.index_cast %add3A_151 : i32 to index
        %swap3A_153 = tpu.vector_load %arg12[%swap3A_152] {strides = array<i32>} : memref<6000xi32, #tpu.memory_space<vmem>>, vector<16xi32>,
        tpu.vector_store %arg12[%swap3A_152], %add3A_149 {strides = array<i32>} : memref<6000xi32, #tpu.memory_space<vmem>>, vector<16xi32>,
        %get3A_154 = arith.index_cast %mul3A_127 : i32 to index
        %get3A_155 = tpu.vector_load %arg7[%get3A_154] {strides = array<i32>} : memref<2000xi32, #tpu.memory_space<vmem>>, vector<16xi32>,
        %add3A_156 = arith.constant 50000 : i32
        %add3A_157 = vector.broadcast %add3A_156 : i32 to vector<16xi32>
        %add3A_158 = arith.addi %get3A_155, %add3A_157 : vector<16xi32>
        %swap3A_159 = arith.index_cast %mul3A_127 : i32 to index
        %swap3A_160 = tpu.vector_load %arg8[%swap3A_159] {strides = array<i32>} : memref<2000xi32, #tpu.memory_space<vmem>>, vector<16xi32>,
        tpu.vector_store %arg8[%swap3A_159], %add3A_158 {strides = array<i32>} : memref<2000xi32, #tpu.memory_space<vmem>>, vector<16xi32>,
      }
      %scan3A_104 = arith.constant 125 : i32
      %dma_start3A_105 = arith.constant 0 : i32
      %dma_start3A_106 = tpu.memref_slice %arg21[%dma_start3A_105] : memref<100000xf32, #tpu.memory_space<vmem_shared>> -> memref<100000xf32, #tpu.memory_space<vmem_shared>>
      tpu.enqueue_indirect_dma source(%dma_start3A_106 : memref<100000xf32, #tpu.memory_space<vmem_shared>>) target(%arg9 : memref<2000xf32, #tpu.memory_space<vmem>>) offsets(%arg7 : memref<2000xi32, #tpu.memory_space<vmem>>) semaphore(%arg25 : memref<!tpu.dma_semaphore, #tpu.memory_space<semaphore_mem>>)
      %dma_start3A_107 = arith.constant 0 : i32
      %dma_start3A_108 = tpu.memref_slice %arg21[%dma_start3A_107] : memref<100000xf32, #tpu.memory_space<vmem_shared>> -> memref<100000xf32, #tpu.memory_space<vmem_shared>>
      tpu.enqueue_indirect_dma source(%dma_start3A_108 : memref<100000xf32, #tpu.memory_space<vmem_shared>>) target(%arg10 : memref<2000xf32, #tpu.memory_space<vmem>>) offsets(%arg8 : memref<2000xi32, #tpu.memory_space<vmem>>) semaphore(%arg25 : memref<!tpu.dma_semaphore, #tpu.memory_space<semaphore_mem>>)
      %dma_wait3A_109 = arith.constant 0 : i32
      %dma_wait3A_110 = tpu.memref_slice %arg21[%dma_wait3A_109] : memref<100000xf32, #tpu.memory_space<vmem_shared>> -> memref<100000xf32, #tpu.memory_space<vmem_shared>>
      tpu.wait_indirect_dma semaphore(%arg25 : memref<!tpu.dma_semaphore, #tpu.memory_space<semaphore_mem>>) src(%dma_wait3A_110 : memref<100000xf32, #tpu.memory_space<vmem_shared>>) dst(%arg9 : memref<2000xf32, #tpu.memory_space<vmem>>)
      %dma_wait3A_111 = arith.constant 0 : i32
      %dma_wait3A_112 = tpu.memref_slice %arg21[%dma_wait3A_111] : memref<100000xf32, #tpu.memory_space<vmem_shared>> -> memref<100000xf32, #tpu.memory_space<vmem_shared>>
      tpu.wait_indirect_dma semaphore(%arg25 : memref<!tpu.dma_semaphore, #tpu.memory_space<semaphore_mem>>) src(%dma_wait3A_112 : memref<100000xf32, #tpu.memory_space<vmem_shared>>) dst(%arg10 : memref<2000xf32, #tpu.memory_space<vmem>>)
      %scan3A_113 = arith.constant 0 : i32
      %scan3A_114 = arith.constant 0 : i32
      %scan3A_115 = arith.constant 125 : i32
      %scan3A_116 = arith.addi %scan3A_114, %scan3A_115 : i32
      %scan3A_117 = arith.constant 1 : i32
      scf.for %scan3A_125 = %scan3A_114 to %scan3A_116 step %scan3A_117  : i32 {
        %mul3A_126 = arith.constant 16 : i32
        %mul3A_127 = arith.muli %scan3A_125, %mul3A_126 : i32
        %get3A = arith.index_cast %mul3A_127 : i32 to index
        %get3A_128 = tpu.vector_load %arg6[%get3A] {strides = array<i32>} : memref<2000xf32, #tpu.memory_space<vmem>>, vector<16xf32>,
        %abs3A = math.absf %get3A_128 : vector<16xf32>
        %get3A_129 = arith.index_cast %mul3A_127 : i32 to index
        %get3A_130 = tpu.vector_load %arg9[%get3A_129] {strides = array<i32>} : memref<2000xf32, #tpu.memory_space<vmem>>, vector<16xf32>,
        %mul3A_131 = arith.mulf %abs3A, %get3A_130 : vector<16xf32>
        %swap3A = arith.index_cast %mul3A_127 : i32 to index
        %swap3A_132 = tpu.vector_load %arg11[%swap3A] {strides = array<i32>} : memref<6000xf32, #tpu.memory_space<vmem>>, vector<16xf32>,
        tpu.vector_store %arg11[%swap3A], %mul3A_131 {strides = array<i32>} : memref<6000xf32, #tpu.memory_space<vmem>>, vector<16xf32>,
        %get3A_133 = arith.index_cast %mul3A_127 : i32 to index
        %get3A_134 = tpu.vector_load %arg10[%get3A_133] {strides = array<i32>} : memref<2000xf32, #tpu.memory_space<vmem>>, vector<16xf32>,
        %mul3A_135 = arith.mulf %abs3A, %get3A_134 : vector<16xf32>
        %add3A_136 = arith.constant 2000 : i32
        %add3A_137 = arith.addi %add3A_136, %mul3A_127 : i32
        %swap3A_138 = arith.index_cast %add3A_137 : i32 to index
        %swap3A_139 = tpu.vector_load %arg11[%swap3A_138] {strides = array<i32>} : memref<6000xf32, #tpu.memory_space<vmem>>, vector<16xf32>,
        tpu.vector_store %arg11[%swap3A_138], %mul3A_135 {strides = array<i32>} : memref<6000xf32, #tpu.memory_space<vmem>>, vector<16xf32>,
      }
      %scan3A_118 = arith.constant 125 : i32
      %dma_start3A_119 = arith.constant 0 : i32
      %dma_start3A_120 = tpu.memref_slice %arg22[%dma_start3A_119] : memref<1228800xf32, #tpu.memory_space<vmem_shared>> -> memref<1228800xf32, #tpu.memory_space<vmem_shared>>
      tpu.enqueue_indirect_dma source(%arg11 : memref<6000xf32, #tpu.memory_space<vmem>>) target(%dma_start3A_120 : memref<1228800xf32, #tpu.memory_space<vmem_shared>>) offsets(%arg12 : memref<6000xi32, #tpu.memory_space<vmem>>) semaphore(%arg27 : memref<!tpu.dma_semaphore, #tpu.memory_space<semaphore_mem>>) {add = true}
      %dma_wait3A_121 = arith.constant 0 : i32
      %dma_wait3A_122 = tpu.memref_slice %arg22[%dma_wait3A_121] : memref<1228800xf32, #tpu.memory_space<vmem_shared>> -> memref<1228800xf32, #tpu.memory_space<vmem_shared>>
      tpu.wait_indirect_dma semaphore(%arg27 : memref<!tpu.dma_semaphore, #tpu.memory_space<semaphore_mem>>) src(%arg11 : memref<6000xf32, #tpu.memory_space<vmem>>) dst(%dma_wait3A_122 : memref<1228800xf32, #tpu.memory_space<vmem_shared>>)
      %dma_wait3A_123 = arith.constant 0 : i32
      %dma_wait3A_124 = tpu.memref_slice %arg22[%dma_wait3A_123] : memref<1228800xf32, #tpu.memory_space<vmem_shared>> -> memref<1228800xf32, #tpu.memory_space<vmem_shared>>
      tpu.wait_indirect_dma semaphore(%arg28 : memref<!tpu.dma_semaphore, #tpu.memory_space<semaphore_mem>>) src(%arg18 : memref<6000xf32, #tpu.memory_space<vmem>>) dst(%dma_wait3A_124 : memref<1228800xf32, #tpu.memory_space<vmem_shared>>)
    }
    %scan3A_23 = arith.constant 4 : i32
    %barrier3A = arith.constant 0 : index
    tpu.barrier barrier_id(%barrier3A)
    %scan3A_24 = arith.constant 0 : i32
    %scan3A_25 = arith.constant 0 : i32
    %scan3A_26 = arith.constant 48 : i32
    %scan3A_27 = arith.addi %scan3A_25, %scan3A_26 : i32
    %scan3A_28 = arith.constant 1 : i32
    scf.for %scan3A_30 = %scan3A_25 to %scan3A_27 step %scan3A_28  : i32 {
      %mul3A_31 = arith.constant 16 : i32
      %mul3A_32 = arith.muli %mul3A_31, %scan3A_30 : i32
      %add3A = arith.addi %arg1, %mul3A_32 : i32
      %mul3A_33 = arith.constant 1600 : i32
      %mul3A_34 = arith.muli %add3A, %mul3A_33 : i32
      %jit3A = arith.constant 409600 : i32
      %div3A = arith.divsi %mul3A_34, %jit3A : i32
      %sign3A = arith.constant 0 : i32
      %sign3A_35 = arith.cmpi sgt, %mul3A_34, %sign3A : i32
      %sign3A_36 = arith.extui %sign3A_35 : i1 to i32
      %sign3A_37 = arith.constant 0 : i32
      %sign3A_38 = arith.cmpi slt, %mul3A_34, %sign3A_37 : i32
      %sign3A_39 = arith.extui %sign3A_38 : i1 to i32
      %sign3A_40 = arith.subi %sign3A_36, %sign3A_39 : i32
      %sign3A_41 = arith.constant 0 : i32
      %sign3A_42 = arith.cmpi sgt, %jit3A, %sign3A_41 : i32
      %sign3A_43 = arith.extui %sign3A_42 : i1 to i32
      %sign3A_44 = arith.constant 0 : i32
      %sign3A_45 = arith.cmpi slt, %jit3A, %sign3A_44 : i32
      %sign3A_46 = arith.extui %sign3A_45 : i1 to i32
      %sign3A_47 = arith.subi %sign3A_43, %sign3A_46 : i32
      %ne3A = arith.cmpi ne, %sign3A_40, %sign3A_47 : i32
      %rem3A = arith.remsi %mul3A_34, %jit3A : i32
      %ne3A_48 = arith.constant 0 : i32
      %ne3A_49 = arith.cmpi ne, %rem3A, %ne3A_48 : i32
      %and3A = arith.andi %ne3A, %ne3A_49 : i1
      %sub3A = arith.constant 1 : i32
      %sub3A_50 = arith.subi %div3A, %sub3A : i32
      %select_n3A = arith.select %and3A, %sub3A_50, %div3A : i32
      %mul3A_51 = arith.constant 409600 : i32
      %mul3A_52 = arith.muli %select_n3A, %mul3A_51 : i32
      %add3A_53 = arith.addi %mul3A_34, %mul3A_52 : i32
      %mul3A_54 = arith.constant 409600 : i32
      %mul3A_55 = arith.muli %arg0, %mul3A_54 : i32
      %add3A_56 = arith.addi %add3A_53, %mul3A_55 : i32
      "tpu.region"() ({
        %run_scoped3A = tpu.sem_alloc : memref<!tpu.dma_semaphore, #tpu.memory_space<semaphore_mem>>
        %dma_start3A = arith.constant 0 : i32
        %dma_start3A_57 = tpu.memref_slice %arg20[%dma_start3A] : memref<2000xf32, #tpu.memory_space<vmem>> -> memref<1600xf32, #tpu.memory_space<vmem>>
        %dma_start3A_58 = tpu.memref_slice %arg22[%mul3A_34] : memref<1228800xf32, #tpu.memory_space<vmem_shared>> -> memref<1600xf32, #tpu.memory_space<vmem_shared>>
        %dma_start3A_59 = arith.constant 0 : i32
        %dma_start3A_60 = tpu.memref_slice %arg20[%dma_start3A_59] : memref<2000xf32, #tpu.memory_space<vmem>> -> memref<1600xf32, #tpu.memory_space<vmem>>
        %dma_start3A_61 = tpu.memref_slice %arg22[%mul3A_34] : memref<1228800xf32, #tpu.memory_space<vmem_shared>> -> memref<1600xf32, #tpu.memory_space<vmem_shared>>
        tpu.enqueue_dma source(%dma_start3A_61 : memref<1600xf32, #tpu.memory_space<vmem_shared>>) target(%dma_start3A_60 : memref<1600xf32, #tpu.memory_space<vmem>>) target_semaphore(%run_scoped3A : memref<!tpu.dma_semaphore, #tpu.memory_space<semaphore_mem>>)
        %dma_wait3A = arith.constant 0 : i32
        %dma_wait3A_62 = tpu.memref_slice %arg20[%dma_wait3A] : memref<2000xf32, #tpu.memory_space<vmem>> -> memref<1600xf32, #tpu.memory_space<vmem>>
        %dma_wait3A_63 = tpu.memref_slice %arg22[%mul3A_34] : memref<1228800xf32, #tpu.memory_space<vmem_shared>> -> memref<1600xf32, #tpu.memory_space<vmem_shared>>
        %dma_wait3A_64 = arith.constant 0 : i32
        %dma_wait3A_65 = tpu.memref_slice %arg20[%dma_wait3A_64] : memref<2000xf32, #tpu.memory_space<vmem>> -> memref<1600xf32, #tpu.memory_space<vmem>>
        %dma_wait3A_66 = tpu.memref_slice %arg22[%mul3A_34] : memref<1228800xf32, #tpu.memory_space<vmem_shared>> -> memref<1600xf32, #tpu.memory_space<vmem_shared>>
        tpu.wait_dma2 semaphore(%run_scoped3A : memref<!tpu.dma_semaphore, #tpu.memory_space<semaphore_mem>>) src(%dma_wait3A_66 : memref<1600xf32, #tpu.memory_space<vmem_shared>>) dst(%dma_wait3A_65 : memref<1600xf32, #tpu.memory_space<vmem>>)
        tpu.yield
      }) : () -> ()
      "tpu.region"() ({
        %run_scoped3A = tpu.sem_alloc : memref<!tpu.dma_semaphore, #tpu.memory_space<semaphore_mem>>
        %dma_start3A = arith.constant 0 : i32
        %dma_start3A_57 = tpu.memref_slice %arg20[%dma_start3A] : memref<2000xf32, #tpu.memory_space<vmem>> -> memref<1600xf32, #tpu.memory_space<vmem>>
        %dma_start3A_58 = tpu.memref_slice %arg5[%add3A_56] : memref<2457600xf32, #tpu.memory_space<hbm>> -> memref<1600xf32, #tpu.memory_space<hbm>>
        %dma_start3A_59 = tpu.memref_slice %arg5[%add3A_56] : memref<2457600xf32, #tpu.memory_space<hbm>> -> memref<1600xf32, #tpu.memory_space<hbm>>
        %dma_start3A_60 = arith.constant 0 : i32
        %dma_start3A_61 = tpu.memref_slice %arg20[%dma_start3A_60] : memref<2000xf32, #tpu.memory_space<vmem>> -> memref<1600xf32, #tpu.memory_space<vmem>>
        tpu.enqueue_dma source(%dma_start3A_61 : memref<1600xf32, #tpu.memory_space<vmem>>) target(%dma_start3A_59 : memref<1600xf32, #tpu.memory_space<hbm>>) target_semaphore(%run_scoped3A : memref<!tpu.dma_semaphore, #tpu.memory_space<semaphore_mem>>)
        %dma_wait3A = arith.constant 0 : i32
        %dma_wait3A_62 = tpu.memref_slice %arg20[%dma_wait3A] : memref<2000xf32, #tpu.memory_space<vmem>> -> memref<1600xf32, #tpu.memory_space<vmem>>
        %dma_wait3A_63 = tpu.memref_slice %arg5[%add3A_56] : memref<2457600xf32, #tpu.memory_space<hbm>> -> memref<1600xf32, #tpu.memory_space<hbm>>
        %dma_wait3A_64 = tpu.memref_slice %arg5[%add3A_56] : memref<2457600xf32, #tpu.memory_space<hbm>> -> memref<1600xf32, #tpu.memory_space<hbm>>
        %dma_wait3A_65 = arith.constant 0 : i32
        %dma_wait3A_66 = tpu.memref_slice %arg20[%dma_wait3A_65] : memref<2000xf32, #tpu.memory_space<vmem>> -> memref<1600xf32, #tpu.memory_space<vmem>>
        tpu.wait_dma2 semaphore(%run_scoped3A : memref<!tpu.dma_semaphore, #tpu.memory_space<semaphore_mem>>) src(%dma_wait3A_66 : memref<1600xf32, #tpu.memory_space<vmem>>) dst(%dma_wait3A_64 : memref<1600xf32, #tpu.memory_space<hbm>>)
        tpu.yield
      }) : () -> ()
    }
    %scan3A_29 = arith.constant 48 : i32
    return
  }
}

module attributes {stable_mosaic.version = 14 : i64} {
  func.func @_dense_body(%arg0: i32, %arg1: i32, %arg2: memref<1x8x2048xf32, #tpu.memory_space<vmem>>, %arg3: memref<1x8x2048xf32, #tpu.memory_space<vmem>>, %arg4: memref<1x8x2048xf32, #tpu.memory_space<vmem>>, %arg5: memref<8x2048xf32, #tpu.memory_space<vmem>>, %arg6: memref<8x2048xi32, #tpu.memory_space<vmem>>, %arg7: memref<16x1xf32, #tpu.memory_space<vmem>>, %arg8: memref<128x16xf32, #tpu.memory_space<vmem>>, %arg9: memref<64x2xf32, #tpu.memory_space<vmem>>, %arg10: memref<64x1xf32, #tpu.memory_space<vmem>>, %arg11: memref<1x4x65x64xf32, #tpu.memory_space<vmem>>) attributes {dimension_semantics = [#tpu.dimension_semantics<arbitrary>, #tpu.dimension_semantics<arbitrary>], iteration_bounds = array<i64: 2, 25>, scalar_prefetch = 0 : i64, scratch_operands = 0 : i64, tpu.core_type = #tpu.core_type<tc>, window_params = [{transform_indices = @transform_0, window_bounds = array<i64: 1, 8, 2048>}, {transform_indices = @transform_1, window_bounds = array<i64: 1, 8, 2048>}, {transform_indices = @transform_2, window_bounds = array<i64: 1, 8, 2048>}, {transform_indices = @transform_3, window_bounds = array<i64: 8, 2048>}, {transform_indices = @transform_4, window_bounds = array<i64: 8, 2048>}, {pipeline_mode = #tpu.pipeline_mode<synchronous>, transform_indices = @transform_5, window_bounds = array<i64: 16, 1>}, {pipeline_mode = #tpu.pipeline_mode<synchronous>, transform_indices = @transform_6, window_bounds = array<i64: 128, 16>}, {pipeline_mode = #tpu.pipeline_mode<synchronous>, transform_indices = @transform_7, window_bounds = array<i64: 64, 2>}, {pipeline_mode = #tpu.pipeline_mode<synchronous>, transform_indices = @transform_8, window_bounds = array<i64: 64, 1>}, {transform_indices = @transform_9, window_bounds = array<i64: 1, 4, 65, 64>}]} {
    %get3A = arith.constant 0 : index
    %get3A_0 = arith.constant 0 : index
    %get3A_1 = vector.load %arg7[%get3A, %get3A_0] : memref<16x1xf32, #tpu.memory_space<vmem>>, vector<16x1xf32>
    %get3A_2 = arith.constant 0 : index
    %get3A_3 = arith.constant 0 : index
    %get3A_4 = vector.load %arg8[%get3A_2, %get3A_3] : memref<128x16xf32, #tpu.memory_space<vmem>>, vector<128x16xf32>
    %max3A = arith.constant 0.000000e+00 : f32
    %max3A_5 = vector.broadcast %max3A : f32 to vector<16x1xf32>
    %max3A_6 = arith.maximumf %get3A_1, %max3A_5 : vector<16x1xf32>
    %dot_general3A = arith.constant dense<0.000000e+00> : vector<128x1xf32>
    %dot_general3A_7 = tpu.matmul %get3A_4, %max3A_6, %dot_general3A {dimension_numbers = #tpu.dot_dimension_numbers<[1], [0], [0], [1], [0, 0, 1, 1], [], []>, transpose_lhs_hint = false} : vector<128x16xf32>, vector<16x1xf32>, vector<128x1xf32> -> vector<128x1xf32>
    %neg3A = arith.constant 0.000000e+00 : f32
    %neg3A_8 = vector.broadcast %neg3A : f32 to vector<16x1xf32>
    %neg3A_9 = arith.subf %neg3A_8, %get3A_1 : vector<16x1xf32>
    %max3A_10 = arith.constant 0.000000e+00 : f32
    %max3A_11 = vector.broadcast %max3A_10 : f32 to vector<16x1xf32>
    %max3A_12 = arith.maximumf %neg3A_9, %max3A_11 : vector<16x1xf32>
    %dot_general3A_13 = arith.constant dense<0.000000e+00> : vector<128x1xf32>
    %dot_general3A_14 = tpu.matmul %get3A_4, %max3A_12, %dot_general3A_13 {dimension_numbers = #tpu.dot_dimension_numbers<[1], [0], [0], [1], [0, 0, 1, 1], [], []>, transpose_lhs_hint = false} : vector<128x16xf32>, vector<16x1xf32>, vector<128x1xf32> -> vector<128x1xf32>
    %get3A_15 = arith.constant 0 : index
    %get3A_16 = arith.constant 0 : index
    %get3A_17 = vector.load %arg9[%get3A_15, %get3A_16] : memref<64x2xf32, #tpu.memory_space<vmem>>, vector<64x2xf32>
    %slice3A = vector.extract_strided_slice %dot_general3A_7 {offsets = [0, 0], sizes = [64, 1], strides = [1, 1]} : vector<128x1xf32> to vector<64x1xf32>
    %slice3A_18 = vector.extract_strided_slice %dot_general3A_7 {offsets = [64, 0], sizes = [64, 1], strides = [1, 1]} : vector<128x1xf32> to vector<64x1xf32>
    %slice3A_19 = vector.extract_strided_slice %dot_general3A_14 {offsets = [0, 0], sizes = [64, 1], strides = [1, 1]} : vector<128x1xf32> to vector<64x1xf32>
    %slice3A_20 = vector.extract_strided_slice %dot_general3A_14 {offsets = [64, 0], sizes = [64, 1], strides = [1, 1]} : vector<128x1xf32> to vector<64x1xf32>
    %slice3A_21 = vector.extract_strided_slice %get3A_17 {offsets = [0, 0], sizes = [64, 1], strides = [1, 1]} : vector<64x2xf32> to vector<64x1xf32>
    %slice3A_22 = vector.extract_strided_slice %get3A_17 {offsets = [0, 1], sizes = [64, 1], strides = [1, 1]} : vector<64x2xf32> to vector<64x1xf32>
    %get3A_23 = arith.constant 0 : index
    %get3A_24 = arith.constant 0 : index
    %get3A_25 = vector.load %arg10[%get3A_23, %get3A_24] : memref<64x1xf32, #tpu.memory_space<vmem>>, vector<64x1xf32>
    %concatenate3A = tpu.concatenate %slice3A, %slice3A_18, %slice3A_19, %slice3A_20, %slice3A_21, %slice3A_22, %get3A_25 in 1 : vector<64x1xf32>, vector<64x1xf32>, vector<64x1xf32>, vector<64x1xf32>, vector<64x1xf32>, vector<64x1xf32>, vector<64x1xf32> -> vector<64x7xf32>
    %iota3A = tpu.iota {dimensions = array<i32: 0>} : vector<64x2048xi32>
    %broadcast_in_dim3A = arith.constant 1.000000e+00 : f32
    %broadcast_in_dim3A_26 = vector.broadcast %broadcast_in_dim3A : f32 to vector<1x2048xf32>
    %broadcast_in_dim3A_27 = arith.constant 1.000000e+00 : bf16
    %broadcast_in_dim3A_28 = vector.broadcast %broadcast_in_dim3A_27 : bf16 to vector<1x2048xbf16>
    %get3A_29 = arith.constant 0 : index
    %get3A_30 = arith.constant 0 : index
    %get3A_31 = arith.constant 0 : index
    %get3A_32 = vector.load %arg2[%get3A_29, %get3A_30, %get3A_31] : memref<1x8x2048xf32, #tpu.memory_space<vmem>>, vector<1x1x2048xf32>
    %get3A_33 = vector.shape_cast %get3A_32 : vector<1x1x2048xf32> to vector<1x2048xf32>
    %get3A_34 = arith.constant 0 : index
    %get3A_35 = arith.constant 1 : index
    %get3A_36 = arith.constant 0 : index
    %get3A_37 = vector.load %arg2[%get3A_34, %get3A_35, %get3A_36] : memref<1x8x2048xf32, #tpu.memory_space<vmem>>, vector<1x1x2048xf32>
    %get3A_38 = vector.shape_cast %get3A_37 : vector<1x1x2048xf32> to vector<1x2048xf32>
    %get3A_39 = arith.constant 0 : index
    %get3A_40 = arith.constant 0 : index
    %get3A_41 = arith.constant 0 : index
    %get3A_42 = vector.load %arg3[%get3A_39, %get3A_40, %get3A_41] : memref<1x8x2048xf32, #tpu.memory_space<vmem>>, vector<1x1x2048xf32>
    %get3A_43 = vector.shape_cast %get3A_42 : vector<1x1x2048xf32> to vector<1x2048xf32>
    %get3A_44 = arith.constant 0 : index
    %get3A_45 = arith.constant 1 : index
    %get3A_46 = arith.constant 0 : index
    %get3A_47 = vector.load %arg3[%get3A_44, %get3A_45, %get3A_46] : memref<1x8x2048xf32, #tpu.memory_space<vmem>>, vector<1x1x2048xf32>
    %get3A_48 = vector.shape_cast %get3A_47 : vector<1x1x2048xf32> to vector<1x2048xf32>
    %get3A_49 = arith.constant 0 : index
    %get3A_50 = arith.constant 0 : index
    %get3A_51 = arith.constant 0 : index
    %get3A_52 = vector.load %arg4[%get3A_49, %get3A_50, %get3A_51] : memref<1x8x2048xf32, #tpu.memory_space<vmem>>, vector<1x1x2048xf32>
    %get3A_53 = vector.shape_cast %get3A_52 : vector<1x1x2048xf32> to vector<1x2048xf32>
    %get3A_54 = arith.constant 0 : index
    %get3A_55 = arith.constant 1 : index
    %get3A_56 = arith.constant 0 : index
    %get3A_57 = vector.load %arg4[%get3A_54, %get3A_55, %get3A_56] : memref<1x8x2048xf32, #tpu.memory_space<vmem>>, vector<1x1x2048xf32>
    %get3A_58 = vector.shape_cast %get3A_57 : vector<1x1x2048xf32> to vector<1x2048xf32>
    %add3A = arith.addf %get3A_53, %get3A_58 : vector<1x2048xf32>
    %max3A_59 = arith.constant 1.000000e+00 : f32
    %max3A_60 = vector.broadcast %max3A_59 : f32 to vector<1x2048xf32>
    %max3A_61 = arith.maximumf %add3A, %max3A_60 : vector<1x2048xf32>
    %div3A = arith.constant 1.000000e+00 : f32
    %div3A_62 = vector.broadcast %div3A : f32 to vector<1x2048xf32>
    %div3A_63 = arith.divf %div3A_62, %max3A_61 : vector<1x2048xf32>
    %get3A_64 = arith.constant 0 : index
    %get3A_65 = arith.constant 0 : index
    %get3A_66 = vector.load %arg5[%get3A_64, %get3A_65] : memref<8x2048xf32, #tpu.memory_space<vmem>>, vector<1x2048xf32>
    %get3A_67 = arith.constant 1 : index
    %get3A_68 = arith.constant 0 : index
    %get3A_69 = vector.load %arg5[%get3A_67, %get3A_68] : memref<8x2048xf32, #tpu.memory_space<vmem>>, vector<1x2048xf32>
    %get3A_70 = arith.constant 0 : index
    %get3A_71 = arith.constant 0 : index
    %get3A_72 = vector.load %arg6[%get3A_70, %get3A_71] : memref<8x2048xi32, #tpu.memory_space<vmem>>, vector<1x2048xi32>
    %mul3A = arith.mulf %get3A_33, %div3A_63 : vector<1x2048xf32>
    %mul3A_73 = arith.mulf %get3A_43, %div3A_63 : vector<1x2048xf32>
    %mul3A_74 = arith.mulf %get3A_38, %div3A_63 : vector<1x2048xf32>
    %mul3A_75 = arith.mulf %get3A_48, %div3A_63 : vector<1x2048xf32>
    %concatenate3A_76 = tpu.concatenate %mul3A, %mul3A_73, %mul3A_74, %mul3A_75, %get3A_66, %get3A_69, %broadcast_in_dim3A_26 in 0 : vector<1x2048xf32>, vector<1x2048xf32>, vector<1x2048xf32>, vector<1x2048xf32>, vector<1x2048xf32>, vector<1x2048xf32>, vector<1x2048xf32> -> vector<7x2048xf32>
    %dot_general3A_77 = arith.constant dense<0.000000e+00> : vector<64x2048xf32>
    %dot_general3A_78 = tpu.matmul %concatenate3A, %concatenate3A_76, %dot_general3A_77 {dimension_numbers = #tpu.dot_dimension_numbers<[1], [0], [0], [1], [0, 0, 1, 1], [], []>, transpose_lhs_hint = false} : vector<64x7xf32>, vector<7x2048xf32>, vector<64x2048xf32> -> vector<64x2048xf32>
    %max3A_79 = arith.constant 0.000000e+00 : f32
    %max3A_80 = vector.broadcast %max3A_79 : f32 to vector<64x2048xf32>
    %max3A_81 = arith.maximumf %dot_general3A_78, %max3A_80 : vector<64x2048xf32>
    %convert_element_type3A = arith.truncf %max3A_81 : vector<64x2048xf32> to vector<64x2048xbf16>
    %eq3A = vector.broadcast %get3A_72 : vector<1x2048xi32> to vector<64x2048xi32>
    %eq3A_82 = arith.cmpi eq, %eq3A, %iota3A : vector<64x2048xi32>
    %convert_element_type3A_83 = arith.extui %eq3A_82 : vector<64x2048xi1> to vector<64x2048xi32>
    %convert_element_type3A_84 = arith.sitofp %convert_element_type3A_83 : vector<64x2048xi32> to vector<64x2048xf32>
    %convert_element_type3A_85 = arith.truncf %convert_element_type3A_84 : vector<64x2048xf32> to vector<64x2048xbf16>
    %dot_general3A_86 = arith.constant dense<0.000000e+00> : vector<64x64xf32>
    %dot_general3A_87 = tpu.matmul %convert_element_type3A, %convert_element_type3A_85, %dot_general3A_86 {dimension_numbers = #tpu.dot_dimension_numbers<[1], [1], [0], [0], [0, 0, 1, 0], [], []>, transpose_lhs_hint = false} : vector<64x2048xbf16>, vector<64x2048xbf16>, vector<64x64xf32> -> vector<64x64xf32>
    %dot_general3A_88 = arith.constant dense<0.000000e+00> : vector<1x64xf32>
    %dot_general3A_89 = tpu.matmul %broadcast_in_dim3A_28, %convert_element_type3A_85, %dot_general3A_88 {dimension_numbers = #tpu.dot_dimension_numbers<[1], [1], [0], [0], [0, 0, 1, 0], [], []>, transpose_lhs_hint = false} : vector<1x2048xbf16>, vector<64x2048xbf16>, vector<1x64xf32> -> vector<1x64xf32>
    %eq3A_90 = arith.constant 0 : i32
    %eq3A_91 = arith.cmpi eq, %arg1, %eq3A_90 : i32
    %convert_element_type3A_92 = arith.extui %eq3A_91 : i1 to i32
    %cond3A = arith.constant 0 : i32
    %cond3A_93 = arith.cmpi ne, %convert_element_type3A_92, %cond3A : i32
    scf.if %cond3A_93 {
      %swap3A = arith.constant 0 : index
      %swap3A_326 = arith.constant 0 : index
      %swap3A_327 = arith.constant 0 : index
      %swap3A_328 = arith.constant 0 : index
      %swap3A_329 = vector.load %arg11[%swap3A, %swap3A_326, %swap3A_327, %swap3A_328] : memref<1x4x65x64xf32, #tpu.memory_space<vmem>>, vector<1x1x64x64xf32>
      %swap3A_330 = vector.shape_cast %swap3A_329 : vector<1x1x64x64xf32> to vector<64x64xf32>
      %swap3A_331 = vector.shape_cast %dot_general3A_87 : vector<64x64xf32> to vector<1x1x64x64xf32>
      tpu.vector_store %arg11[%swap3A, %swap3A_326, %swap3A_327, %swap3A_328], %swap3A_331 {strides = array<i32>} : memref<1x4x65x64xf32, #tpu.memory_space<vmem>>, vector<1x1x64x64xf32>,
      %swap3A_332 = arith.constant 0 : index
      %swap3A_333 = arith.constant 0 : index
      %swap3A_334 = arith.constant 64 : index
      %swap3A_335 = arith.constant 0 : index
      %swap3A_336 = vector.load %arg11[%swap3A_332, %swap3A_333, %swap3A_334, %swap3A_335] : memref<1x4x65x64xf32, #tpu.memory_space<vmem>>, vector<1x1x1x64xf32>
      %swap3A_337 = vector.shape_cast %swap3A_336 : vector<1x1x1x64xf32> to vector<1x64xf32>
      %swap3A_338 = vector.shape_cast %dot_general3A_89 : vector<1x64xf32> to vector<1x1x1x64xf32>
      tpu.vector_store %arg11[%swap3A_332, %swap3A_333, %swap3A_334, %swap3A_335], %swap3A_338 {strides = array<i32>} : memref<1x4x65x64xf32, #tpu.memory_space<vmem>>, vector<1x1x1x64xf32>,
    } else {
    }
    %ne3A = arith.constant 0 : i32
    %ne3A_94 = arith.cmpi ne, %arg1, %ne3A : i32
    %convert_element_type3A_95 = arith.extui %ne3A_94 : i1 to i32
    %cond3A_96 = arith.constant 0 : i32
    %cond3A_97 = arith.cmpi ne, %convert_element_type3A_95, %cond3A_96 : i32
    scf.if %cond3A_97 {
      %get3A_326 = arith.constant 0 : index
      %get3A_327 = arith.constant 0 : index
      %get3A_328 = arith.constant 0 : index
      %get3A_329 = arith.constant 0 : index
      %get3A_330 = vector.load %arg11[%get3A_326, %get3A_327, %get3A_328, %get3A_329] : memref<1x4x65x64xf32, #tpu.memory_space<vmem>>, vector<1x1x64x64xf32>
      %get3A_331 = vector.shape_cast %get3A_330 : vector<1x1x64x64xf32> to vector<64x64xf32>
      %add3A_332 = arith.addf %get3A_331, %dot_general3A_87 : vector<64x64xf32>
      %swap3A = arith.constant 0 : index
      %swap3A_333 = arith.constant 0 : index
      %swap3A_334 = arith.constant 0 : index
      %swap3A_335 = arith.constant 0 : index
      %swap3A_336 = vector.load %arg11[%swap3A, %swap3A_333, %swap3A_334, %swap3A_335] : memref<1x4x65x64xf32, #tpu.memory_space<vmem>>, vector<1x1x64x64xf32>
      %swap3A_337 = vector.shape_cast %swap3A_336 : vector<1x1x64x64xf32> to vector<64x64xf32>
      %swap3A_338 = vector.shape_cast %add3A_332 : vector<64x64xf32> to vector<1x1x64x64xf32>
      tpu.vector_store %arg11[%swap3A, %swap3A_333, %swap3A_334, %swap3A_335], %swap3A_338 {strides = array<i32>} : memref<1x4x65x64xf32, #tpu.memory_space<vmem>>, vector<1x1x64x64xf32>,
      %get3A_339 = arith.constant 0 : index
      %get3A_340 = arith.constant 0 : index
      %get3A_341 = arith.constant 64 : index
      %get3A_342 = arith.constant 0 : index
      %get3A_343 = vector.load %arg11[%get3A_339, %get3A_340, %get3A_341, %get3A_342] : memref<1x4x65x64xf32, #tpu.memory_space<vmem>>, vector<1x1x1x64xf32>
      %get3A_344 = vector.shape_cast %get3A_343 : vector<1x1x1x64xf32> to vector<1x64xf32>
      %add3A_345 = arith.addf %get3A_344, %dot_general3A_89 : vector<1x64xf32>
      %swap3A_346 = arith.constant 0 : index
      %swap3A_347 = arith.constant 0 : index
      %swap3A_348 = arith.constant 64 : index
      %swap3A_349 = arith.constant 0 : index
      %swap3A_350 = vector.load %arg11[%swap3A_346, %swap3A_347, %swap3A_348, %swap3A_349] : memref<1x4x65x64xf32, #tpu.memory_space<vmem>>, vector<1x1x1x64xf32>
      %swap3A_351 = vector.shape_cast %swap3A_350 : vector<1x1x1x64xf32> to vector<1x64xf32>
      %swap3A_352 = vector.shape_cast %add3A_345 : vector<1x64xf32> to vector<1x1x1x64xf32>
      tpu.vector_store %arg11[%swap3A_346, %swap3A_347, %swap3A_348, %swap3A_349], %swap3A_352 {strides = array<i32>} : memref<1x4x65x64xf32, #tpu.memory_space<vmem>>, vector<1x1x1x64xf32>,
    } else {
    }
    %get3A_98 = arith.constant 0 : index
    %get3A_99 = arith.constant 2 : index
    %get3A_100 = arith.constant 0 : index
    %get3A_101 = vector.load %arg2[%get3A_98, %get3A_99, %get3A_100] : memref<1x8x2048xf32, #tpu.memory_space<vmem>>, vector<1x1x2048xf32>
    %get3A_102 = vector.shape_cast %get3A_101 : vector<1x1x2048xf32> to vector<1x2048xf32>
    %get3A_103 = arith.constant 0 : index
    %get3A_104 = arith.constant 3 : index
    %get3A_105 = arith.constant 0 : index
    %get3A_106 = vector.load %arg2[%get3A_103, %get3A_104, %get3A_105] : memref<1x8x2048xf32, #tpu.memory_space<vmem>>, vector<1x1x2048xf32>
    %get3A_107 = vector.shape_cast %get3A_106 : vector<1x1x2048xf32> to vector<1x2048xf32>
    %get3A_108 = arith.constant 0 : index
    %get3A_109 = arith.constant 2 : index
    %get3A_110 = arith.constant 0 : index
    %get3A_111 = vector.load %arg3[%get3A_108, %get3A_109, %get3A_110] : memref<1x8x2048xf32, #tpu.memory_space<vmem>>, vector<1x1x2048xf32>
    %get3A_112 = vector.shape_cast %get3A_111 : vector<1x1x2048xf32> to vector<1x2048xf32>
    %get3A_113 = arith.constant 0 : index
    %get3A_114 = arith.constant 3 : index
    %get3A_115 = arith.constant 0 : index
    %get3A_116 = vector.load %arg3[%get3A_113, %get3A_114, %get3A_115] : memref<1x8x2048xf32, #tpu.memory_space<vmem>>, vector<1x1x2048xf32>
    %get3A_117 = vector.shape_cast %get3A_116 : vector<1x1x2048xf32> to vector<1x2048xf32>
    %get3A_118 = arith.constant 0 : index
    %get3A_119 = arith.constant 2 : index
    %get3A_120 = arith.constant 0 : index
    %get3A_121 = vector.load %arg4[%get3A_118, %get3A_119, %get3A_120] : memref<1x8x2048xf32, #tpu.memory_space<vmem>>, vector<1x1x2048xf32>
    %get3A_122 = vector.shape_cast %get3A_121 : vector<1x1x2048xf32> to vector<1x2048xf32>
    %get3A_123 = arith.constant 0 : index
    %get3A_124 = arith.constant 3 : index
    %get3A_125 = arith.constant 0 : index
    %get3A_126 = vector.load %arg4[%get3A_123, %get3A_124, %get3A_125] : memref<1x8x2048xf32, #tpu.memory_space<vmem>>, vector<1x1x2048xf32>
    %get3A_127 = vector.shape_cast %get3A_126 : vector<1x1x2048xf32> to vector<1x2048xf32>
    %add3A_128 = arith.addf %get3A_122, %get3A_127 : vector<1x2048xf32>
    %max3A_129 = arith.constant 1.000000e+00 : f32
    %max3A_130 = vector.broadcast %max3A_129 : f32 to vector<1x2048xf32>
    %max3A_131 = arith.maximumf %add3A_128, %max3A_130 : vector<1x2048xf32>
    %div3A_132 = arith.constant 1.000000e+00 : f32
    %div3A_133 = vector.broadcast %div3A_132 : f32 to vector<1x2048xf32>
    %div3A_134 = arith.divf %div3A_133, %max3A_131 : vector<1x2048xf32>
    %get3A_135 = arith.constant 2 : index
    %get3A_136 = arith.constant 0 : index
    %get3A_137 = vector.load %arg5[%get3A_135, %get3A_136] : memref<8x2048xf32, #tpu.memory_space<vmem>>, vector<1x2048xf32>
    %get3A_138 = arith.constant 3 : index
    %get3A_139 = arith.constant 0 : index
    %get3A_140 = vector.load %arg5[%get3A_138, %get3A_139] : memref<8x2048xf32, #tpu.memory_space<vmem>>, vector<1x2048xf32>
    %get3A_141 = arith.constant 2 : index
    %get3A_142 = arith.constant 0 : index
    %get3A_143 = vector.load %arg6[%get3A_141, %get3A_142] : memref<8x2048xi32, #tpu.memory_space<vmem>>, vector<1x2048xi32>
    %mul3A_144 = arith.mulf %get3A_102, %div3A_134 : vector<1x2048xf32>
    %mul3A_145 = arith.mulf %get3A_112, %div3A_134 : vector<1x2048xf32>
    %mul3A_146 = arith.mulf %get3A_107, %div3A_134 : vector<1x2048xf32>
    %mul3A_147 = arith.mulf %get3A_117, %div3A_134 : vector<1x2048xf32>
    %concatenate3A_148 = tpu.concatenate %mul3A_144, %mul3A_145, %mul3A_146, %mul3A_147, %get3A_137, %get3A_140, %broadcast_in_dim3A_26 in 0 : vector<1x2048xf32>, vector<1x2048xf32>, vector<1x2048xf32>, vector<1x2048xf32>, vector<1x2048xf32>, vector<1x2048xf32>, vector<1x2048xf32> -> vector<7x2048xf32>
    %dot_general3A_149 = arith.constant dense<0.000000e+00> : vector<64x2048xf32>
    %dot_general3A_150 = tpu.matmul %concatenate3A, %concatenate3A_148, %dot_general3A_149 {dimension_numbers = #tpu.dot_dimension_numbers<[1], [0], [0], [1], [0, 0, 1, 1], [], []>, transpose_lhs_hint = false} : vector<64x7xf32>, vector<7x2048xf32>, vector<64x2048xf32> -> vector<64x2048xf32>
    %max3A_151 = arith.constant 0.000000e+00 : f32
    %max3A_152 = vector.broadcast %max3A_151 : f32 to vector<64x2048xf32>
    %max3A_153 = arith.maximumf %dot_general3A_150, %max3A_152 : vector<64x2048xf32>
    %convert_element_type3A_154 = arith.truncf %max3A_153 : vector<64x2048xf32> to vector<64x2048xbf16>
    %eq3A_155 = vector.broadcast %get3A_143 : vector<1x2048xi32> to vector<64x2048xi32>
    %eq3A_156 = arith.cmpi eq, %eq3A_155, %iota3A : vector<64x2048xi32>
    %convert_element_type3A_157 = arith.extui %eq3A_156 : vector<64x2048xi1> to vector<64x2048xi32>
    %convert_element_type3A_158 = arith.sitofp %convert_element_type3A_157 : vector<64x2048xi32> to vector<64x2048xf32>
    %convert_element_type3A_159 = arith.truncf %convert_element_type3A_158 : vector<64x2048xf32> to vector<64x2048xbf16>
    %dot_general3A_160 = arith.constant dense<0.000000e+00> : vector<64x64xf32>
    %dot_general3A_161 = tpu.matmul %convert_element_type3A_154, %convert_element_type3A_159, %dot_general3A_160 {dimension_numbers = #tpu.dot_dimension_numbers<[1], [1], [0], [0], [0, 0, 1, 0], [], []>, transpose_lhs_hint = false} : vector<64x2048xbf16>, vector<64x2048xbf16>, vector<64x64xf32> -> vector<64x64xf32>
    %dot_general3A_162 = arith.constant dense<0.000000e+00> : vector<1x64xf32>
    %dot_general3A_163 = tpu.matmul %broadcast_in_dim3A_28, %convert_element_type3A_159, %dot_general3A_162 {dimension_numbers = #tpu.dot_dimension_numbers<[1], [1], [0], [0], [0, 0, 1, 0], [], []>, transpose_lhs_hint = false} : vector<1x2048xbf16>, vector<64x2048xbf16>, vector<1x64xf32> -> vector<1x64xf32>
    %eq3A_164 = arith.constant 0 : i32
    %eq3A_165 = arith.cmpi eq, %arg1, %eq3A_164 : i32
    %convert_element_type3A_166 = arith.extui %eq3A_165 : i1 to i32
    %cond3A_167 = arith.constant 0 : i32
    %cond3A_168 = arith.cmpi ne, %convert_element_type3A_166, %cond3A_167 : i32
    scf.if %cond3A_168 {
      %swap3A = arith.constant 0 : index
      %swap3A_326 = arith.constant 1 : index
      %swap3A_327 = arith.constant 0 : index
      %swap3A_328 = arith.constant 0 : index
      %swap3A_329 = vector.load %arg11[%swap3A, %swap3A_326, %swap3A_327, %swap3A_328] : memref<1x4x65x64xf32, #tpu.memory_space<vmem>>, vector<1x1x64x64xf32>
      %swap3A_330 = vector.shape_cast %swap3A_329 : vector<1x1x64x64xf32> to vector<64x64xf32>
      %swap3A_331 = vector.shape_cast %dot_general3A_161 : vector<64x64xf32> to vector<1x1x64x64xf32>
      tpu.vector_store %arg11[%swap3A, %swap3A_326, %swap3A_327, %swap3A_328], %swap3A_331 {strides = array<i32>} : memref<1x4x65x64xf32, #tpu.memory_space<vmem>>, vector<1x1x64x64xf32>,
      %swap3A_332 = arith.constant 0 : index
      %swap3A_333 = arith.constant 1 : index
      %swap3A_334 = arith.constant 64 : index
      %swap3A_335 = arith.constant 0 : index
      %swap3A_336 = vector.load %arg11[%swap3A_332, %swap3A_333, %swap3A_334, %swap3A_335] : memref<1x4x65x64xf32, #tpu.memory_space<vmem>>, vector<1x1x1x64xf32>
      %swap3A_337 = vector.shape_cast %swap3A_336 : vector<1x1x1x64xf32> to vector<1x64xf32>
      %swap3A_338 = vector.shape_cast %dot_general3A_163 : vector<1x64xf32> to vector<1x1x1x64xf32>
      tpu.vector_store %arg11[%swap3A_332, %swap3A_333, %swap3A_334, %swap3A_335], %swap3A_338 {strides = array<i32>} : memref<1x4x65x64xf32, #tpu.memory_space<vmem>>, vector<1x1x1x64xf32>,
    } else {
    }
    %ne3A_169 = arith.constant 0 : i32
    %ne3A_170 = arith.cmpi ne, %arg1, %ne3A_169 : i32
    %convert_element_type3A_171 = arith.extui %ne3A_170 : i1 to i32
    %cond3A_172 = arith.constant 0 : i32
    %cond3A_173 = arith.cmpi ne, %convert_element_type3A_171, %cond3A_172 : i32
    scf.if %cond3A_173 {
      %get3A_326 = arith.constant 0 : index
      %get3A_327 = arith.constant 1 : index
      %get3A_328 = arith.constant 0 : index
      %get3A_329 = arith.constant 0 : index
      %get3A_330 = vector.load %arg11[%get3A_326, %get3A_327, %get3A_328, %get3A_329] : memref<1x4x65x64xf32, #tpu.memory_space<vmem>>, vector<1x1x64x64xf32>
      %get3A_331 = vector.shape_cast %get3A_330 : vector<1x1x64x64xf32> to vector<64x64xf32>
      %add3A_332 = arith.addf %get3A_331, %dot_general3A_161 : vector<64x64xf32>
      %swap3A = arith.constant 0 : index
      %swap3A_333 = arith.constant 1 : index
      %swap3A_334 = arith.constant 0 : index
      %swap3A_335 = arith.constant 0 : index
      %swap3A_336 = vector.load %arg11[%swap3A, %swap3A_333, %swap3A_334, %swap3A_335] : memref<1x4x65x64xf32, #tpu.memory_space<vmem>>, vector<1x1x64x64xf32>
      %swap3A_337 = vector.shape_cast %swap3A_336 : vector<1x1x64x64xf32> to vector<64x64xf32>
      %swap3A_338 = vector.shape_cast %add3A_332 : vector<64x64xf32> to vector<1x1x64x64xf32>
      tpu.vector_store %arg11[%swap3A, %swap3A_333, %swap3A_334, %swap3A_335], %swap3A_338 {strides = array<i32>} : memref<1x4x65x64xf32, #tpu.memory_space<vmem>>, vector<1x1x64x64xf32>,
      %get3A_339 = arith.constant 0 : index
      %get3A_340 = arith.constant 1 : index
      %get3A_341 = arith.constant 64 : index
      %get3A_342 = arith.constant 0 : index
      %get3A_343 = vector.load %arg11[%get3A_339, %get3A_340, %get3A_341, %get3A_342] : memref<1x4x65x64xf32, #tpu.memory_space<vmem>>, vector<1x1x1x64xf32>
      %get3A_344 = vector.shape_cast %get3A_343 : vector<1x1x1x64xf32> to vector<1x64xf32>
      %add3A_345 = arith.addf %get3A_344, %dot_general3A_163 : vector<1x64xf32>
      %swap3A_346 = arith.constant 0 : index
      %swap3A_347 = arith.constant 1 : index
      %swap3A_348 = arith.constant 64 : index
      %swap3A_349 = arith.constant 0 : index
      %swap3A_350 = vector.load %arg11[%swap3A_346, %swap3A_347, %swap3A_348, %swap3A_349] : memref<1x4x65x64xf32, #tpu.memory_space<vmem>>, vector<1x1x1x64xf32>
      %swap3A_351 = vector.shape_cast %swap3A_350 : vector<1x1x1x64xf32> to vector<1x64xf32>
      %swap3A_352 = vector.shape_cast %add3A_345 : vector<1x64xf32> to vector<1x1x1x64xf32>
      tpu.vector_store %arg11[%swap3A_346, %swap3A_347, %swap3A_348, %swap3A_349], %swap3A_352 {strides = array<i32>} : memref<1x4x65x64xf32, #tpu.memory_space<vmem>>, vector<1x1x1x64xf32>,
    } else {
    }
    %get3A_174 = arith.constant 0 : index
    %get3A_175 = arith.constant 4 : index
    %get3A_176 = arith.constant 0 : index
    %get3A_177 = vector.load %arg2[%get3A_174, %get3A_175, %get3A_176] : memref<1x8x2048xf32, #tpu.memory_space<vmem>>, vector<1x1x2048xf32>
    %get3A_178 = vector.shape_cast %get3A_177 : vector<1x1x2048xf32> to vector<1x2048xf32>
    %get3A_179 = arith.constant 0 : index
    %get3A_180 = arith.constant 5 : index
    %get3A_181 = arith.constant 0 : index
    %get3A_182 = vector.load %arg2[%get3A_179, %get3A_180, %get3A_181] : memref<1x8x2048xf32, #tpu.memory_space<vmem>>, vector<1x1x2048xf32>
    %get3A_183 = vector.shape_cast %get3A_182 : vector<1x1x2048xf32> to vector<1x2048xf32>
    %get3A_184 = arith.constant 0 : index
    %get3A_185 = arith.constant 4 : index
    %get3A_186 = arith.constant 0 : index
    %get3A_187 = vector.load %arg3[%get3A_184, %get3A_185, %get3A_186] : memref<1x8x2048xf32, #tpu.memory_space<vmem>>, vector<1x1x2048xf32>
    %get3A_188 = vector.shape_cast %get3A_187 : vector<1x1x2048xf32> to vector<1x2048xf32>
    %get3A_189 = arith.constant 0 : index
    %get3A_190 = arith.constant 5 : index
    %get3A_191 = arith.constant 0 : index
    %get3A_192 = vector.load %arg3[%get3A_189, %get3A_190, %get3A_191] : memref<1x8x2048xf32, #tpu.memory_space<vmem>>, vector<1x1x2048xf32>
    %get3A_193 = vector.shape_cast %get3A_192 : vector<1x1x2048xf32> to vector<1x2048xf32>
    %get3A_194 = arith.constant 0 : index
    %get3A_195 = arith.constant 4 : index
    %get3A_196 = arith.constant 0 : index
    %get3A_197 = vector.load %arg4[%get3A_194, %get3A_195, %get3A_196] : memref<1x8x2048xf32, #tpu.memory_space<vmem>>, vector<1x1x2048xf32>
    %get3A_198 = vector.shape_cast %get3A_197 : vector<1x1x2048xf32> to vector<1x2048xf32>
    %get3A_199 = arith.constant 0 : index
    %get3A_200 = arith.constant 5 : index
    %get3A_201 = arith.constant 0 : index
    %get3A_202 = vector.load %arg4[%get3A_199, %get3A_200, %get3A_201] : memref<1x8x2048xf32, #tpu.memory_space<vmem>>, vector<1x1x2048xf32>
    %get3A_203 = vector.shape_cast %get3A_202 : vector<1x1x2048xf32> to vector<1x2048xf32>
    %add3A_204 = arith.addf %get3A_198, %get3A_203 : vector<1x2048xf32>
    %max3A_205 = arith.constant 1.000000e+00 : f32
    %max3A_206 = vector.broadcast %max3A_205 : f32 to vector<1x2048xf32>
    %max3A_207 = arith.maximumf %add3A_204, %max3A_206 : vector<1x2048xf32>
    %div3A_208 = arith.constant 1.000000e+00 : f32
    %div3A_209 = vector.broadcast %div3A_208 : f32 to vector<1x2048xf32>
    %div3A_210 = arith.divf %div3A_209, %max3A_207 : vector<1x2048xf32>
    %get3A_211 = arith.constant 4 : index
    %get3A_212 = arith.constant 0 : index
    %get3A_213 = vector.load %arg5[%get3A_211, %get3A_212] : memref<8x2048xf32, #tpu.memory_space<vmem>>, vector<1x2048xf32>
    %get3A_214 = arith.constant 5 : index
    %get3A_215 = arith.constant 0 : index
    %get3A_216 = vector.load %arg5[%get3A_214, %get3A_215] : memref<8x2048xf32, #tpu.memory_space<vmem>>, vector<1x2048xf32>
    %get3A_217 = arith.constant 4 : index
    %get3A_218 = arith.constant 0 : index
    %get3A_219 = vector.load %arg6[%get3A_217, %get3A_218] : memref<8x2048xi32, #tpu.memory_space<vmem>>, vector<1x2048xi32>
    %mul3A_220 = arith.mulf %get3A_178, %div3A_210 : vector<1x2048xf32>
    %mul3A_221 = arith.mulf %get3A_188, %div3A_210 : vector<1x2048xf32>
    %mul3A_222 = arith.mulf %get3A_183, %div3A_210 : vector<1x2048xf32>
    %mul3A_223 = arith.mulf %get3A_193, %div3A_210 : vector<1x2048xf32>
    %concatenate3A_224 = tpu.concatenate %mul3A_220, %mul3A_221, %mul3A_222, %mul3A_223, %get3A_213, %get3A_216, %broadcast_in_dim3A_26 in 0 : vector<1x2048xf32>, vector<1x2048xf32>, vector<1x2048xf32>, vector<1x2048xf32>, vector<1x2048xf32>, vector<1x2048xf32>, vector<1x2048xf32> -> vector<7x2048xf32>
    %dot_general3A_225 = arith.constant dense<0.000000e+00> : vector<64x2048xf32>
    %dot_general3A_226 = tpu.matmul %concatenate3A, %concatenate3A_224, %dot_general3A_225 {dimension_numbers = #tpu.dot_dimension_numbers<[1], [0], [0], [1], [0, 0, 1, 1], [], []>, transpose_lhs_hint = false} : vector<64x7xf32>, vector<7x2048xf32>, vector<64x2048xf32> -> vector<64x2048xf32>
    %max3A_227 = arith.constant 0.000000e+00 : f32
    %max3A_228 = vector.broadcast %max3A_227 : f32 to vector<64x2048xf32>
    %max3A_229 = arith.maximumf %dot_general3A_226, %max3A_228 : vector<64x2048xf32>
    %convert_element_type3A_230 = arith.truncf %max3A_229 : vector<64x2048xf32> to vector<64x2048xbf16>
    %eq3A_231 = vector.broadcast %get3A_219 : vector<1x2048xi32> to vector<64x2048xi32>
    %eq3A_232 = arith.cmpi eq, %eq3A_231, %iota3A : vector<64x2048xi32>
    %convert_element_type3A_233 = arith.extui %eq3A_232 : vector<64x2048xi1> to vector<64x2048xi32>
    %convert_element_type3A_234 = arith.sitofp %convert_element_type3A_233 : vector<64x2048xi32> to vector<64x2048xf32>
    %convert_element_type3A_235 = arith.truncf %convert_element_type3A_234 : vector<64x2048xf32> to vector<64x2048xbf16>
    %dot_general3A_236 = arith.constant dense<0.000000e+00> : vector<64x64xf32>
    %dot_general3A_237 = tpu.matmul %convert_element_type3A_230, %convert_element_type3A_235, %dot_general3A_236 {dimension_numbers = #tpu.dot_dimension_numbers<[1], [1], [0], [0], [0, 0, 1, 0], [], []>, transpose_lhs_hint = false} : vector<64x2048xbf16>, vector<64x2048xbf16>, vector<64x64xf32> -> vector<64x64xf32>
    %dot_general3A_238 = arith.constant dense<0.000000e+00> : vector<1x64xf32>
    %dot_general3A_239 = tpu.matmul %broadcast_in_dim3A_28, %convert_element_type3A_235, %dot_general3A_238 {dimension_numbers = #tpu.dot_dimension_numbers<[1], [1], [0], [0], [0, 0, 1, 0], [], []>, transpose_lhs_hint = false} : vector<1x2048xbf16>, vector<64x2048xbf16>, vector<1x64xf32> -> vector<1x64xf32>
    %eq3A_240 = arith.constant 0 : i32
    %eq3A_241 = arith.cmpi eq, %arg1, %eq3A_240 : i32
    %convert_element_type3A_242 = arith.extui %eq3A_241 : i1 to i32
    %cond3A_243 = arith.constant 0 : i32
    %cond3A_244 = arith.cmpi ne, %convert_element_type3A_242, %cond3A_243 : i32
    scf.if %cond3A_244 {
      %swap3A = arith.constant 0 : index
      %swap3A_326 = arith.constant 2 : index
      %swap3A_327 = arith.constant 0 : index
      %swap3A_328 = arith.constant 0 : index
      %swap3A_329 = vector.load %arg11[%swap3A, %swap3A_326, %swap3A_327, %swap3A_328] : memref<1x4x65x64xf32, #tpu.memory_space<vmem>>, vector<1x1x64x64xf32>
      %swap3A_330 = vector.shape_cast %swap3A_329 : vector<1x1x64x64xf32> to vector<64x64xf32>
      %swap3A_331 = vector.shape_cast %dot_general3A_237 : vector<64x64xf32> to vector<1x1x64x64xf32>
      tpu.vector_store %arg11[%swap3A, %swap3A_326, %swap3A_327, %swap3A_328], %swap3A_331 {strides = array<i32>} : memref<1x4x65x64xf32, #tpu.memory_space<vmem>>, vector<1x1x64x64xf32>,
      %swap3A_332 = arith.constant 0 : index
      %swap3A_333 = arith.constant 2 : index
      %swap3A_334 = arith.constant 64 : index
      %swap3A_335 = arith.constant 0 : index
      %swap3A_336 = vector.load %arg11[%swap3A_332, %swap3A_333, %swap3A_334, %swap3A_335] : memref<1x4x65x64xf32, #tpu.memory_space<vmem>>, vector<1x1x1x64xf32>
      %swap3A_337 = vector.shape_cast %swap3A_336 : vector<1x1x1x64xf32> to vector<1x64xf32>
      %swap3A_338 = vector.shape_cast %dot_general3A_239 : vector<1x64xf32> to vector<1x1x1x64xf32>
      tpu.vector_store %arg11[%swap3A_332, %swap3A_333, %swap3A_334, %swap3A_335], %swap3A_338 {strides = array<i32>} : memref<1x4x65x64xf32, #tpu.memory_space<vmem>>, vector<1x1x1x64xf32>,
    } else {
    }
    %ne3A_245 = arith.constant 0 : i32
    %ne3A_246 = arith.cmpi ne, %arg1, %ne3A_245 : i32
    %convert_element_type3A_247 = arith.extui %ne3A_246 : i1 to i32
    %cond3A_248 = arith.constant 0 : i32
    %cond3A_249 = arith.cmpi ne, %convert_element_type3A_247, %cond3A_248 : i32
    scf.if %cond3A_249 {
      %get3A_326 = arith.constant 0 : index
      %get3A_327 = arith.constant 2 : index
      %get3A_328 = arith.constant 0 : index
      %get3A_329 = arith.constant 0 : index
      %get3A_330 = vector.load %arg11[%get3A_326, %get3A_327, %get3A_328, %get3A_329] : memref<1x4x65x64xf32, #tpu.memory_space<vmem>>, vector<1x1x64x64xf32>
      %get3A_331 = vector.shape_cast %get3A_330 : vector<1x1x64x64xf32> to vector<64x64xf32>
      %add3A_332 = arith.addf %get3A_331, %dot_general3A_237 : vector<64x64xf32>
      %swap3A = arith.constant 0 : index
      %swap3A_333 = arith.constant 2 : index
      %swap3A_334 = arith.constant 0 : index
      %swap3A_335 = arith.constant 0 : index
      %swap3A_336 = vector.load %arg11[%swap3A, %swap3A_333, %swap3A_334, %swap3A_335] : memref<1x4x65x64xf32, #tpu.memory_space<vmem>>, vector<1x1x64x64xf32>
      %swap3A_337 = vector.shape_cast %swap3A_336 : vector<1x1x64x64xf32> to vector<64x64xf32>
      %swap3A_338 = vector.shape_cast %add3A_332 : vector<64x64xf32> to vector<1x1x64x64xf32>
      tpu.vector_store %arg11[%swap3A, %swap3A_333, %swap3A_334, %swap3A_335], %swap3A_338 {strides = array<i32>} : memref<1x4x65x64xf32, #tpu.memory_space<vmem>>, vector<1x1x64x64xf32>,
      %get3A_339 = arith.constant 0 : index
      %get3A_340 = arith.constant 2 : index
      %get3A_341 = arith.constant 64 : index
      %get3A_342 = arith.constant 0 : index
      %get3A_343 = vector.load %arg11[%get3A_339, %get3A_340, %get3A_341, %get3A_342] : memref<1x4x65x64xf32, #tpu.memory_space<vmem>>, vector<1x1x1x64xf32>
      %get3A_344 = vector.shape_cast %get3A_343 : vector<1x1x1x64xf32> to vector<1x64xf32>
      %add3A_345 = arith.addf %get3A_344, %dot_general3A_239 : vector<1x64xf32>
      %swap3A_346 = arith.constant 0 : index
      %swap3A_347 = arith.constant 2 : index
      %swap3A_348 = arith.constant 64 : index
      %swap3A_349 = arith.constant 0 : index
      %swap3A_350 = vector.load %arg11[%swap3A_346, %swap3A_347, %swap3A_348, %swap3A_349] : memref<1x4x65x64xf32, #tpu.memory_space<vmem>>, vector<1x1x1x64xf32>
      %swap3A_351 = vector.shape_cast %swap3A_350 : vector<1x1x1x64xf32> to vector<1x64xf32>
      %swap3A_352 = vector.shape_cast %add3A_345 : vector<1x64xf32> to vector<1x1x1x64xf32>
      tpu.vector_store %arg11[%swap3A_346, %swap3A_347, %swap3A_348, %swap3A_349], %swap3A_352 {strides = array<i32>} : memref<1x4x65x64xf32, #tpu.memory_space<vmem>>, vector<1x1x1x64xf32>,
    } else {
    }
    %get3A_250 = arith.constant 0 : index
    %get3A_251 = arith.constant 6 : index
    %get3A_252 = arith.constant 0 : index
    %get3A_253 = vector.load %arg2[%get3A_250, %get3A_251, %get3A_252] : memref<1x8x2048xf32, #tpu.memory_space<vmem>>, vector<1x1x2048xf32>
    %get3A_254 = vector.shape_cast %get3A_253 : vector<1x1x2048xf32> to vector<1x2048xf32>
    %get3A_255 = arith.constant 0 : index
    %get3A_256 = arith.constant 7 : index
    %get3A_257 = arith.constant 0 : index
    %get3A_258 = vector.load %arg2[%get3A_255, %get3A_256, %get3A_257] : memref<1x8x2048xf32, #tpu.memory_space<vmem>>, vector<1x1x2048xf32>
    %get3A_259 = vector.shape_cast %get3A_258 : vector<1x1x2048xf32> to vector<1x2048xf32>
    %get3A_260 = arith.constant 0 : index
    %get3A_261 = arith.constant 6 : index
    %get3A_262 = arith.constant 0 : index
    %get3A_263 = vector.load %arg3[%get3A_260, %get3A_261, %get3A_262] : memref<1x8x2048xf32, #tpu.memory_space<vmem>>, vector<1x1x2048xf32>
    %get3A_264 = vector.shape_cast %get3A_263 : vector<1x1x2048xf32> to vector<1x2048xf32>
    %get3A_265 = arith.constant 0 : index
    %get3A_266 = arith.constant 7 : index
    %get3A_267 = arith.constant 0 : index
    %get3A_268 = vector.load %arg3[%get3A_265, %get3A_266, %get3A_267] : memref<1x8x2048xf32, #tpu.memory_space<vmem>>, vector<1x1x2048xf32>
    %get3A_269 = vector.shape_cast %get3A_268 : vector<1x1x2048xf32> to vector<1x2048xf32>
    %get3A_270 = arith.constant 0 : index
    %get3A_271 = arith.constant 6 : index
    %get3A_272 = arith.constant 0 : index
    %get3A_273 = vector.load %arg4[%get3A_270, %get3A_271, %get3A_272] : memref<1x8x2048xf32, #tpu.memory_space<vmem>>, vector<1x1x2048xf32>
    %get3A_274 = vector.shape_cast %get3A_273 : vector<1x1x2048xf32> to vector<1x2048xf32>
    %get3A_275 = arith.constant 0 : index
    %get3A_276 = arith.constant 7 : index
    %get3A_277 = arith.constant 0 : index
    %get3A_278 = vector.load %arg4[%get3A_275, %get3A_276, %get3A_277] : memref<1x8x2048xf32, #tpu.memory_space<vmem>>, vector<1x1x2048xf32>
    %get3A_279 = vector.shape_cast %get3A_278 : vector<1x1x2048xf32> to vector<1x2048xf32>
    %add3A_280 = arith.addf %get3A_274, %get3A_279 : vector<1x2048xf32>
    %max3A_281 = arith.constant 1.000000e+00 : f32
    %max3A_282 = vector.broadcast %max3A_281 : f32 to vector<1x2048xf32>
    %max3A_283 = arith.maximumf %add3A_280, %max3A_282 : vector<1x2048xf32>
    %div3A_284 = arith.constant 1.000000e+00 : f32
    %div3A_285 = vector.broadcast %div3A_284 : f32 to vector<1x2048xf32>
    %div3A_286 = arith.divf %div3A_285, %max3A_283 : vector<1x2048xf32>
    %get3A_287 = arith.constant 6 : index
    %get3A_288 = arith.constant 0 : index
    %get3A_289 = vector.load %arg5[%get3A_287, %get3A_288] : memref<8x2048xf32, #tpu.memory_space<vmem>>, vector<1x2048xf32>
    %get3A_290 = arith.constant 7 : index
    %get3A_291 = arith.constant 0 : index
    %get3A_292 = vector.load %arg5[%get3A_290, %get3A_291] : memref<8x2048xf32, #tpu.memory_space<vmem>>, vector<1x2048xf32>
    %get3A_293 = arith.constant 6 : index
    %get3A_294 = arith.constant 0 : index
    %get3A_295 = vector.load %arg6[%get3A_293, %get3A_294] : memref<8x2048xi32, #tpu.memory_space<vmem>>, vector<1x2048xi32>
    %mul3A_296 = arith.mulf %get3A_254, %div3A_286 : vector<1x2048xf32>
    %mul3A_297 = arith.mulf %get3A_264, %div3A_286 : vector<1x2048xf32>
    %mul3A_298 = arith.mulf %get3A_259, %div3A_286 : vector<1x2048xf32>
    %mul3A_299 = arith.mulf %get3A_269, %div3A_286 : vector<1x2048xf32>
    %concatenate3A_300 = tpu.concatenate %mul3A_296, %mul3A_297, %mul3A_298, %mul3A_299, %get3A_289, %get3A_292, %broadcast_in_dim3A_26 in 0 : vector<1x2048xf32>, vector<1x2048xf32>, vector<1x2048xf32>, vector<1x2048xf32>, vector<1x2048xf32>, vector<1x2048xf32>, vector<1x2048xf32> -> vector<7x2048xf32>
    %dot_general3A_301 = arith.constant dense<0.000000e+00> : vector<64x2048xf32>
    %dot_general3A_302 = tpu.matmul %concatenate3A, %concatenate3A_300, %dot_general3A_301 {dimension_numbers = #tpu.dot_dimension_numbers<[1], [0], [0], [1], [0, 0, 1, 1], [], []>, transpose_lhs_hint = false} : vector<64x7xf32>, vector<7x2048xf32>, vector<64x2048xf32> -> vector<64x2048xf32>
    %max3A_303 = arith.constant 0.000000e+00 : f32
    %max3A_304 = vector.broadcast %max3A_303 : f32 to vector<64x2048xf32>
    %max3A_305 = arith.maximumf %dot_general3A_302, %max3A_304 : vector<64x2048xf32>
    %convert_element_type3A_306 = arith.truncf %max3A_305 : vector<64x2048xf32> to vector<64x2048xbf16>
    %eq3A_307 = vector.broadcast %get3A_295 : vector<1x2048xi32> to vector<64x2048xi32>
    %eq3A_308 = arith.cmpi eq, %eq3A_307, %iota3A : vector<64x2048xi32>
    %convert_element_type3A_309 = arith.extui %eq3A_308 : vector<64x2048xi1> to vector<64x2048xi32>
    %convert_element_type3A_310 = arith.sitofp %convert_element_type3A_309 : vector<64x2048xi32> to vector<64x2048xf32>
    %convert_element_type3A_311 = arith.truncf %convert_element_type3A_310 : vector<64x2048xf32> to vector<64x2048xbf16>
    %dot_general3A_312 = arith.constant dense<0.000000e+00> : vector<64x64xf32>
    %dot_general3A_313 = tpu.matmul %convert_element_type3A_306, %convert_element_type3A_311, %dot_general3A_312 {dimension_numbers = #tpu.dot_dimension_numbers<[1], [1], [0], [0], [0, 0, 1, 0], [], []>, transpose_lhs_hint = false} : vector<64x2048xbf16>, vector<64x2048xbf16>, vector<64x64xf32> -> vector<64x64xf32>
    %dot_general3A_314 = arith.constant dense<0.000000e+00> : vector<1x64xf32>
    %dot_general3A_315 = tpu.matmul %broadcast_in_dim3A_28, %convert_element_type3A_311, %dot_general3A_314 {dimension_numbers = #tpu.dot_dimension_numbers<[1], [1], [0], [0], [0, 0, 1, 0], [], []>, transpose_lhs_hint = false} : vector<1x2048xbf16>, vector<64x2048xbf16>, vector<1x64xf32> -> vector<1x64xf32>
    %eq3A_316 = arith.constant 0 : i32
    %eq3A_317 = arith.cmpi eq, %arg1, %eq3A_316 : i32
    %convert_element_type3A_318 = arith.extui %eq3A_317 : i1 to i32
    %cond3A_319 = arith.constant 0 : i32
    %cond3A_320 = arith.cmpi ne, %convert_element_type3A_318, %cond3A_319 : i32
    scf.if %cond3A_320 {
      %swap3A = arith.constant 0 : index
      %swap3A_326 = arith.constant 3 : index
      %swap3A_327 = arith.constant 0 : index
      %swap3A_328 = arith.constant 0 : index
      %swap3A_329 = vector.load %arg11[%swap3A, %swap3A_326, %swap3A_327, %swap3A_328] : memref<1x4x65x64xf32, #tpu.memory_space<vmem>>, vector<1x1x64x64xf32>
      %swap3A_330 = vector.shape_cast %swap3A_329 : vector<1x1x64x64xf32> to vector<64x64xf32>
      %swap3A_331 = vector.shape_cast %dot_general3A_313 : vector<64x64xf32> to vector<1x1x64x64xf32>
      tpu.vector_store %arg11[%swap3A, %swap3A_326, %swap3A_327, %swap3A_328], %swap3A_331 {strides = array<i32>} : memref<1x4x65x64xf32, #tpu.memory_space<vmem>>, vector<1x1x64x64xf32>,
      %swap3A_332 = arith.constant 0 : index
      %swap3A_333 = arith.constant 3 : index
      %swap3A_334 = arith.constant 64 : index
      %swap3A_335 = arith.constant 0 : index
      %swap3A_336 = vector.load %arg11[%swap3A_332, %swap3A_333, %swap3A_334, %swap3A_335] : memref<1x4x65x64xf32, #tpu.memory_space<vmem>>, vector<1x1x1x64xf32>
      %swap3A_337 = vector.shape_cast %swap3A_336 : vector<1x1x1x64xf32> to vector<1x64xf32>
      %swap3A_338 = vector.shape_cast %dot_general3A_315 : vector<1x64xf32> to vector<1x1x1x64xf32>
      tpu.vector_store %arg11[%swap3A_332, %swap3A_333, %swap3A_334, %swap3A_335], %swap3A_338 {strides = array<i32>} : memref<1x4x65x64xf32, #tpu.memory_space<vmem>>, vector<1x1x1x64xf32>,
    } else {
    }
    %ne3A_321 = arith.constant 0 : i32
    %ne3A_322 = arith.cmpi ne, %arg1, %ne3A_321 : i32
    %convert_element_type3A_323 = arith.extui %ne3A_322 : i1 to i32
    %cond3A_324 = arith.constant 0 : i32
    %cond3A_325 = arith.cmpi ne, %convert_element_type3A_323, %cond3A_324 : i32
    scf.if %cond3A_325 {
      %get3A_326 = arith.constant 0 : index
      %get3A_327 = arith.constant 3 : index
      %get3A_328 = arith.constant 0 : index
      %get3A_329 = arith.constant 0 : index
      %get3A_330 = vector.load %arg11[%get3A_326, %get3A_327, %get3A_328, %get3A_329] : memref<1x4x65x64xf32, #tpu.memory_space<vmem>>, vector<1x1x64x64xf32>
      %get3A_331 = vector.shape_cast %get3A_330 : vector<1x1x64x64xf32> to vector<64x64xf32>
      %add3A_332 = arith.addf %get3A_331, %dot_general3A_313 : vector<64x64xf32>
      %swap3A = arith.constant 0 : index
      %swap3A_333 = arith.constant 3 : index
      %swap3A_334 = arith.constant 0 : index
      %swap3A_335 = arith.constant 0 : index
      %swap3A_336 = vector.load %arg11[%swap3A, %swap3A_333, %swap3A_334, %swap3A_335] : memref<1x4x65x64xf32, #tpu.memory_space<vmem>>, vector<1x1x64x64xf32>
      %swap3A_337 = vector.shape_cast %swap3A_336 : vector<1x1x64x64xf32> to vector<64x64xf32>
      %swap3A_338 = vector.shape_cast %add3A_332 : vector<64x64xf32> to vector<1x1x64x64xf32>
      tpu.vector_store %arg11[%swap3A, %swap3A_333, %swap3A_334, %swap3A_335], %swap3A_338 {strides = array<i32>} : memref<1x4x65x64xf32, #tpu.memory_space<vmem>>, vector<1x1x64x64xf32>,
      %get3A_339 = arith.constant 0 : index
      %get3A_340 = arith.constant 3 : index
      %get3A_341 = arith.constant 64 : index
      %get3A_342 = arith.constant 0 : index
      %get3A_343 = vector.load %arg11[%get3A_339, %get3A_340, %get3A_341, %get3A_342] : memref<1x4x65x64xf32, #tpu.memory_space<vmem>>, vector<1x1x1x64xf32>
      %get3A_344 = vector.shape_cast %get3A_343 : vector<1x1x1x64xf32> to vector<1x64xf32>
      %add3A_345 = arith.addf %get3A_344, %dot_general3A_315 : vector<1x64xf32>
      %swap3A_346 = arith.constant 0 : index
      %swap3A_347 = arith.constant 3 : index
      %swap3A_348 = arith.constant 64 : index
      %swap3A_349 = arith.constant 0 : index
      %swap3A_350 = vector.load %arg11[%swap3A_346, %swap3A_347, %swap3A_348, %swap3A_349] : memref<1x4x65x64xf32, #tpu.memory_space<vmem>>, vector<1x1x1x64xf32>
      %swap3A_351 = vector.shape_cast %swap3A_350 : vector<1x1x1x64xf32> to vector<1x64xf32>
      %swap3A_352 = vector.shape_cast %add3A_345 : vector<1x64xf32> to vector<1x1x1x64xf32>
      tpu.vector_store %arg11[%swap3A_346, %swap3A_347, %swap3A_348, %swap3A_349], %swap3A_352 {strides = array<i32>} : memref<1x4x65x64xf32, #tpu.memory_space<vmem>>, vector<1x1x1x64xf32>,
    } else {
    }
    return
  }
  func.func @transform_0(%arg0: i32, %arg1: i32) -> (i32, i32, i32) {
    %c0_i32 = arith.constant 0 : i32
    %c0_i32_0 = arith.constant 0 : i32
    return %c0_i32, %arg0, %arg1 : i32, i32, i32
  }
  func.func @transform_1(%arg0: i32, %arg1: i32) -> (i32, i32, i32) {
    %c1_i32 = arith.constant 1 : i32
    %c0_i32 = arith.constant 0 : i32
    return %c1_i32, %arg0, %arg1 : i32, i32, i32
  }
  func.func @transform_2(%arg0: i32, %arg1: i32) -> (i32, i32, i32) {
    %c2_i32 = arith.constant 2 : i32
    %c0_i32 = arith.constant 0 : i32
    return %c2_i32, %arg0, %arg1 : i32, i32, i32
  }
  func.func @transform_3(%arg0: i32, %arg1: i32) -> (i32, i32) {
    %c0_i32 = arith.constant 0 : i32
    return %arg0, %arg1 : i32, i32
  }
  func.func @transform_4(%arg0: i32, %arg1: i32) -> (i32, i32) {
    %c0_i32 = arith.constant 0 : i32
    return %arg0, %arg1 : i32, i32
  }
  func.func @transform_5(%arg0: i32, %arg1: i32) -> (i32, i32) {
    %c0_i32 = arith.constant 0 : i32
    %c0_i32_0 = arith.constant 0 : i32
    %c0_i32_1 = arith.constant 0 : i32
    return %c0_i32, %c0_i32_0 : i32, i32
  }
  func.func @transform_6(%arg0: i32, %arg1: i32) -> (i32, i32) {
    %c0_i32 = arith.constant 0 : i32
    %c0_i32_0 = arith.constant 0 : i32
    %c0_i32_1 = arith.constant 0 : i32
    return %c0_i32, %c0_i32_0 : i32, i32
  }
  func.func @transform_7(%arg0: i32, %arg1: i32) -> (i32, i32) {
    %c0_i32 = arith.constant 0 : i32
    %c0_i32_0 = arith.constant 0 : i32
    %c0_i32_1 = arith.constant 0 : i32
    return %c0_i32, %c0_i32_0 : i32, i32
  }
  func.func @transform_8(%arg0: i32, %arg1: i32) -> (i32, i32) {
    %c0_i32 = arith.constant 0 : i32
    %c0_i32_0 = arith.constant 0 : i32
    %c0_i32_1 = arith.constant 0 : i32
    return %c0_i32, %c0_i32_0 : i32, i32
  }
  func.func @transform_9(%arg0: i32, %arg1: i32) -> (i32, i32, i32, i32) {
    %c0_i32 = arith.constant 0 : i32
    %c0_i32_0 = arith.constant 0 : i32
    %c0_i32_1 = arith.constant 0 : i32
    %c0_i32_2 = arith.constant 0 : i32
    return %arg0, %c0_i32, %c0_i32_0, %c0_i32_1 : i32, i32, i32, i32
  }
}

module attributes {stable_mosaic.version = 14 : i64} {
  func.func @_gru_body(%arg0: memref<8x65x64xf32, #tpu.memory_space<vmem>>, %arg1: memref<96x64xf32, #tpu.memory_space<vmem>>, %arg2: memref<96x32xf32, #tpu.memory_space<vmem>>, %arg3: memref<96x1xf32, #tpu.memory_space<vmem>>, %arg4: memref<96x1xf32, #tpu.memory_space<vmem>>, %arg5: memref<1x32xf32, #tpu.memory_space<vmem>>, %arg6: memref<1x1xf32, #tpu.memory_space<vmem>>, %arg7: memref<1x64xf32, #tpu.memory_space<vmem>>) attributes {dimension_semantics = [], scalar_prefetch = 0 : i64, scratch_operands = 0 : i64, tpu.core_type = #tpu.core_type<tc>} {
    %get3A = arith.constant 0 : index
    %get3A_0 = arith.constant 0 : index
    %get3A_1 = vector.load %arg1[%get3A, %get3A_0] : memref<96x64xf32, #tpu.memory_space<vmem>>, vector<96x64xf32>
    %get3A_2 = arith.constant 0 : index
    %get3A_3 = arith.constant 0 : index
    %get3A_4 = vector.load %arg2[%get3A_2, %get3A_3] : memref<96x32xf32, #tpu.memory_space<vmem>>, vector<96x32xf32>
    %get3A_5 = arith.constant 0 : index
    %get3A_6 = arith.constant 0 : index
    %get3A_7 = vector.load %arg3[%get3A_5, %get3A_6] : memref<96x1xf32, #tpu.memory_space<vmem>>, vector<96x1xf32>
    %get3A_8 = arith.constant 0 : index
    %get3A_9 = arith.constant 0 : index
    %get3A_10 = vector.load %arg4[%get3A_8, %get3A_9] : memref<96x1xf32, #tpu.memory_space<vmem>>, vector<96x1xf32>
    %broadcast_in_dim3A = arith.constant 0.000000e+00 : f32
    %broadcast_in_dim3A_11 = vector.broadcast %broadcast_in_dim3A : f32 to vector<32x64xf32>
    %get3A_12 = arith.constant 0 : index
    %get3A_13 = arith.constant 0 : index
    %get3A_14 = arith.constant 0 : index
    %get3A_15 = vector.load %arg0[%get3A_12, %get3A_13, %get3A_14] : memref<8x65x64xf32, #tpu.memory_space<vmem>>, vector<1x65x64xf32>
    %get3A_16 = vector.shape_cast %get3A_15 : vector<1x65x64xf32> to vector<65x64xf32>
    %slice3A = vector.extract_strided_slice %get3A_16 {offsets = [0, 0], sizes = [64, 64], strides = [1, 1]} : vector<65x64xf32> to vector<64x64xf32>
    %slice3A_17 = vector.extract_strided_slice %get3A_16 {offsets = [64, 0], sizes = [1, 64], strides = [1, 1]} : vector<65x64xf32> to vector<1x64xf32>
    %max3A = arith.constant 1.000000e+00 : f32
    %max3A_18 = vector.broadcast %max3A : f32 to vector<1x64xf32>
    %max3A_19 = arith.maximumf %slice3A_17, %max3A_18 : vector<1x64xf32>
    %div3A = vector.broadcast %max3A_19 : vector<1x64xf32> to vector<64x64xf32>
    %div3A_20 = arith.divf %slice3A, %div3A : vector<64x64xf32>
    %dot_general3A = arith.constant dense<0.000000e+00> : vector<96x64xf32>
    %dot_general3A_21 = tpu.matmul %get3A_1, %div3A_20, %dot_general3A {dimension_numbers = #tpu.dot_dimension_numbers<[1], [0], [0], [1], [0, 0, 1, 1], [], []>, transpose_lhs_hint = false} : vector<96x64xf32>, vector<64x64xf32>, vector<96x64xf32> -> vector<96x64xf32>
    %add3A = vector.broadcast %get3A_7 : vector<96x1xf32> to vector<96x64xf32>
    %add3A_22 = arith.addf %dot_general3A_21, %add3A : vector<96x64xf32>
    %dot_general3A_23 = arith.constant dense<0.000000e+00> : vector<96x64xf32>
    %dot_general3A_24 = tpu.matmul %get3A_4, %broadcast_in_dim3A_11, %dot_general3A_23 {dimension_numbers = #tpu.dot_dimension_numbers<[1], [0], [0], [1], [0, 0, 1, 1], [], []>, transpose_lhs_hint = false} : vector<96x32xf32>, vector<32x64xf32>, vector<96x64xf32> -> vector<96x64xf32>
    %add3A_25 = vector.broadcast %get3A_10 : vector<96x1xf32> to vector<96x64xf32>
    %add3A_26 = arith.addf %dot_general3A_24, %add3A_25 : vector<96x64xf32>
    %slice3A_27 = vector.extract_strided_slice %add3A_22 {offsets = [0, 0], sizes = [32, 64], strides = [1, 1]} : vector<96x64xf32> to vector<32x64xf32>
    %slice3A_28 = vector.extract_strided_slice %add3A_26 {offsets = [0, 0], sizes = [32, 64], strides = [1, 1]} : vector<96x64xf32> to vector<32x64xf32>
    %add3A_29 = arith.addf %slice3A_27, %slice3A_28 : vector<32x64xf32>
    %logistic3A = arith.negf %add3A_29 : vector<32x64xf32>
    %logistic3A_30 = math.exp %logistic3A : vector<32x64xf32>
    %logistic3A_31 = arith.constant 1.000000e+00 : f32
    %logistic3A_32 = vector.broadcast %logistic3A_31 : f32 to vector<32x64xf32>
    %logistic3A_33 = arith.addf %logistic3A_32, %logistic3A_30 : vector<32x64xf32>
    %logistic3A_34 = arith.divf %logistic3A_32, %logistic3A_33 : vector<32x64xf32>
    %slice3A_35 = vector.extract_strided_slice %add3A_22 {offsets = [32, 0], sizes = [32, 64], strides = [1, 1]} : vector<96x64xf32> to vector<32x64xf32>
    %slice3A_36 = vector.extract_strided_slice %add3A_26 {offsets = [32, 0], sizes = [32, 64], strides = [1, 1]} : vector<96x64xf32> to vector<32x64xf32>
    %add3A_37 = arith.addf %slice3A_35, %slice3A_36 : vector<32x64xf32>
    %logistic3A_38 = arith.negf %add3A_37 : vector<32x64xf32>
    %logistic3A_39 = math.exp %logistic3A_38 : vector<32x64xf32>
    %logistic3A_40 = arith.constant 1.000000e+00 : f32
    %logistic3A_41 = vector.broadcast %logistic3A_40 : f32 to vector<32x64xf32>
    %logistic3A_42 = arith.addf %logistic3A_41, %logistic3A_39 : vector<32x64xf32>
    %logistic3A_43 = arith.divf %logistic3A_41, %logistic3A_42 : vector<32x64xf32>
    %slice3A_44 = vector.extract_strided_slice %add3A_22 {offsets = [64, 0], sizes = [32, 64], strides = [1, 1]} : vector<96x64xf32> to vector<32x64xf32>
    %slice3A_45 = vector.extract_strided_slice %add3A_26 {offsets = [64, 0], sizes = [32, 64], strides = [1, 1]} : vector<96x64xf32> to vector<32x64xf32>
    %mul3A = arith.mulf %logistic3A_34, %slice3A_45 : vector<32x64xf32>
    %add3A_46 = arith.addf %slice3A_44, %mul3A : vector<32x64xf32>
    %tanh3A = math.tanh %add3A_46 : vector<32x64xf32>
    %sub3A = arith.constant 1.000000e+00 : f32
    %sub3A_47 = vector.broadcast %sub3A : f32 to vector<32x64xf32>
    %sub3A_48 = arith.subf %sub3A_47, %logistic3A_43 : vector<32x64xf32>
    %mul3A_49 = arith.mulf %sub3A_48, %tanh3A : vector<32x64xf32>
    %mul3A_50 = arith.mulf %logistic3A_43, %broadcast_in_dim3A_11 : vector<32x64xf32>
    %add3A_51 = arith.addf %mul3A_49, %mul3A_50 : vector<32x64xf32>
    %get3A_52 = arith.constant 1 : index
    %get3A_53 = arith.constant 0 : index
    %get3A_54 = arith.constant 0 : index
    %get3A_55 = vector.load %arg0[%get3A_52, %get3A_53, %get3A_54] : memref<8x65x64xf32, #tpu.memory_space<vmem>>, vector<1x65x64xf32>
    %get3A_56 = vector.shape_cast %get3A_55 : vector<1x65x64xf32> to vector<65x64xf32>
    %slice3A_57 = vector.extract_strided_slice %get3A_56 {offsets = [0, 0], sizes = [64, 64], strides = [1, 1]} : vector<65x64xf32> to vector<64x64xf32>
    %slice3A_58 = vector.extract_strided_slice %get3A_56 {offsets = [64, 0], sizes = [1, 64], strides = [1, 1]} : vector<65x64xf32> to vector<1x64xf32>
    %max3A_59 = arith.constant 1.000000e+00 : f32
    %max3A_60 = vector.broadcast %max3A_59 : f32 to vector<1x64xf32>
    %max3A_61 = arith.maximumf %slice3A_58, %max3A_60 : vector<1x64xf32>
    %div3A_62 = vector.broadcast %max3A_61 : vector<1x64xf32> to vector<64x64xf32>
    %div3A_63 = arith.divf %slice3A_57, %div3A_62 : vector<64x64xf32>
    %dot_general3A_64 = arith.constant dense<0.000000e+00> : vector<96x64xf32>
    %dot_general3A_65 = tpu.matmul %get3A_1, %div3A_63, %dot_general3A_64 {dimension_numbers = #tpu.dot_dimension_numbers<[1], [0], [0], [1], [0, 0, 1, 1], [], []>, transpose_lhs_hint = false} : vector<96x64xf32>, vector<64x64xf32>, vector<96x64xf32> -> vector<96x64xf32>
    %add3A_66 = vector.broadcast %get3A_7 : vector<96x1xf32> to vector<96x64xf32>
    %add3A_67 = arith.addf %dot_general3A_65, %add3A_66 : vector<96x64xf32>
    %dot_general3A_68 = arith.constant dense<0.000000e+00> : vector<96x64xf32>
    %dot_general3A_69 = tpu.matmul %get3A_4, %add3A_51, %dot_general3A_68 {dimension_numbers = #tpu.dot_dimension_numbers<[1], [0], [0], [1], [0, 0, 1, 1], [], []>, transpose_lhs_hint = false} : vector<96x32xf32>, vector<32x64xf32>, vector<96x64xf32> -> vector<96x64xf32>
    %add3A_70 = vector.broadcast %get3A_10 : vector<96x1xf32> to vector<96x64xf32>
    %add3A_71 = arith.addf %dot_general3A_69, %add3A_70 : vector<96x64xf32>
    %slice3A_72 = vector.extract_strided_slice %add3A_67 {offsets = [0, 0], sizes = [32, 64], strides = [1, 1]} : vector<96x64xf32> to vector<32x64xf32>
    %slice3A_73 = vector.extract_strided_slice %add3A_71 {offsets = [0, 0], sizes = [32, 64], strides = [1, 1]} : vector<96x64xf32> to vector<32x64xf32>
    %add3A_74 = arith.addf %slice3A_72, %slice3A_73 : vector<32x64xf32>
    %logistic3A_75 = arith.negf %add3A_74 : vector<32x64xf32>
    %logistic3A_76 = math.exp %logistic3A_75 : vector<32x64xf32>
    %logistic3A_77 = arith.constant 1.000000e+00 : f32
    %logistic3A_78 = vector.broadcast %logistic3A_77 : f32 to vector<32x64xf32>
    %logistic3A_79 = arith.addf %logistic3A_78, %logistic3A_76 : vector<32x64xf32>
    %logistic3A_80 = arith.divf %logistic3A_78, %logistic3A_79 : vector<32x64xf32>
    %slice3A_81 = vector.extract_strided_slice %add3A_67 {offsets = [32, 0], sizes = [32, 64], strides = [1, 1]} : vector<96x64xf32> to vector<32x64xf32>
    %slice3A_82 = vector.extract_strided_slice %add3A_71 {offsets = [32, 0], sizes = [32, 64], strides = [1, 1]} : vector<96x64xf32> to vector<32x64xf32>
    %add3A_83 = arith.addf %slice3A_81, %slice3A_82 : vector<32x64xf32>
    %logistic3A_84 = arith.negf %add3A_83 : vector<32x64xf32>
    %logistic3A_85 = math.exp %logistic3A_84 : vector<32x64xf32>
    %logistic3A_86 = arith.constant 1.000000e+00 : f32
    %logistic3A_87 = vector.broadcast %logistic3A_86 : f32 to vector<32x64xf32>
    %logistic3A_88 = arith.addf %logistic3A_87, %logistic3A_85 : vector<32x64xf32>
    %logistic3A_89 = arith.divf %logistic3A_87, %logistic3A_88 : vector<32x64xf32>
    %slice3A_90 = vector.extract_strided_slice %add3A_67 {offsets = [64, 0], sizes = [32, 64], strides = [1, 1]} : vector<96x64xf32> to vector<32x64xf32>
    %slice3A_91 = vector.extract_strided_slice %add3A_71 {offsets = [64, 0], sizes = [32, 64], strides = [1, 1]} : vector<96x64xf32> to vector<32x64xf32>
    %mul3A_92 = arith.mulf %logistic3A_80, %slice3A_91 : vector<32x64xf32>
    %add3A_93 = arith.addf %slice3A_90, %mul3A_92 : vector<32x64xf32>
    %tanh3A_94 = math.tanh %add3A_93 : vector<32x64xf32>
    %sub3A_95 = arith.constant 1.000000e+00 : f32
    %sub3A_96 = vector.broadcast %sub3A_95 : f32 to vector<32x64xf32>
    %sub3A_97 = arith.subf %sub3A_96, %logistic3A_89 : vector<32x64xf32>
    %mul3A_98 = arith.mulf %sub3A_97, %tanh3A_94 : vector<32x64xf32>
    %mul3A_99 = arith.mulf %logistic3A_89, %add3A_51 : vector<32x64xf32>
    %add3A_100 = arith.addf %mul3A_98, %mul3A_99 : vector<32x64xf32>
    %get3A_101 = arith.constant 2 : index
    %get3A_102 = arith.constant 0 : index
    %get3A_103 = arith.constant 0 : index
    %get3A_104 = vector.load %arg0[%get3A_101, %get3A_102, %get3A_103] : memref<8x65x64xf32, #tpu.memory_space<vmem>>, vector<1x65x64xf32>
    %get3A_105 = vector.shape_cast %get3A_104 : vector<1x65x64xf32> to vector<65x64xf32>
    %slice3A_106 = vector.extract_strided_slice %get3A_105 {offsets = [0, 0], sizes = [64, 64], strides = [1, 1]} : vector<65x64xf32> to vector<64x64xf32>
    %slice3A_107 = vector.extract_strided_slice %get3A_105 {offsets = [64, 0], sizes = [1, 64], strides = [1, 1]} : vector<65x64xf32> to vector<1x64xf32>
    %max3A_108 = arith.constant 1.000000e+00 : f32
    %max3A_109 = vector.broadcast %max3A_108 : f32 to vector<1x64xf32>
    %max3A_110 = arith.maximumf %slice3A_107, %max3A_109 : vector<1x64xf32>
    %div3A_111 = vector.broadcast %max3A_110 : vector<1x64xf32> to vector<64x64xf32>
    %div3A_112 = arith.divf %slice3A_106, %div3A_111 : vector<64x64xf32>
    %dot_general3A_113 = arith.constant dense<0.000000e+00> : vector<96x64xf32>
    %dot_general3A_114 = tpu.matmul %get3A_1, %div3A_112, %dot_general3A_113 {dimension_numbers = #tpu.dot_dimension_numbers<[1], [0], [0], [1], [0, 0, 1, 1], [], []>, transpose_lhs_hint = false} : vector<96x64xf32>, vector<64x64xf32>, vector<96x64xf32> -> vector<96x64xf32>
    %add3A_115 = vector.broadcast %get3A_7 : vector<96x1xf32> to vector<96x64xf32>
    %add3A_116 = arith.addf %dot_general3A_114, %add3A_115 : vector<96x64xf32>
    %dot_general3A_117 = arith.constant dense<0.000000e+00> : vector<96x64xf32>
    %dot_general3A_118 = tpu.matmul %get3A_4, %add3A_100, %dot_general3A_117 {dimension_numbers = #tpu.dot_dimension_numbers<[1], [0], [0], [1], [0, 0, 1, 1], [], []>, transpose_lhs_hint = false} : vector<96x32xf32>, vector<32x64xf32>, vector<96x64xf32> -> vector<96x64xf32>
    %add3A_119 = vector.broadcast %get3A_10 : vector<96x1xf32> to vector<96x64xf32>
    %add3A_120 = arith.addf %dot_general3A_118, %add3A_119 : vector<96x64xf32>
    %slice3A_121 = vector.extract_strided_slice %add3A_116 {offsets = [0, 0], sizes = [32, 64], strides = [1, 1]} : vector<96x64xf32> to vector<32x64xf32>
    %slice3A_122 = vector.extract_strided_slice %add3A_120 {offsets = [0, 0], sizes = [32, 64], strides = [1, 1]} : vector<96x64xf32> to vector<32x64xf32>
    %add3A_123 = arith.addf %slice3A_121, %slice3A_122 : vector<32x64xf32>
    %logistic3A_124 = arith.negf %add3A_123 : vector<32x64xf32>
    %logistic3A_125 = math.exp %logistic3A_124 : vector<32x64xf32>
    %logistic3A_126 = arith.constant 1.000000e+00 : f32
    %logistic3A_127 = vector.broadcast %logistic3A_126 : f32 to vector<32x64xf32>
    %logistic3A_128 = arith.addf %logistic3A_127, %logistic3A_125 : vector<32x64xf32>
    %logistic3A_129 = arith.divf %logistic3A_127, %logistic3A_128 : vector<32x64xf32>
    %slice3A_130 = vector.extract_strided_slice %add3A_116 {offsets = [32, 0], sizes = [32, 64], strides = [1, 1]} : vector<96x64xf32> to vector<32x64xf32>
    %slice3A_131 = vector.extract_strided_slice %add3A_120 {offsets = [32, 0], sizes = [32, 64], strides = [1, 1]} : vector<96x64xf32> to vector<32x64xf32>
    %add3A_132 = arith.addf %slice3A_130, %slice3A_131 : vector<32x64xf32>
    %logistic3A_133 = arith.negf %add3A_132 : vector<32x64xf32>
    %logistic3A_134 = math.exp %logistic3A_133 : vector<32x64xf32>
    %logistic3A_135 = arith.constant 1.000000e+00 : f32
    %logistic3A_136 = vector.broadcast %logistic3A_135 : f32 to vector<32x64xf32>
    %logistic3A_137 = arith.addf %logistic3A_136, %logistic3A_134 : vector<32x64xf32>
    %logistic3A_138 = arith.divf %logistic3A_136, %logistic3A_137 : vector<32x64xf32>
    %slice3A_139 = vector.extract_strided_slice %add3A_116 {offsets = [64, 0], sizes = [32, 64], strides = [1, 1]} : vector<96x64xf32> to vector<32x64xf32>
    %slice3A_140 = vector.extract_strided_slice %add3A_120 {offsets = [64, 0], sizes = [32, 64], strides = [1, 1]} : vector<96x64xf32> to vector<32x64xf32>
    %mul3A_141 = arith.mulf %logistic3A_129, %slice3A_140 : vector<32x64xf32>
    %add3A_142 = arith.addf %slice3A_139, %mul3A_141 : vector<32x64xf32>
    %tanh3A_143 = math.tanh %add3A_142 : vector<32x64xf32>
    %sub3A_144 = arith.constant 1.000000e+00 : f32
    %sub3A_145 = vector.broadcast %sub3A_144 : f32 to vector<32x64xf32>
    %sub3A_146 = arith.subf %sub3A_145, %logistic3A_138 : vector<32x64xf32>
    %mul3A_147 = arith.mulf %sub3A_146, %tanh3A_143 : vector<32x64xf32>
    %mul3A_148 = arith.mulf %logistic3A_138, %add3A_100 : vector<32x64xf32>
    %add3A_149 = arith.addf %mul3A_147, %mul3A_148 : vector<32x64xf32>
    %get3A_150 = arith.constant 3 : index
    %get3A_151 = arith.constant 0 : index
    %get3A_152 = arith.constant 0 : index
    %get3A_153 = vector.load %arg0[%get3A_150, %get3A_151, %get3A_152] : memref<8x65x64xf32, #tpu.memory_space<vmem>>, vector<1x65x64xf32>
    %get3A_154 = vector.shape_cast %get3A_153 : vector<1x65x64xf32> to vector<65x64xf32>
    %slice3A_155 = vector.extract_strided_slice %get3A_154 {offsets = [0, 0], sizes = [64, 64], strides = [1, 1]} : vector<65x64xf32> to vector<64x64xf32>
    %slice3A_156 = vector.extract_strided_slice %get3A_154 {offsets = [64, 0], sizes = [1, 64], strides = [1, 1]} : vector<65x64xf32> to vector<1x64xf32>
    %max3A_157 = arith.constant 1.000000e+00 : f32
    %max3A_158 = vector.broadcast %max3A_157 : f32 to vector<1x64xf32>
    %max3A_159 = arith.maximumf %slice3A_156, %max3A_158 : vector<1x64xf32>
    %div3A_160 = vector.broadcast %max3A_159 : vector<1x64xf32> to vector<64x64xf32>
    %div3A_161 = arith.divf %slice3A_155, %div3A_160 : vector<64x64xf32>
    %dot_general3A_162 = arith.constant dense<0.000000e+00> : vector<96x64xf32>
    %dot_general3A_163 = tpu.matmul %get3A_1, %div3A_161, %dot_general3A_162 {dimension_numbers = #tpu.dot_dimension_numbers<[1], [0], [0], [1], [0, 0, 1, 1], [], []>, transpose_lhs_hint = false} : vector<96x64xf32>, vector<64x64xf32>, vector<96x64xf32> -> vector<96x64xf32>
    %add3A_164 = vector.broadcast %get3A_7 : vector<96x1xf32> to vector<96x64xf32>
    %add3A_165 = arith.addf %dot_general3A_163, %add3A_164 : vector<96x64xf32>
    %dot_general3A_166 = arith.constant dense<0.000000e+00> : vector<96x64xf32>
    %dot_general3A_167 = tpu.matmul %get3A_4, %add3A_149, %dot_general3A_166 {dimension_numbers = #tpu.dot_dimension_numbers<[1], [0], [0], [1], [0, 0, 1, 1], [], []>, transpose_lhs_hint = false} : vector<96x32xf32>, vector<32x64xf32>, vector<96x64xf32> -> vector<96x64xf32>
    %add3A_168 = vector.broadcast %get3A_10 : vector<96x1xf32> to vector<96x64xf32>
    %add3A_169 = arith.addf %dot_general3A_167, %add3A_168 : vector<96x64xf32>
    %slice3A_170 = vector.extract_strided_slice %add3A_165 {offsets = [0, 0], sizes = [32, 64], strides = [1, 1]} : vector<96x64xf32> to vector<32x64xf32>
    %slice3A_171 = vector.extract_strided_slice %add3A_169 {offsets = [0, 0], sizes = [32, 64], strides = [1, 1]} : vector<96x64xf32> to vector<32x64xf32>
    %add3A_172 = arith.addf %slice3A_170, %slice3A_171 : vector<32x64xf32>
    %logistic3A_173 = arith.negf %add3A_172 : vector<32x64xf32>
    %logistic3A_174 = math.exp %logistic3A_173 : vector<32x64xf32>
    %logistic3A_175 = arith.constant 1.000000e+00 : f32
    %logistic3A_176 = vector.broadcast %logistic3A_175 : f32 to vector<32x64xf32>
    %logistic3A_177 = arith.addf %logistic3A_176, %logistic3A_174 : vector<32x64xf32>
    %logistic3A_178 = arith.divf %logistic3A_176, %logistic3A_177 : vector<32x64xf32>
    %slice3A_179 = vector.extract_strided_slice %add3A_165 {offsets = [32, 0], sizes = [32, 64], strides = [1, 1]} : vector<96x64xf32> to vector<32x64xf32>
    %slice3A_180 = vector.extract_strided_slice %add3A_169 {offsets = [32, 0], sizes = [32, 64], strides = [1, 1]} : vector<96x64xf32> to vector<32x64xf32>
    %add3A_181 = arith.addf %slice3A_179, %slice3A_180 : vector<32x64xf32>
    %logistic3A_182 = arith.negf %add3A_181 : vector<32x64xf32>
    %logistic3A_183 = math.exp %logistic3A_182 : vector<32x64xf32>
    %logistic3A_184 = arith.constant 1.000000e+00 : f32
    %logistic3A_185 = vector.broadcast %logistic3A_184 : f32 to vector<32x64xf32>
    %logistic3A_186 = arith.addf %logistic3A_185, %logistic3A_183 : vector<32x64xf32>
    %logistic3A_187 = arith.divf %logistic3A_185, %logistic3A_186 : vector<32x64xf32>
    %slice3A_188 = vector.extract_strided_slice %add3A_165 {offsets = [64, 0], sizes = [32, 64], strides = [1, 1]} : vector<96x64xf32> to vector<32x64xf32>
    %slice3A_189 = vector.extract_strided_slice %add3A_169 {offsets = [64, 0], sizes = [32, 64], strides = [1, 1]} : vector<96x64xf32> to vector<32x64xf32>
    %mul3A_190 = arith.mulf %logistic3A_178, %slice3A_189 : vector<32x64xf32>
    %add3A_191 = arith.addf %slice3A_188, %mul3A_190 : vector<32x64xf32>
    %tanh3A_192 = math.tanh %add3A_191 : vector<32x64xf32>
    %sub3A_193 = arith.constant 1.000000e+00 : f32
    %sub3A_194 = vector.broadcast %sub3A_193 : f32 to vector<32x64xf32>
    %sub3A_195 = arith.subf %sub3A_194, %logistic3A_187 : vector<32x64xf32>
    %mul3A_196 = arith.mulf %sub3A_195, %tanh3A_192 : vector<32x64xf32>
    %mul3A_197 = arith.mulf %logistic3A_187, %add3A_149 : vector<32x64xf32>
    %add3A_198 = arith.addf %mul3A_196, %mul3A_197 : vector<32x64xf32>
    %get3A_199 = arith.constant 4 : index
    %get3A_200 = arith.constant 0 : index
    %get3A_201 = arith.constant 0 : index
    %get3A_202 = vector.load %arg0[%get3A_199, %get3A_200, %get3A_201] : memref<8x65x64xf32, #tpu.memory_space<vmem>>, vector<1x65x64xf32>
    %get3A_203 = vector.shape_cast %get3A_202 : vector<1x65x64xf32> to vector<65x64xf32>
    %slice3A_204 = vector.extract_strided_slice %get3A_203 {offsets = [0, 0], sizes = [64, 64], strides = [1, 1]} : vector<65x64xf32> to vector<64x64xf32>
    %slice3A_205 = vector.extract_strided_slice %get3A_203 {offsets = [64, 0], sizes = [1, 64], strides = [1, 1]} : vector<65x64xf32> to vector<1x64xf32>
    %max3A_206 = arith.constant 1.000000e+00 : f32
    %max3A_207 = vector.broadcast %max3A_206 : f32 to vector<1x64xf32>
    %max3A_208 = arith.maximumf %slice3A_205, %max3A_207 : vector<1x64xf32>
    %div3A_209 = vector.broadcast %max3A_208 : vector<1x64xf32> to vector<64x64xf32>
    %div3A_210 = arith.divf %slice3A_204, %div3A_209 : vector<64x64xf32>
    %dot_general3A_211 = arith.constant dense<0.000000e+00> : vector<96x64xf32>
    %dot_general3A_212 = tpu.matmul %get3A_1, %div3A_210, %dot_general3A_211 {dimension_numbers = #tpu.dot_dimension_numbers<[1], [0], [0], [1], [0, 0, 1, 1], [], []>, transpose_lhs_hint = false} : vector<96x64xf32>, vector<64x64xf32>, vector<96x64xf32> -> vector<96x64xf32>
    %add3A_213 = vector.broadcast %get3A_7 : vector<96x1xf32> to vector<96x64xf32>
    %add3A_214 = arith.addf %dot_general3A_212, %add3A_213 : vector<96x64xf32>
    %dot_general3A_215 = arith.constant dense<0.000000e+00> : vector<96x64xf32>
    %dot_general3A_216 = tpu.matmul %get3A_4, %add3A_198, %dot_general3A_215 {dimension_numbers = #tpu.dot_dimension_numbers<[1], [0], [0], [1], [0, 0, 1, 1], [], []>, transpose_lhs_hint = false} : vector<96x32xf32>, vector<32x64xf32>, vector<96x64xf32> -> vector<96x64xf32>
    %add3A_217 = vector.broadcast %get3A_10 : vector<96x1xf32> to vector<96x64xf32>
    %add3A_218 = arith.addf %dot_general3A_216, %add3A_217 : vector<96x64xf32>
    %slice3A_219 = vector.extract_strided_slice %add3A_214 {offsets = [0, 0], sizes = [32, 64], strides = [1, 1]} : vector<96x64xf32> to vector<32x64xf32>
    %slice3A_220 = vector.extract_strided_slice %add3A_218 {offsets = [0, 0], sizes = [32, 64], strides = [1, 1]} : vector<96x64xf32> to vector<32x64xf32>
    %add3A_221 = arith.addf %slice3A_219, %slice3A_220 : vector<32x64xf32>
    %logistic3A_222 = arith.negf %add3A_221 : vector<32x64xf32>
    %logistic3A_223 = math.exp %logistic3A_222 : vector<32x64xf32>
    %logistic3A_224 = arith.constant 1.000000e+00 : f32
    %logistic3A_225 = vector.broadcast %logistic3A_224 : f32 to vector<32x64xf32>
    %logistic3A_226 = arith.addf %logistic3A_225, %logistic3A_223 : vector<32x64xf32>
    %logistic3A_227 = arith.divf %logistic3A_225, %logistic3A_226 : vector<32x64xf32>
    %slice3A_228 = vector.extract_strided_slice %add3A_214 {offsets = [32, 0], sizes = [32, 64], strides = [1, 1]} : vector<96x64xf32> to vector<32x64xf32>
    %slice3A_229 = vector.extract_strided_slice %add3A_218 {offsets = [32, 0], sizes = [32, 64], strides = [1, 1]} : vector<96x64xf32> to vector<32x64xf32>
    %add3A_230 = arith.addf %slice3A_228, %slice3A_229 : vector<32x64xf32>
    %logistic3A_231 = arith.negf %add3A_230 : vector<32x64xf32>
    %logistic3A_232 = math.exp %logistic3A_231 : vector<32x64xf32>
    %logistic3A_233 = arith.constant 1.000000e+00 : f32
    %logistic3A_234 = vector.broadcast %logistic3A_233 : f32 to vector<32x64xf32>
    %logistic3A_235 = arith.addf %logistic3A_234, %logistic3A_232 : vector<32x64xf32>
    %logistic3A_236 = arith.divf %logistic3A_234, %logistic3A_235 : vector<32x64xf32>
    %slice3A_237 = vector.extract_strided_slice %add3A_214 {offsets = [64, 0], sizes = [32, 64], strides = [1, 1]} : vector<96x64xf32> to vector<32x64xf32>
    %slice3A_238 = vector.extract_strided_slice %add3A_218 {offsets = [64, 0], sizes = [32, 64], strides = [1, 1]} : vector<96x64xf32> to vector<32x64xf32>
    %mul3A_239 = arith.mulf %logistic3A_227, %slice3A_238 : vector<32x64xf32>
    %add3A_240 = arith.addf %slice3A_237, %mul3A_239 : vector<32x64xf32>
    %tanh3A_241 = math.tanh %add3A_240 : vector<32x64xf32>
    %sub3A_242 = arith.constant 1.000000e+00 : f32
    %sub3A_243 = vector.broadcast %sub3A_242 : f32 to vector<32x64xf32>
    %sub3A_244 = arith.subf %sub3A_243, %logistic3A_236 : vector<32x64xf32>
    %mul3A_245 = arith.mulf %sub3A_244, %tanh3A_241 : vector<32x64xf32>
    %mul3A_246 = arith.mulf %logistic3A_236, %add3A_198 : vector<32x64xf32>
    %add3A_247 = arith.addf %mul3A_245, %mul3A_246 : vector<32x64xf32>
    %get3A_248 = arith.constant 5 : index
    %get3A_249 = arith.constant 0 : index
    %get3A_250 = arith.constant 0 : index
    %get3A_251 = vector.load %arg0[%get3A_248, %get3A_249, %get3A_250] : memref<8x65x64xf32, #tpu.memory_space<vmem>>, vector<1x65x64xf32>
    %get3A_252 = vector.shape_cast %get3A_251 : vector<1x65x64xf32> to vector<65x64xf32>
    %slice3A_253 = vector.extract_strided_slice %get3A_252 {offsets = [0, 0], sizes = [64, 64], strides = [1, 1]} : vector<65x64xf32> to vector<64x64xf32>
    %slice3A_254 = vector.extract_strided_slice %get3A_252 {offsets = [64, 0], sizes = [1, 64], strides = [1, 1]} : vector<65x64xf32> to vector<1x64xf32>
    %max3A_255 = arith.constant 1.000000e+00 : f32
    %max3A_256 = vector.broadcast %max3A_255 : f32 to vector<1x64xf32>
    %max3A_257 = arith.maximumf %slice3A_254, %max3A_256 : vector<1x64xf32>
    %div3A_258 = vector.broadcast %max3A_257 : vector<1x64xf32> to vector<64x64xf32>
    %div3A_259 = arith.divf %slice3A_253, %div3A_258 : vector<64x64xf32>
    %dot_general3A_260 = arith.constant dense<0.000000e+00> : vector<96x64xf32>
    %dot_general3A_261 = tpu.matmul %get3A_1, %div3A_259, %dot_general3A_260 {dimension_numbers = #tpu.dot_dimension_numbers<[1], [0], [0], [1], [0, 0, 1, 1], [], []>, transpose_lhs_hint = false} : vector<96x64xf32>, vector<64x64xf32>, vector<96x64xf32> -> vector<96x64xf32>
    %add3A_262 = vector.broadcast %get3A_7 : vector<96x1xf32> to vector<96x64xf32>
    %add3A_263 = arith.addf %dot_general3A_261, %add3A_262 : vector<96x64xf32>
    %dot_general3A_264 = arith.constant dense<0.000000e+00> : vector<96x64xf32>
    %dot_general3A_265 = tpu.matmul %get3A_4, %add3A_247, %dot_general3A_264 {dimension_numbers = #tpu.dot_dimension_numbers<[1], [0], [0], [1], [0, 0, 1, 1], [], []>, transpose_lhs_hint = false} : vector<96x32xf32>, vector<32x64xf32>, vector<96x64xf32> -> vector<96x64xf32>
    %add3A_266 = vector.broadcast %get3A_10 : vector<96x1xf32> to vector<96x64xf32>
    %add3A_267 = arith.addf %dot_general3A_265, %add3A_266 : vector<96x64xf32>
    %slice3A_268 = vector.extract_strided_slice %add3A_263 {offsets = [0, 0], sizes = [32, 64], strides = [1, 1]} : vector<96x64xf32> to vector<32x64xf32>
    %slice3A_269 = vector.extract_strided_slice %add3A_267 {offsets = [0, 0], sizes = [32, 64], strides = [1, 1]} : vector<96x64xf32> to vector<32x64xf32>
    %add3A_270 = arith.addf %slice3A_268, %slice3A_269 : vector<32x64xf32>
    %logistic3A_271 = arith.negf %add3A_270 : vector<32x64xf32>
    %logistic3A_272 = math.exp %logistic3A_271 : vector<32x64xf32>
    %logistic3A_273 = arith.constant 1.000000e+00 : f32
    %logistic3A_274 = vector.broadcast %logistic3A_273 : f32 to vector<32x64xf32>
    %logistic3A_275 = arith.addf %logistic3A_274, %logistic3A_272 : vector<32x64xf32>
    %logistic3A_276 = arith.divf %logistic3A_274, %logistic3A_275 : vector<32x64xf32>
    %slice3A_277 = vector.extract_strided_slice %add3A_263 {offsets = [32, 0], sizes = [32, 64], strides = [1, 1]} : vector<96x64xf32> to vector<32x64xf32>
    %slice3A_278 = vector.extract_strided_slice %add3A_267 {offsets = [32, 0], sizes = [32, 64], strides = [1, 1]} : vector<96x64xf32> to vector<32x64xf32>
    %add3A_279 = arith.addf %slice3A_277, %slice3A_278 : vector<32x64xf32>
    %logistic3A_280 = arith.negf %add3A_279 : vector<32x64xf32>
    %logistic3A_281 = math.exp %logistic3A_280 : vector<32x64xf32>
    %logistic3A_282 = arith.constant 1.000000e+00 : f32
    %logistic3A_283 = vector.broadcast %logistic3A_282 : f32 to vector<32x64xf32>
    %logistic3A_284 = arith.addf %logistic3A_283, %logistic3A_281 : vector<32x64xf32>
    %logistic3A_285 = arith.divf %logistic3A_283, %logistic3A_284 : vector<32x64xf32>
    %slice3A_286 = vector.extract_strided_slice %add3A_263 {offsets = [64, 0], sizes = [32, 64], strides = [1, 1]} : vector<96x64xf32> to vector<32x64xf32>
    %slice3A_287 = vector.extract_strided_slice %add3A_267 {offsets = [64, 0], sizes = [32, 64], strides = [1, 1]} : vector<96x64xf32> to vector<32x64xf32>
    %mul3A_288 = arith.mulf %logistic3A_276, %slice3A_287 : vector<32x64xf32>
    %add3A_289 = arith.addf %slice3A_286, %mul3A_288 : vector<32x64xf32>
    %tanh3A_290 = math.tanh %add3A_289 : vector<32x64xf32>
    %sub3A_291 = arith.constant 1.000000e+00 : f32
    %sub3A_292 = vector.broadcast %sub3A_291 : f32 to vector<32x64xf32>
    %sub3A_293 = arith.subf %sub3A_292, %logistic3A_285 : vector<32x64xf32>
    %mul3A_294 = arith.mulf %sub3A_293, %tanh3A_290 : vector<32x64xf32>
    %mul3A_295 = arith.mulf %logistic3A_285, %add3A_247 : vector<32x64xf32>
    %add3A_296 = arith.addf %mul3A_294, %mul3A_295 : vector<32x64xf32>
    %get3A_297 = arith.constant 6 : index
    %get3A_298 = arith.constant 0 : index
    %get3A_299 = arith.constant 0 : index
    %get3A_300 = vector.load %arg0[%get3A_297, %get3A_298, %get3A_299] : memref<8x65x64xf32, #tpu.memory_space<vmem>>, vector<1x65x64xf32>
    %get3A_301 = vector.shape_cast %get3A_300 : vector<1x65x64xf32> to vector<65x64xf32>
    %slice3A_302 = vector.extract_strided_slice %get3A_301 {offsets = [0, 0], sizes = [64, 64], strides = [1, 1]} : vector<65x64xf32> to vector<64x64xf32>
    %slice3A_303 = vector.extract_strided_slice %get3A_301 {offsets = [64, 0], sizes = [1, 64], strides = [1, 1]} : vector<65x64xf32> to vector<1x64xf32>
    %max3A_304 = arith.constant 1.000000e+00 : f32
    %max3A_305 = vector.broadcast %max3A_304 : f32 to vector<1x64xf32>
    %max3A_306 = arith.maximumf %slice3A_303, %max3A_305 : vector<1x64xf32>
    %div3A_307 = vector.broadcast %max3A_306 : vector<1x64xf32> to vector<64x64xf32>
    %div3A_308 = arith.divf %slice3A_302, %div3A_307 : vector<64x64xf32>
    %dot_general3A_309 = arith.constant dense<0.000000e+00> : vector<96x64xf32>
    %dot_general3A_310 = tpu.matmul %get3A_1, %div3A_308, %dot_general3A_309 {dimension_numbers = #tpu.dot_dimension_numbers<[1], [0], [0], [1], [0, 0, 1, 1], [], []>, transpose_lhs_hint = false} : vector<96x64xf32>, vector<64x64xf32>, vector<96x64xf32> -> vector<96x64xf32>
    %add3A_311 = vector.broadcast %get3A_7 : vector<96x1xf32> to vector<96x64xf32>
    %add3A_312 = arith.addf %dot_general3A_310, %add3A_311 : vector<96x64xf32>
    %dot_general3A_313 = arith.constant dense<0.000000e+00> : vector<96x64xf32>
    %dot_general3A_314 = tpu.matmul %get3A_4, %add3A_296, %dot_general3A_313 {dimension_numbers = #tpu.dot_dimension_numbers<[1], [0], [0], [1], [0, 0, 1, 1], [], []>, transpose_lhs_hint = false} : vector<96x32xf32>, vector<32x64xf32>, vector<96x64xf32> -> vector<96x64xf32>
    %add3A_315 = vector.broadcast %get3A_10 : vector<96x1xf32> to vector<96x64xf32>
    %add3A_316 = arith.addf %dot_general3A_314, %add3A_315 : vector<96x64xf32>
    %slice3A_317 = vector.extract_strided_slice %add3A_312 {offsets = [0, 0], sizes = [32, 64], strides = [1, 1]} : vector<96x64xf32> to vector<32x64xf32>
    %slice3A_318 = vector.extract_strided_slice %add3A_316 {offsets = [0, 0], sizes = [32, 64], strides = [1, 1]} : vector<96x64xf32> to vector<32x64xf32>
    %add3A_319 = arith.addf %slice3A_317, %slice3A_318 : vector<32x64xf32>
    %logistic3A_320 = arith.negf %add3A_319 : vector<32x64xf32>
    %logistic3A_321 = math.exp %logistic3A_320 : vector<32x64xf32>
    %logistic3A_322 = arith.constant 1.000000e+00 : f32
    %logistic3A_323 = vector.broadcast %logistic3A_322 : f32 to vector<32x64xf32>
    %logistic3A_324 = arith.addf %logistic3A_323, %logistic3A_321 : vector<32x64xf32>
    %logistic3A_325 = arith.divf %logistic3A_323, %logistic3A_324 : vector<32x64xf32>
    %slice3A_326 = vector.extract_strided_slice %add3A_312 {offsets = [32, 0], sizes = [32, 64], strides = [1, 1]} : vector<96x64xf32> to vector<32x64xf32>
    %slice3A_327 = vector.extract_strided_slice %add3A_316 {offsets = [32, 0], sizes = [32, 64], strides = [1, 1]} : vector<96x64xf32> to vector<32x64xf32>
    %add3A_328 = arith.addf %slice3A_326, %slice3A_327 : vector<32x64xf32>
    %logistic3A_329 = arith.negf %add3A_328 : vector<32x64xf32>
    %logistic3A_330 = math.exp %logistic3A_329 : vector<32x64xf32>
    %logistic3A_331 = arith.constant 1.000000e+00 : f32
    %logistic3A_332 = vector.broadcast %logistic3A_331 : f32 to vector<32x64xf32>
    %logistic3A_333 = arith.addf %logistic3A_332, %logistic3A_330 : vector<32x64xf32>
    %logistic3A_334 = arith.divf %logistic3A_332, %logistic3A_333 : vector<32x64xf32>
    %slice3A_335 = vector.extract_strided_slice %add3A_312 {offsets = [64, 0], sizes = [32, 64], strides = [1, 1]} : vector<96x64xf32> to vector<32x64xf32>
    %slice3A_336 = vector.extract_strided_slice %add3A_316 {offsets = [64, 0], sizes = [32, 64], strides = [1, 1]} : vector<96x64xf32> to vector<32x64xf32>
    %mul3A_337 = arith.mulf %logistic3A_325, %slice3A_336 : vector<32x64xf32>
    %add3A_338 = arith.addf %slice3A_335, %mul3A_337 : vector<32x64xf32>
    %tanh3A_339 = math.tanh %add3A_338 : vector<32x64xf32>
    %sub3A_340 = arith.constant 1.000000e+00 : f32
    %sub3A_341 = vector.broadcast %sub3A_340 : f32 to vector<32x64xf32>
    %sub3A_342 = arith.subf %sub3A_341, %logistic3A_334 : vector<32x64xf32>
    %mul3A_343 = arith.mulf %sub3A_342, %tanh3A_339 : vector<32x64xf32>
    %mul3A_344 = arith.mulf %logistic3A_334, %add3A_296 : vector<32x64xf32>
    %add3A_345 = arith.addf %mul3A_343, %mul3A_344 : vector<32x64xf32>
    %get3A_346 = arith.constant 7 : index
    %get3A_347 = arith.constant 0 : index
    %get3A_348 = arith.constant 0 : index
    %get3A_349 = vector.load %arg0[%get3A_346, %get3A_347, %get3A_348] : memref<8x65x64xf32, #tpu.memory_space<vmem>>, vector<1x65x64xf32>
    %get3A_350 = vector.shape_cast %get3A_349 : vector<1x65x64xf32> to vector<65x64xf32>
    %slice3A_351 = vector.extract_strided_slice %get3A_350 {offsets = [0, 0], sizes = [64, 64], strides = [1, 1]} : vector<65x64xf32> to vector<64x64xf32>
    %slice3A_352 = vector.extract_strided_slice %get3A_350 {offsets = [64, 0], sizes = [1, 64], strides = [1, 1]} : vector<65x64xf32> to vector<1x64xf32>
    %max3A_353 = arith.constant 1.000000e+00 : f32
    %max3A_354 = vector.broadcast %max3A_353 : f32 to vector<1x64xf32>
    %max3A_355 = arith.maximumf %slice3A_352, %max3A_354 : vector<1x64xf32>
    %div3A_356 = vector.broadcast %max3A_355 : vector<1x64xf32> to vector<64x64xf32>
    %div3A_357 = arith.divf %slice3A_351, %div3A_356 : vector<64x64xf32>
    %dot_general3A_358 = arith.constant dense<0.000000e+00> : vector<96x64xf32>
    %dot_general3A_359 = tpu.matmul %get3A_1, %div3A_357, %dot_general3A_358 {dimension_numbers = #tpu.dot_dimension_numbers<[1], [0], [0], [1], [0, 0, 1, 1], [], []>, transpose_lhs_hint = false} : vector<96x64xf32>, vector<64x64xf32>, vector<96x64xf32> -> vector<96x64xf32>
    %add3A_360 = vector.broadcast %get3A_7 : vector<96x1xf32> to vector<96x64xf32>
    %add3A_361 = arith.addf %dot_general3A_359, %add3A_360 : vector<96x64xf32>
    %dot_general3A_362 = arith.constant dense<0.000000e+00> : vector<96x64xf32>
    %dot_general3A_363 = tpu.matmul %get3A_4, %add3A_345, %dot_general3A_362 {dimension_numbers = #tpu.dot_dimension_numbers<[1], [0], [0], [1], [0, 0, 1, 1], [], []>, transpose_lhs_hint = false} : vector<96x32xf32>, vector<32x64xf32>, vector<96x64xf32> -> vector<96x64xf32>
    %add3A_364 = vector.broadcast %get3A_10 : vector<96x1xf32> to vector<96x64xf32>
    %add3A_365 = arith.addf %dot_general3A_363, %add3A_364 : vector<96x64xf32>
    %slice3A_366 = vector.extract_strided_slice %add3A_361 {offsets = [0, 0], sizes = [32, 64], strides = [1, 1]} : vector<96x64xf32> to vector<32x64xf32>
    %slice3A_367 = vector.extract_strided_slice %add3A_365 {offsets = [0, 0], sizes = [32, 64], strides = [1, 1]} : vector<96x64xf32> to vector<32x64xf32>
    %add3A_368 = arith.addf %slice3A_366, %slice3A_367 : vector<32x64xf32>
    %logistic3A_369 = arith.negf %add3A_368 : vector<32x64xf32>
    %logistic3A_370 = math.exp %logistic3A_369 : vector<32x64xf32>
    %logistic3A_371 = arith.constant 1.000000e+00 : f32
    %logistic3A_372 = vector.broadcast %logistic3A_371 : f32 to vector<32x64xf32>
    %logistic3A_373 = arith.addf %logistic3A_372, %logistic3A_370 : vector<32x64xf32>
    %logistic3A_374 = arith.divf %logistic3A_372, %logistic3A_373 : vector<32x64xf32>
    %slice3A_375 = vector.extract_strided_slice %add3A_361 {offsets = [32, 0], sizes = [32, 64], strides = [1, 1]} : vector<96x64xf32> to vector<32x64xf32>
    %slice3A_376 = vector.extract_strided_slice %add3A_365 {offsets = [32, 0], sizes = [32, 64], strides = [1, 1]} : vector<96x64xf32> to vector<32x64xf32>
    %add3A_377 = arith.addf %slice3A_375, %slice3A_376 : vector<32x64xf32>
    %logistic3A_378 = arith.negf %add3A_377 : vector<32x64xf32>
    %logistic3A_379 = math.exp %logistic3A_378 : vector<32x64xf32>
    %logistic3A_380 = arith.constant 1.000000e+00 : f32
    %logistic3A_381 = vector.broadcast %logistic3A_380 : f32 to vector<32x64xf32>
    %logistic3A_382 = arith.addf %logistic3A_381, %logistic3A_379 : vector<32x64xf32>
    %logistic3A_383 = arith.divf %logistic3A_381, %logistic3A_382 : vector<32x64xf32>
    %slice3A_384 = vector.extract_strided_slice %add3A_361 {offsets = [64, 0], sizes = [32, 64], strides = [1, 1]} : vector<96x64xf32> to vector<32x64xf32>
    %slice3A_385 = vector.extract_strided_slice %add3A_365 {offsets = [64, 0], sizes = [32, 64], strides = [1, 1]} : vector<96x64xf32> to vector<32x64xf32>
    %mul3A_386 = arith.mulf %logistic3A_374, %slice3A_385 : vector<32x64xf32>
    %add3A_387 = arith.addf %slice3A_384, %mul3A_386 : vector<32x64xf32>
    %tanh3A_388 = math.tanh %add3A_387 : vector<32x64xf32>
    %sub3A_389 = arith.constant 1.000000e+00 : f32
    %sub3A_390 = vector.broadcast %sub3A_389 : f32 to vector<32x64xf32>
    %sub3A_391 = arith.subf %sub3A_390, %logistic3A_383 : vector<32x64xf32>
    %mul3A_392 = arith.mulf %sub3A_391, %tanh3A_388 : vector<32x64xf32>
    %mul3A_393 = arith.mulf %logistic3A_383, %add3A_345 : vector<32x64xf32>
    %add3A_394 = arith.addf %mul3A_392, %mul3A_393 : vector<32x64xf32>
    %get3A_395 = arith.constant 0 : index
    %get3A_396 = arith.constant 0 : index
    %get3A_397 = vector.load %arg5[%get3A_395, %get3A_396] : memref<1x32xf32, #tpu.memory_space<vmem>>, vector<1x32xf32>
    %dot_general3A_398 = arith.constant dense<0.000000e+00> : vector<1x64xf32>
    %dot_general3A_399 = tpu.matmul %get3A_397, %add3A_394, %dot_general3A_398 {dimension_numbers = #tpu.dot_dimension_numbers<[1], [0], [0], [1], [0, 0, 1, 1], [], []>, transpose_lhs_hint = false} : vector<1x32xf32>, vector<32x64xf32>, vector<1x64xf32> -> vector<1x64xf32>
    %get3A_400 = arith.constant 0 : index
    %get3A_401 = arith.constant 0 : index
    %get3A_402 = vector.load %arg6[%get3A_400, %get3A_401] : memref<1x1xf32, #tpu.memory_space<vmem>>, vector<1x1xf32>
    %add3A_403 = vector.broadcast %get3A_402 : vector<1x1xf32> to vector<1x64xf32>
    %add3A_404 = arith.addf %dot_general3A_399, %add3A_403 : vector<1x64xf32>
    %logistic3A_405 = arith.negf %add3A_404 : vector<1x64xf32>
    %logistic3A_406 = math.exp %logistic3A_405 : vector<1x64xf32>
    %logistic3A_407 = arith.constant 1.000000e+00 : f32
    %logistic3A_408 = vector.broadcast %logistic3A_407 : f32 to vector<1x64xf32>
    %logistic3A_409 = arith.addf %logistic3A_408, %logistic3A_406 : vector<1x64xf32>
    %logistic3A_410 = arith.divf %logistic3A_408, %logistic3A_409 : vector<1x64xf32>
    %swap3A = arith.constant 0 : index
    %swap3A_411 = arith.constant 0 : index
    %swap3A_412 = vector.load %arg7[%swap3A, %swap3A_411] : memref<1x64xf32, #tpu.memory_space<vmem>>, vector<1x64xf32>
    tpu.vector_store %arg7[%swap3A, %swap3A_411], %logistic3A_410 {strides = array<i32>} : memref<1x64xf32, #tpu.memory_space<vmem>>, vector<1x64xf32>,
    return
  }
}

</mosaic_0001>

<sc_bundles>
// kernel: kernel.5.cloned.1.call-start
scs
__scs_entry_jumppad:
0x0: {  	(pc) =	sbr.rel $0x88, $3  }
0x1: {  	(tag) =	ssettag $0x0;
	lr =	simm.s32 $0x1  }
0x2: {  	[smem:$0x3F93] =	sst lr;
	_ =	strace $0xD0000000  }
0x3: {  	_ = 	snop  }
0x4: {  	_ = 	snop  }
0x5: {  	_ = 	snop  }
0x6: {  	_ = 	snop  }
0x7: {  	_ = 	snop  }
__scs_overlays_trampoline_lowered:
0x8: {  	[smem:$0x3FA2] =	sst s0  }
0x9: {  	[smem:$0x3FA3] =	sst s1  }
0xa: {  	[smem:$0x3FA4] =	sst s2  }
0xb: {  	[smem:$0x3FA5] =	sst s3  }
0xc: {  	[smem:$0x3FA6] =	sst s4  }
0xd: {  	[smem:$0x3FA7] =	sst s5  }
0xe: {  	[smem:$0x3FA8] =	sst s6  }
0xf: {  	[smem:$0x3FA9] =	sst s7  }
0x10: {  	[smem:$0x3FAA] =	sst s8  }
0x11: {  	[smem:$0x3FAB] =	sst s9;
	s0 =	simm.s32 @!p0 $0x0  }
0x12: {  	s1 =	sld [smem:$0x3F91];
	s0 =	simm.s32 @p0 $0x1  }
0x13: {  	[smem:$0x3FAC] =	sst s0;
	s0 =	simm.s32 @!p1 $0x0  }
0x14: {  	s2 =	sld [smem:$0x3F90];
	s0 =	simm.s32 @p1 $0x1  }
0x15: {  	[smem:$0x3FAD] =	sst s0;
	s0 =	simm.s32 @!p2 $0x0  }
0x16: {  	s3 =	sld [smem:$0x3FDB];
	s0 =	simm.s32 @p2 $0x1  }
0x17: {  	s4 =	simm.s32 $0x1BF5;
	[smem:$0x3FAF] =	sst s0  }
0x18: {  	s0 =	sld [smem:$0x3F92];
	_ =	swait.ge [sflag:s4], $0x0  }
0x19: {  	s7 =	sld [smem:$0x3F93]  }
0x1a: {  	s8 =	sadd.s32 $0xFFFFE003, lr  }
0x1b: {  	s9 =	sadd.s32 $0xFFFFFEF7, lr;
	s5 =	simm.s32 $0xFFFFFFFF;
	p2 =	slt.u32 s8, $0xFFFFF086  }
0x1c: {  	p1 =	slt.u32 s9, $0xF7A;
	s5 =	simm.s32 @!p2 $0x0  }
0x1d: {  	s5 =	simm.s32 @p1 $0x1;
	p0 =	seq.s32 s7, s2  }
0x1e: {  	s7 =	smul.u32 @!p0 $0xF7A, s2;
	p2 =	seq.s32 @!p0 s5, $0x0  }
0x1f: {  	s9 =	smul.u32 $0xF7A, s1;
	s8 =	simm.s32 @!p0 $0x1BF5;
	p2 =	por !p2, p0  }
0x20: {  	[sflag:s8] =	ssyncset.s32 @!p0 $0xFFFFF086;
	s6 =	sadd.s32 @!p0 s3, s7;
	s7 =	simm.s32 @!p0 $0x108  }
0x21: {  	s3 =	sadd.s32 s3, s9;
	s6 =	sadd.s32 @!p0 $0x88, s6;
	s7 =	simm.s32 @p2 $0x1082  }
0x22: {  	[simem:s7], [sflag:s8] =	dma.local @!p0 [hbm:s6], $0xF7A  }
0x23: {  	s9 =	sor.u32 $0xD0000000, s2;
	s6 =	simm.s32 $0x108;
	_ =	swait.ge @!p0 [sflag:s8], $0x0  }
0x24: {  	s3 =	sadd.s32 $0x88, s3;
	s6 =	simm.s32 @!p1 $0x1082;
	[sflag:s4] =	ssyncset.s32 $0xFFFFF086  }
0x25: {  	[simem:s6], [sflag:s4] =	dma.local [hbm:s3], $0xF7A  }
0x26: {  	[smem:$0x3F93] =	sst s1;
	(tag) =	ssettag s2;
	_ =	strace s9  }
0x27: {  	s1 =	sld [smem:$0x3FA3]  }
0x28: {  	s2 =	sld [smem:$0x3FA4]  }
0x29: {  	s4 =	sld [smem:$0x3FA6]  }
0x2a: {  	p0 =	seq.s32 s5, $0x0;
	s5 =	sld [smem:$0x3FA7]  }
0x2b: {  	s6 =	sld [smem:$0x3FA8]  }
0x2c: {  	s7 =	sld [smem:$0x3FA9]  }
0x2d: {  	s3 =	simm.s32 $0x108;
	s8 =	sld [smem:$0x3FAA]  }
0x2e: {  	s3 =	simm.s32 @!p0 $0x1082;
	s9 =	sld [smem:$0x3FAB]  }
0x2f: {  	lr =	sadd.s32 s0, s3;
	s0 =	sld [smem:$0x3FA2]  }
0x30: {  	s3 =	sld [smem:$0x3FA5]  }
0x31: {  	[smem:$0x3FAE] =	sst s10  }
0x32: {  	s10 =	sld [smem:$0x3FAC];
	_ =	sdelay $0x3  }
0x33: {  	p0 =	seq.s32 s10, $0x1;
	s10 =	sld [smem:$0x3FAE];
	_ =	sdelay $0x3  }
0x34: {  	[smem:$0x3FAE] =	sst s10  }
0x35: {  	s10 =	sld [smem:$0x3FAD];
	_ =	sdelay $0x3  }
0x36: {  	p1 =	seq.s32 s10, $0x1;
	s10 =	sld [smem:$0x3FAE];
	_ =	sdelay $0x3  }
0x37: {  	[smem:$0x3FAE] =	sst s10  }
0x38: {  	s10 =	sld [smem:$0x3FAF]  }
0x39: {  	_ = 	snop;
	(pc) =	sbr.ind lr, $3  }
0x3a: {  	_ = 	snop  }
0x3b: {  	_ = 	snop  }
0x3c: {  	p2 =	seq.s32 s10, $0x1;
	s10 =	sld [smem:$0x3FAE]  }
0x3d: {  	_ =	shalt  }
0x3e: {  	_ =	shalt  }
0x3f: {  	_ =	shalt  }
0x40: {  	_ =	shalt  }
0x41: {  	_ =	shalt  }
0x42: {  	_ =	shalt  }
0x43: {  	_ =	shalt  }
0x44: {  	_ =	shalt  }
0x45: {  	_ =	shalt  }
0x46: {  	_ =	shalt  }
0x47: {  	_ =	shalt  }
0x48: {  	_ =	shalt  }
0x49: {  	_ =	shalt  }
0x4a: {  	_ =	shalt  }
0x4b: {  	_ =	shalt  }
0x4c: {  	_ =	shalt  }
0x4d: {  	_ =	shalt  }
0x4e: {  	_ =	shalt  }
0x4f: {  	_ =	shalt  }
0x50: {  	_ =	shalt  }
0x51: {  	_ =	shalt  }
0x52: {  	_ =	shalt  }
0x53: {  	_ =	shalt  }
0x54: {  	_ =	shalt  }
0x55: {  	_ =	shalt  }
0x56: {  	_ =	shalt  }
0x57: {  	_ =	shalt  }
0x58: {  	_ =	shalt  }
0x59: {  	_ =	shalt  }
0x5a: {  	_ =	shalt  }
0x5b: {  	_ =	shalt  }
0x5c: {  	_ =	shalt  }
0x5d: {  	_ =	shalt  }
0x5e: {  	_ =	shalt  }
0x5f: {  	_ =	shalt  }
0x60: {  	_ =	shalt  }
0x61: {  	_ =	shalt  }
0x62: {  	_ =	shalt  }
0x63: {  	_ =	shalt  }
0x64: {  	_ =	shalt  }
0x65: {  	_ =	shalt  }
0x66: {  	_ =	shalt  }
0x67: {  	_ =	shalt  }
0x68: {  	_ =	shalt  }
0x69: {  	_ =	shalt  }
0x6a: {  	_ =	shalt  }
0x6b: {  	_ =	shalt  }
0x6c: {  	_ =	shalt  }
0x6d: {  	_ =	shalt  }
0x6e: {  	_ =	shalt  }
0x6f: {  	_ =	shalt  }
0x70: {  	_ =	shalt  }
0x71: {  	_ =	shalt  }
0x72: {  	_ =	shalt  }
0x73: {  	_ =	shalt  }
0x74: {  	_ =	shalt  }
0x75: {  	_ =	shalt  }
0x76: {  	_ =	shalt  }
0x77: {  	_ =	shalt  }
0x78: {  	_ =	shalt  }
0x79: {  	_ =	shalt  }
0x7a: {  	_ =	shalt  }
0x7b: {  	_ =	shalt  }
0x7c: {  	_ =	shalt  }
0x7d: {  	_ =	shalt  }
0x7e: {  	_ =	shalt  }
0x7f: {  	_ =	shalt  }
0x80: {  	_ =	shalt  }
0x81: {  	_ =	shalt  }
0x82: {  	_ =	shalt  }
0x83: {  	_ =	shalt  }
0x84: {  	_ =	shalt  }
0x85: {  	_ =	shalt  }
0x86: {  	_ =	shalt  }
0x87: {  	_ =	shalt  }
.Lfunc_end0:
.L_simem_size_0:
called_computation_lowered:
.L_overlay_start_0:
0x88: {  	s2 =	sld [smem:$0x3FD9]  }
0x89: {  	s3 =	sld [smem:$0x3FFE];
	_ =	sdelay $0x1  }
0x8a: {  	s1 =	srdreg.scid  }
0x8b: {  	s0 =	sand.u32 $0x1, s1  }
0x8c: {  	s17 =	sshll.u32 s0, $0xA;
	s2 =	sadd.s32 s3, s2  }
0x8d: {  	s2 =	sadd.s32 s2, s17  }
0x8e: {  	[smem:$0x3FBA] =	sst s2  }
0x8f: {  	_ = 	snop  }
0x90: {  	s2 =	sld [smem:$0x3FC7];
	(tm) =	ssettm $0x1  }
0x91: {  	s18 =	sld [smem:$0x3FFB];
	_ =	sdelay $0x3  }
0x92: {  	_ =	strace s18  }
0x93: {  	s3 =	sld [smem:$0x3FFC];
	_ =	sdelay $0x3  }
0x94: {  	_ =	strace s3  }
0x95: {  	s3 =	sld [smem:$0x3FFD];
	_ =	sdelay $0x3  }
0x96: {  	_ =	strace s3  }
0x97: {  	_ =	strace $0x8FFFFFFF  }
0x98: {  	s19 =	sld [smem:$0x3FDB];
	_ =	sdelay $0x1  }
0x99: {  	s4 =	simm.s32 $_scs_section_size  }
0x9a: {  	s5 =	simm.s32 $_size__tile_overlayer_lowered;
	s6 =	simm.s32 $_tile_overlayer_lowered  }
0x9b: {  	s22 =	simm.s32 $0x1BFF;
	s21 =	sshll.u32 s6, $0x1;
	s3 =	sadd.s32 s4, s19  }
0x9c: {  	s7 =	simm.s32 $0x0;
	s20 =	sshll.u32 s5, $0x1;
	s5 =	sadd.s32 s21, s3  }
0x9d: {  	[timem:s7], [sflag:s22] =	dma.local [hbm:s5], s20  }
0x9e: {  	_ =	swait.ge [sflag:s22], s20  }
0x9f: {  	s4 =	ssub.s32 $0x0, s20;
	[sflag:s22] =	ssyncset.done $0x0  }
0xa0: {  	[sflag:s22] =	ssyncadd.s32 s4;
	_ =	sdelay $0x1  }
0xa1: {  	s23 =	simm.s32 $0x1B8B  }
0xa2: {  	_ =	swait.ge [sflag:s23], $0x1  }
0xa3: {  	[sflag:s23] =	ssyncset.done $0x0  }
0xa4: {  	s25 =	simm.s32 $0x1B8E;
	s24 =	sld [smem:$0x3FFE];
	[sflag:s23] =	ssyncadd.s32 $0xFFFFFFFF  }
0xa5: {  	s26 =	simm.s32 $execute0_lowered;
	[smem:$0x3FD2] =	sst s25  }
0xa6: {  	s5 =	sshll.u32 s26, $0x1;
	_ =	strace $0x80000046;
	[dreg:$0x1] =	wrdreg $0xFFFFFFFF  }
0xa7: {  	s28 =	simm.s32 $_size_execute0_lowered;
	s3 =	sadd.s32 s3, s5;
	[dreg:$0x0] =	wrdreg $0x0  }
0xa8: {  	s5 =	sshll.u32 s28, $0x1;
	[dreg:$0x2] =	wrdreg s3  }
0xa9: {  	[dreg:$0x3] =	wrdreg s5  }
0xaa: {  	[dreg:$0x4] =	wrdreg $0xC0  }
0xab: {  	_ =	task [dreg:s7], $0x5FFFF  }
0xac: {  	[dreg:$0x1] =	wrdreg $0xFFFFFFFF  }
0xad: {  	[dreg:$0x0] =	wrdreg $0x60  }
0xae: {  	[dreg:$0x2] =	wrdreg s2  }
0xaf: {  	[dreg:$0x3] =	wrdreg s24  }
0xb0: {  	[dreg:$0x4] =	wrdreg $0xCE700  }
0xb1: {  	[dreg:$0x5] =	wrdreg $0xB6000  }
0xb2: {  	[dreg:$0x6] =	wrdreg $0x9  }
0xb3: {  	_ =	task.clear_ibuf [dreg:s7], $0x7FFFF;
	_ =	strace $0x90000046  }
0xb4: {  	s29 =	simm.s32 $0x9;
	_ =	strace $0x80000048  }
0xb5: {  	_ =	swait.ge [sflag:s29], $0x1  }
0xb6: {  	[sflag:s29] =	ssyncadd.s32 $0xFFFFFFFF  }
0xb7: {  	_ =	strace $0x90000048  }
0xb8: {  	_ =	sfence  }
0xb9: {  	s30 =	sld [smem:$0x0];
	_ =	sdelay $0x2  }
0xba: {  	s31 =	sshll.u32 s1, $0xD;
	s1 =	sshrl.u32 s1, $0x2  }
0xbb: {  	s3 =	sand.u32 $0x4000, s31;
	s1 =	sadd.s32 s1, s30  }
0xbc: {  	s0 =	sor.u32 s3, s0;
	s1 =	sshll.u32 s1, $0x11  }
0xbd: {  	s0 =	sor.u32 s1, s0  }
0xbe: {  	s0 =	sadd.s32 $0x8F2B, s0  }
0xbf: {  	[sflag:s0] =	ssyncadd.remote.s32 $0x1  }
0xc0: {  	_ =	sfence.sel $0xFFFF  }
0xc1: {  	[dreg:$0x0] =	wrdreg $0xFFFFFFFF;
	(pc) =	sbr.abs _section_cstart, $3  }
0xc2: {  	[dreg:$0x1] =	wrdreg $0xFFFFFFFF  }
0xc3: {  	_ =	task.clear_ibuf [dreg:s7], $0x2FFFF;
	_ =	strace $0x9FFFFFFF  }
0xc4: {  	(tm) =	ssettm $0x7FFFFFFF  }
0xc5: {  	_ =	shalt  }
tec
execute0_lowered:
.L_overlay_start_1:
0x0: {  	(tag) =	ssettag $0x1  }
0x1: {  	s1 =	rddreg [dreg:$0x0]  }
0x2: {  	s0 =	rddreg [dreg:$0x1]  }
0x3: {  	s2 =	rddreg [dreg:$0x2]  }
0x4: {  	s4 =	rddreg [dreg:$0x3]  }
0x5: {  	s5 =	simm.s32 $0x0;
	s3 =	srdreg.scid;
	s11 =	stileid.u32  }
0x6: {  	[smem:$0x7FF] =	sst s5;
	s21 =	smul.u32 $0x4B000, s11  }
0x7: {  	s6 =	sand.u32 $0x1, s3;
	s9 =	sadd.s32 $0x1A00, s0;
	s25 =	smul.u32 $0xC350, s11  }
0x8: {  	_ =	strace $0x80000047;
	[dreg:$0x5] =	wrdreg s9;
	s24 =	sshll.u32 s6, $0x2  }
0x9: {  	s18 =	smul.u32 $0x7D0, s11;
	[dreg:$0x7] =	wrdreg s24  }
0xa: {  	s7 =	sadd.s32 $0x1A200, s0;
	s8 =	ssub.s32 $0x2, s6;
	[dreg:$0x8] =	wrdreg s25  }
0xb: {  	s3 =	sshrl.u32 s21, $0x2;
	s24 =	sadd.s32 $0xFA00, s18;
	[dreg:$0x13] =	wrdreg s18  }
0xc: {  	s10 =	sshrl.u32 s8, $0x1;
	s23 =	sadd.s32 s3, s2;
	[dreg:$0x1a] =	wrdreg s24  }
0xd: {  	s22 =	ssub.s32 s8, s10;
	s25 =	sadd.s32 s24, s4;
	[dreg:$0x6] =	wrdreg s23  }
0xe: {  	s9 =	sadd.s32 $0x1A0C00, s0;
	s0 =	smax.u32 s22, $0x1;
	[dreg:$0x1d] =	wrdreg s25  }
0xf: {  	s26 =	sadd.s32 $0x1770, s23;
	[dreg:$0x9] =	wrdreg s0  }
0x10: {  	s28 =	simm.s32 $0x6700;
	s31 =	sadd.s32 $0x2EE0, s23;
	[dreg:$0xa] =	wrdreg s26  }
0x11: {  	s29 =	simm.s32 $0x1;
	s3 =	sadd.s32 $0x4650, s23;
	[dreg:$0xb] =	wrdreg s31  }
0x12: {  	s30 =	simm.s32 $0x2;
	s10 =	sadd.s32 $0x5DC0, s23;
	[dreg:$0xc] =	wrdreg s3  }
0x13: {  	s16 =	smul.u32 $0x1900, s11;
	s12 =	sadd.s32 $0x7530, s23;
	[dreg:$0xd] =	wrdreg s10  }
0x14: {  	s19 =	sor.u32 $0x30, s11;
	s13 =	sadd.s32 $0x8CA0, s23;
	[dreg:$0xe] =	wrdreg s12  }
0x15: {  	p0 =	sgt.u32 s19, $0x31;
	s14 =	sadd.s32 $0xA410, s23;
	[dreg:$0xf] =	wrdreg s13  }
0x16: {  	s24 =	simm.s32 $0x3F80;
	s15 =	sadd.s32 $0xBB80, s23;
	[dreg:$0x10] =	wrdreg s14  }
0x17: {  	s8 =	simm.s32 $0x0;
	s17 =	sadd.s32 $0xD2F0, s23;
	[dreg:$0x11] =	wrdreg s15  }
0x18: {  	s20 =	sadd.s32 $0xEA60, s23;
	s21 =	sadd.s32 $0x101D0, s23;
	[dreg:$0x12] =	wrdreg s17  }
0x19: {  	s22 =	sadd.s32 $0x11490, s23;
	s23 =	sadd.s32 $0x7D00, s18;
	[dreg:$0x16] =	wrdreg s20  }
0x1a: {  	s25 =	simm.s32 $0x2800;
	s3 =	smul.u32 $0x7D0, s19;
	[dreg:$0x17] =	wrdreg s21  }
0x1b: {  	s0 =	sshrl.u32 s16, $0x2;
	[dreg:$0x18] =	wrdreg s22;
	s10 =	sadd.s32 s18, s4  }
0x1c: {  	[dreg:$0x19] =	wrdreg s23;
	s31 =	smul.u32 $0x640, s11;
	s17 =	simm.s32 $0x7  }
0x1d: {  	s18 =	simm.s32 $0xAE00;
	s0 =	sadd.s32 s0, s2;
	[dreg:$0x1b] =	wrdreg s10  }
0x1e: {  	s20 =	simm.s32 $0x800;
	s21 =	simm.s32 $0x1000;
	[dreg:$0x15] =	wrdreg s0  }
0x1f: {  	s15 =	simm.s32 $0x2000;
	s11 =	simm.s32 $0x3;
	[dreg:$0x14] =	wrdreg s3  }
0x20: {  	s10 =	simm.s32 $0x7D0;
	s0 =	sadd.s32 s23, s4;
	[dreg:$0x1f] =	wrdreg s31  }
0x21: {  	s26 =	sadd.s32 s3, s4;
	s23 =	simm.s32 $0x1770;
	[dreg:$0x1c] =	wrdreg s0  }
0x22: {  	v0 =	vimm.f32 $0.0e+00;
	v1 =	vimm.f32 $1.000000000e+00;
	v2 =	vimm.s32 $0x0;
	s3 =	simm.s32 $0x4;
	[dreg:$0x1e] =	wrdreg s26;
	s26 =	simm.s32 $0x5F00  }
.LBB2_1:
0x23: {  	[smem:$0x7FD] =	sst s8;
	s0 =	simm.s32 $0x40;
	s8 =	simm.s32 $0x0  }
.LBB2_2:
0x24: {  	p1 =	sne.s32 s0, $0x5D80;
	[tilespmem:s8+$0x2800] =	vst v0;
	s12 =	smov.u32 s0;
	s0 =	sadd.s32 $0x40, s0  }
.Ltmp0:
0x25: {  	[tilespmem:s8+$0x7F00] =	vst v0;
	(pc) =	sbr.rel @p1 .LBB2_2-.Ltmp0, $2  }
0x26: {  	_ =	sdelay $0x2  }
0x27: {  	s8 =	sshra.s32 s12, $0x2  }
0x28: {  	[tilespmem:s8+$0x2800] =	vst v0  }
0x29: {  	[tilespmem:s8+$0x7F00] =	vst v0;
	s0 =	rddreg [dreg:$0x6];
	s8 =	simm.s32 $0x2800  }
0x2a: {  	[spmem:s0] =	stream.linear.scatter [tilespmem:s8], [sflag:$0x7], $0x1770, $0x38;
	[tilespmem:$0x1FA70] =	vst v63  }
0x2b: {  	_ =	swait.ge [sflag:s17], $0x1770  }
0x2c: {  	[sflag:s17] =	ssyncset.done $0x0  }
0x2d: {  	s14 =	rddreg [dreg:$0xa];
	[sflag:s17] =	ssyncadd.s32 $0xFFFFE890  }
0x2e: {  	[spmem:s14] =	stream.linear.scatter [tilespmem:s8], [sflag:$0x7], $0x1770, $0x38;
	[tilespmem:$0x1FA70] =	vst v63  }
0x2f: {  	_ =	swait.ge [sflag:s17], $0x1770  }
0x30: {  	[sflag:s17] =	ssyncset.done $0x0  }
0x31: {  	s16 =	rddreg [dreg:$0xb];
	[sflag:s17] =	ssyncadd.s32 $0xFFFFE890  }
0x32: {  	[spmem:s16] =	stream.linear.scatter [tilespmem:s8], [sflag:$0x7], $0x1770, $0x38;
	[tilespmem:$0x1FA70] =	vst v63  }
0x33: {  	_ =	swait.ge [sflag:s17], $0x1770  }
0x34: {  	[sflag:s17] =	ssyncset.done $0x0  }
0x35: {  	s19 =	rddreg [dreg:$0xc];
	[sflag:s17] =	ssyncadd.s32 $0xFFFFE890  }
0x36: {  	[spmem:s19] =	stream.linear.scatter [tilespmem:s8], [sflag:$0x7], $0x1770, $0x38;
	[tilespmem:$0x1FA70] =	vst v63  }
0x37: {  	_ =	swait.ge [sflag:s17], $0x1770  }
0x38: {  	[sflag:s17] =	ssyncset.done $0x0  }
0x39: {  	s22 =	rddreg [dreg:$0xd];
	[sflag:s17] =	ssyncadd.s32 $0xFFFFE890  }
0x3a: {  	[spmem:s22] =	stream.linear.scatter [tilespmem:s8], [sflag:$0x7], $0x1770, $0x38;
	[tilespmem:$0x1FA70] =	vst v63  }
0x3b: {  	_ =	swait.ge [sflag:s17], $0x1770  }
0x3c: {  	[sflag:s17] =	ssyncset.done $0x0  }
0x3d: {  	s31 =	rddreg [dreg:$0xe];
	[sflag:s17] =	ssyncadd.s32 $0xFFFFE890  }
0x3e: {  	[spmem:s31] =	stream.linear.scatter [tilespmem:s8], [sflag:$0x7], $0x1770, $0x38;
	[tilespmem:$0x1FA70] =	vst v63  }
0x3f: {  	_ =	swait.ge [sflag:s17], $0x1770  }
0x40: {  	[sflag:s17] =	ssyncset.done $0x0  }
0x41: {  	s12 =	rddreg [dreg:$0xf];
	[sflag:s17] =	ssyncadd.s32 $0xFFFFE890  }
0x42: {  	[spmem:s12] =	stream.linear.scatter [tilespmem:s8], [sflag:$0x7], $0x1770, $0x38;
	[tilespmem:$0x1FA70] =	vst v63  }
0x43: {  	_ =	swait.ge [sflag:s17], $0x1770  }
0x44: {  	[sflag:s17] =	ssyncset.done $0x0  }
0x45: {  	s13 =	rddreg [dreg:$0x10];
	[sflag:s17] =	ssyncadd.s32 $0xFFFFE890  }
0x46: {  	[spmem:s13] =	stream.linear.scatter [tilespmem:s8], [sflag:$0x7], $0x1770, $0x38;
	[tilespmem:$0x1FA70] =	vst v63  }
0x47: {  	_ =	swait.ge [sflag:s17], $0x1770  }
0x48: {  	[sflag:s17] =	ssyncset.done $0x0  }
0x49: {  	s14 =	rddreg [dreg:$0x11];
	[sflag:s17] =	ssyncadd.s32 $0xFFFFE890  }
0x4a: {  	[spmem:s14] =	stream.linear.scatter [tilespmem:s8], [sflag:$0x7], $0x1770, $0x38;
	[tilespmem:$0x1FA70] =	vst v63  }
0x4b: {  	_ =	swait.ge [sflag:s17], $0x1770  }
0x4c: {  	[sflag:s17] =	ssyncset.done $0x0  }
0x4d: {  	s16 =	rddreg [dreg:$0x12];
	[sflag:s17] =	ssyncadd.s32 $0xFFFFE890  }
0x4e: {  	[spmem:s16] =	stream.linear.scatter [tilespmem:s8], [sflag:$0x7], $0x1770, $0x38;
	[tilespmem:$0x1FA70] =	vst v63  }
0x4f: {  	_ =	swait.ge [sflag:s17], $0x1770  }
0x50: {  	[sflag:s17] =	ssyncset.done $0x0  }
0x51: {  	s19 =	rddreg [dreg:$0x16];
	[sflag:s17] =	ssyncadd.s32 $0xFFFFE890  }
0x52: {  	[spmem:s19] =	stream.linear.scatter [tilespmem:s8], [sflag:$0x7], $0x1770, $0x38;
	[tilespmem:$0x1FA70] =	vst v63  }
0x53: {  	_ =	swait.ge [sflag:s17], $0x1770  }
0x54: {  	[sflag:s17] =	ssyncset.done $0x0  }
0x55: {  	s22 =	rddreg [dreg:$0x17];
	[sflag:s17] =	ssyncadd.s32 $0xFFFFE890  }
0x56: {  	[spmem:s22] =	stream.linear.scatter [tilespmem:s8], [sflag:$0x7], $0x1770, $0x38;
	[tilespmem:$0x1FA70] =	vst v63  }
0x57: {  	_ =	swait.ge [sflag:s17], $0x1770  }
0x58: {  	[sflag:s17] =	ssyncset.done $0x0  }
0x59: {  	s31 =	rddreg [dreg:$0x18];
	[sflag:s17] =	ssyncadd.s32 $0xFFFFE890  }
0x5a: {  	[spmem:s31] =	stream.linear.scatter [tilespmem:s8], [sflag:$0x7], $0x1770, $0x38;
	[tilespmem:$0x1FA70] =	vst v63  }
0x5b: {  	_ =	swait.ge [sflag:s17], $0x1770  }
0x5c: {  	s0 =	simm.s32 $0x40;
	[sflag:s17] =	ssyncset.done $0x0  }
0x5d: {  	s16 =	simm.s32 $0x0;
	s8 =	simm.s32 $0x0;
	[sflag:s17] =	ssyncadd.s32 $0xFFFFE890  }
.LBB2_4:
0x5e: {  	p1 =	sne.s32 s0, $0x1F00;
	[tilespmem:s8+$0x37A0] =	vst v1;
	s12 =	smov.u32 s0;
	s0 =	sadd.s32 $0x40, s0  }
.Ltmp1:
0x5f: {  	[tilespmem:s8+$0x8EA0] =	vst v1;
	(pc) =	sbr.rel @p1 .LBB2_4-.Ltmp1, $2  }
0x60: {  	_ =	sdelay $0x2  }
0x61: {  	s8 =	sshra.s32 s12, $0x2  }
0x62: {  	[tilespmem:s8+$0x37A0] =	vst v1  }
0x63: {  	[tilespmem:s8+$0x8EA0] =	vst v1  }
.LBB2_6:
0x64: {  	s0 =	rddreg [dreg:$0x7]  }
0x65: {  	s0 =	sadd.s32 s0, s16  }
0x66: {  	s8 =	smul.u32 $0x186A0, s0  }
0x67: {  	s12 =	rddreg [dreg:$0x13]  }
0x68: {  	[bflag:$0x0] =	sbarrier.arrive $0xFFFF;
	s12 =	sadd.s32 s8, s12  }
0x69: {  	s13 =	rddreg [dreg:$0x5];
	s12 =	sshrl.u32 s12, $0x3  }
0x6a: {  	s14 =	simm.s32 $0x8;
	s12 =	sadd.s32 s13, s12  }
0x6b: {  	[tilespmem:s18], [sflag:$0x8] =	stream.linear.gather [hbm4b:s12+s5], $0x7D0, $0x38;
	[tilespmem:$0x1FA70] =	vst v63  }
0x6c: {  	_ =	swait.ge [sflag:s14], $0x7D0  }
0x6d: {  	[sflag:s14] =	ssyncset.done $0x0  }
0x6e: {  	s31 =	rddreg [dreg:$0x1b];
	[sflag:s14] =	ssyncadd.s32 $0xFFFFF830  }
0x6f: {  	[spmem:s31] =	stream.linear.scatter [tilespmem:s18], [sflag:$0x7], $0x7D0, $0x38;
	[tilespmem:$0x1FA70] =	vst v63  }
0x70: {  	_ =	swait.ge [sflag:s17], $0x7D0  }
0x71: {  	s19 =	rddreg [dreg:$0x19]  }
0x72: {  	s12 =	sadd.s32 s8, s19  }
0x73: {  	[sflag:s17] =	ssyncset.done $0x0;
	s12 =	sshrl.u32 s12, $0x3  }
0x74: {  	[sflag:s17] =	ssyncadd.s32 $0xFFFFF830;
	s12 =	sadd.s32 s13, s12  }
0x75: {  	[tilespmem:s18], [sflag:$0x8] =	stream.linear.gather [hbm4b:s12+s5], $0x7D0, $0x38;
	[tilespmem:$0x1FA70] =	vst v63  }
0x76: {  	_ =	swait.ge [sflag:s14], $0x7D0  }
0x77: {  	[sflag:s14] =	ssyncset.done $0x0  }
0x78: {  	s22 =	rddreg [dreg:$0x1c];
	[sflag:s14] =	ssyncadd.s32 $0xFFFFF830  }
0x79: {  	[spmem:s22] =	stream.linear.scatter [tilespmem:s18], [sflag:$0x7], $0x7D0, $0x38;
	[tilespmem:$0x1FA70] =	vst v63  }
0x7a: {  	_ =	swait.ge [sflag:s17], $0x7D0  }
0x7b: {  	s31 =	rddreg [dreg:$0x1a]  }
0x7c: {  	s12 =	sadd.s32 s8, s31  }
0x7d: {  	[sflag:s17] =	ssyncset.done $0x0;
	s12 =	sshrl.u32 s12, $0x3  }
0x7e: {  	[sflag:s17] =	ssyncadd.s32 $0xFFFFF830;
	s12 =	sadd.s32 s13, s12  }
0x7f: {  	[tilespmem:s18], [sflag:$0x8] =	stream.linear.gather [hbm4b:s12+s5], $0x7D0, $0x38;
	[tilespmem:$0x1FA70] =	vst v63  }
0x80: {  	_ =	swait.ge [sflag:s14], $0x7D0  }
0x81: {  	[sflag:s14] =	ssyncset.done $0x0  }
0x82: {  	s19 =	rddreg [dreg:$0x1d];
	[sflag:s14] =	ssyncadd.s32 $0xFFFFF830  }
0x83: {  	[spmem:s19] =	stream.linear.scatter [tilespmem:s18], [sflag:$0x7], $0x7D0, $0x38;
	[tilespmem:$0x1FA70] =	vst v63  }
0x84: {  	_ =	swait.ge [sflag:s17], $0x7D0  }
0x85: {  	s12 =	rddreg [dreg:$0x14]  }
0x86: {  	[sflag:s17] =	ssyncset.done $0x0;
	s8 =	sadd.s32 @!p0 s8, s12  }
0x87: {  	[sflag:s17] =	ssyncadd.s32 $0xFFFFF830;
	s8 =	sshrl.u32 @!p0 s8, $0x3  }
0x88: {  	s12 =	simm.s32 @!p0 $0x0;
	s8 =	sadd.s32 @!p0 s13, s8;
	s13 =	simm.s32 @!p0 $0xAE00  }
0x89: {  	[tilespmem:s13], [sflag:$0x8] =	stream.linear.gather @!p0 [hbm4b:s8+s12], $0x7D0, $0x38;
	[tilespmem:$0x1FA70] =	vst v63  }
0x8a: {  	s8 =	simm.s32 @!p0 $0x8  }
0x8b: {  	_ =	swait.ge @!p0 [sflag:s8], $0x7D0  }
0x8c: {  	[sflag:s8] =	ssyncset.done @!p0 $0x0  }
0x8d: {  	[sflag:s8] =	ssyncadd.s32 @!p0 $0xFFFFF830;
	s8 =	rddreg [dreg:$0x1e]  }
0x8e: {  	[spmem:s8] =	stream.linear.scatter @!p0 [tilespmem:s13], [sflag:$0x7], $0x7D0, $0x38;
	[tilespmem:$0x1FA70] =	vst v63  }
0x8f: {  	s8 =	simm.s32 @!p0 $0x7  }
0x90: {  	s22 =	smul.u32 $0xC3500, s0;
	_ =	swait.ge @!p0 [sflag:s8], $0x7D0  }
0x91: {  	s0 =	smul.u32 $0x186A00, s0;
	[sflag:s8] =	ssyncset.done @!p0 $0x0;
	s31 =	rddreg [dreg:$0x8]  }
0x92: {  	[sflag:s8] =	ssyncadd.s32 @!p0 $0xFFFFF830;
	s8 =	sadd.s32 s31, s22  }
0x93: {  	s19 =	sadd.s32 s31, s0;
	[bflag:$0x0] =	sbarrier.arrive $0xFFFF;
	s12 =	sshrl.u32 s8, $0x3  }
0x94: {  	s22 =	sshrl.u32 s19, $0x3;
	s14 =	sadd.s32 s1, s12;
	s12 =	simm.s32 $0x0  }
0x95: {  	[tilespmem:s12], [sflag:$0x1] =	stream.linear.gather [hbm4b:s14+s12], $0x7D0, $0x38;
	[tilespmem:$0x1FA70] =	vst v63  }
0x96: {  	s31 =	smul.u32 $0x19000, s16;
	s0 =	sadd.s32 s7, s22  }
0x97: {  	[tilespmem:s20], [sflag:$0x1] =	stream.linear.gather [hbm4b:s0+s12], $0x7D0, $0x38;
	[tilespmem:$0x1FA70] =	vst v63  }
0x98: {  	[smem:$0x7FC] =	sst s16;
	s0 =	sadd.s32 $0x186A0, s0  }
0x99: {  	v3 =	vmov s31;
	[tilespmem:s21], [sflag:$0x1] =	stream.linear.gather [hbm4b:s0+s12], $0x7D0, $0x38;
	[tilespmem:$0x1FA70] =	vst v63  }
.LBB2_7:
0x9a: {  	s22 =	smul.u32 $0xFA0, s12;
	_ =	sdelay $0x1  }
0x9b: {  	s0 =	sadd.s32 $0x7D0, s22  }
0x9c: {  	s13 =	sadd.s32 s8, s0  }
0x9d: {  	s0 =	sadd.s32 s19, s0;
	s13 =	sshrl.u32 s13, $0x3  }
0x9e: {  	s14 =	simm.s32 $0x5700;
	s0 =	sshrl.u32 s0, $0x3;
	s13 =	sadd.s32 s1, s13  }
0x9f: {  	[tilespmem:s14], [sflag:$0x2] =	stream.linear.gather [hbm4b:s13+s5], $0x7D0, $0x38;
	[tilespmem:$0x1FA70] =	vst v63  }
0xa0: {  	s0 =	sadd.s32 s7, s0  }
0xa1: {  	[tilespmem:s26], [sflag:$0x2] =	stream.linear.gather [hbm4b:s0+s5], $0x7D0, $0x38;
	[tilespmem:$0x1FA70] =	vst v63  }
0xa2: {  	s0 =	sadd.s32 $0x186A0, s0  }
0xa3: {  	[tilespmem:s28], [sflag:$0x2] =	stream.linear.gather [hbm4b:s0+s5], $0x7D0, $0x38;
	[tilespmem:$0x1FA70] =	vst v63  }
0xa4: {  	_ =	swait.ge [sflag:s29], $0x7D0  }
0xa5: {  	[sflag:s29] =	ssyncset.done $0x0  }
0xa6: {  	[sflag:s29] =	ssyncadd.s32 $0xFFFFF830  }
0xa7: {  	_ =	swait.ge [sflag:s29], $0x7D0  }
0xa8: {  	[sflag:s29] =	ssyncset.done $0x0  }
0xa9: {  	[sflag:s29] =	ssyncadd.s32 $0xFFFFF830  }
0xaa: {  	_ =	swait.ge [sflag:s29], $0x7D0  }
0xab: {  	p1 =	seq.s32 s12, $0x0;
	[sflag:s29] =	ssyncset.done $0x0  }
0xac: {  	s0 =	simm.s32 @!p1 $0x5;
	[sflag:s29] =	ssyncadd.s32 $0xFFFFF830  }
0xad: {  	_ =	swait.ge @!p1 [sflag:s0], $0x1770  }
0xae: {  	[sflag:s0] =	ssyncset.done @!p1 $0x0  }
0xaf: {  	s13 =	simm.s32 $0x0;
	[sflag:s0] =	ssyncadd.s32 @!p1 $0xFFFFE890  }
0xb0: {  	v4 =	vld [tilespmem:s13+$0x800];
	_ =	sdelay $0x3  }
0xb1: {  	s31 =	simm.s32 $0x10;
	v5 =	vld [tilespmem:s13+$0x0]  }
0xb2: {  	v6 =	vld [tilespmem:s31+$0x800];
	v4 =	vadd.s32 $0xC350, v4  }
0xb3: {  	v7 =	vld [tilespmem:s13+$0x1000];
	[tilespmem:s13+$0x1000] =	vst v4  }
0xb4: {  	v8 =	vld [tilespmem:s31+$0x0];
	_ =	sdelay $0x2  }
0xb5: {  	s0 =	simm.s32 $0x20;
	vm0 =	vlt.f32 v5, $0.0e+00  }
0xb6: {  	v6 =	vadd.s32 $0xC350, v6;
	v7 =	vadd.s32 v3, v7;
	v9 =	vsel vm0, $0xC800, v2;
	v4 =	vld [tilespmem:s0+$0x800]  }
0xb7: {  	v5 =	vld [tilespmem:s31+$0x1000];
	[tilespmem:s31+$0x1000] =	vst v6;
	vm15 =	vlt.f32 v8, $0.0e+00;
	v8 =	vadd.s32 v9, v7  }
0xb8: {  	s14 =	simm.s32 $0xC0;
	v6 =	vld [tilespmem:s0+$0x0];
	v7 =	vsel vm15, $0xC800, v2;
	[tilespmem:s13+$0x3F80] =	vst v8;
	v9 =	vadd.s32 $0x64000, v8;
	v8 =	vadd.s32 $0xC8000, v8  }
.LBB2_8:
0xb9: {  	p2 =	sne.s32 s14, $0x1F00;
	[tilespmem:s13+$0x4750] =	vst v9;
	s16 =	smov.u32 s14;
	s14 =	sadd.s32 $0x40, s14  }
.Ltmp2:
0xba: {  	[tilespmem:s13+$0x4F20] =	vst v8;
	s13 =	smov.u32 s31;
	s31 =	smov.u32 s0;
	(pc) =	sbr.rel @p2 .LBB2_8-.Ltmp2, $4  }
0xbb: {  	s0 =	sshra.s32 s16, $0x2  }
0xbc: {  	v8 =	vadd.s32 $0xC350, v4;
	v4 =	vld [tilespmem:s0+$0x800];
	v9 =	vadd.s32 v3, v5  }
0xbd: {  	v5 =	vld [tilespmem:s31+$0x1000];
	vm0 =	vlt.f32 v6, $0.0e+00;
	[tilespmem:s31+$0x1000] =	vst v8;
	v8 =	vadd.s32 v7, v9  }
0xbe: {  	v6 =	vld [tilespmem:s0+$0x0];
	v7 =	vsel vm0, $0xC800, v2;
	[tilespmem:s13+$0x3F80] =	vst v8;
	v9 =	vadd.s32 $0x64000, v8;
	v8 =	vadd.s32 $0xC8000, v8  }
0xbf: {  	[tilespmem:s13+$0x4750] =	vst v9  }
0xc0: {  	[tilespmem:s13+$0x4F20] =	vst v8  }
0xc1: {  	v8 =	vld [tilespmem:s0+$0x1000];
	_ =	sdelay $0x1  }
0xc2: {  	v4 =	vadd.s32 $0xC350, v4;
	v5 =	vadd.s32 v3, v5  }
0xc3: {  	[tilespmem:s0+$0x1000] =	vst v4;
	v4 =	vadd.s32 v7, v5  }
0xc4: {  	vm0 =	vlt.f32 v6, $0.0e+00;
	[tilespmem:s31+$0x3F80] =	vst v4;
	v5 =	vadd.s32 $0x64000, v4  }
0xc5: {  	v6 =	vsel vm0, $0xC800, v2;
	v4 =	vadd.s32 $0xC8000, v4;
	[tilespmem:s31+$0x4750] =	vst v5;
	v5 =	vadd.s32 v3, v8  }
0xc6: {  	[tilespmem:s31+$0x4F20] =	vst v4;
	v4 =	vadd.s32 v6, v5  }
0xc7: {  	[tilespmem:s0+$0x3F80] =	vst v4;
	v5 =	vadd.s32 $0x64000, v4  }
0xc8: {  	v4 =	vadd.s32 $0xC8000, v4;
	[tilespmem:s0+$0x4750] =	vst v5  }
0xc9: {  	s31 =	simm.s32 $0x1800;
	[tilespmem:s0+$0x4F20] =	vst v4  }
0xca: {  	[tilespmem:s31], [sflag:$0x3] =	stream.indirect.gather [spmem:s4], $0x1, s20, s10, $0xb8;
	[tilespmem:$0x1FA70] =	vst v63  }
0xcb: {  	_ = 	snop  }
0xcc: {  	[tilespmem:s15], [sflag:$0x3] =	stream.indirect.gather [spmem:s4], $0x1, s21, s10, $0xb8;
	[tilespmem:$0x1FA70] =	vst v63  }
0xcd: {  	_ =	swait.ge [sflag:s11], $0x7D0  }
0xce: {  	[sflag:s11] =	ssyncset.done $0x0  }
0xcf: {  	[sflag:s11] =	ssyncadd.s32 $0xFFFFF830  }
0xd0: {  	_ =	swait.ge [sflag:s11], $0x7D0  }
0xd1: {  	[sflag:s11] =	ssyncset.done $0x0  }
0xd2: {  	s0 =	simm.s32 $0x0;
	[sflag:s11] =	ssyncadd.s32 $0xFFFFF830  }
0xd3: {  	v4 =	vld [tilespmem:s0+$0x0]  }
0xd4: {  	v5 =	vld [tilespmem:s0+$0x2000]  }
0xd5: {  	v6 =	vld [tilespmem:s0+$0x1800]  }
0xd6: {  	s13 =	simm.s32 $0x40  }
.LBB2_10:
0xd7: {  	p2 =	sne.s32 s13, $0x1F00  }
.Ltmp3:
0xd8: {  	s14 =	sshra.s32 s13, $0x2;
	s13 =	sadd.s32 $0x40, s13;
	v7 =	vand.u32 $0x7FFFFFFF, v4;
	(pc) =	sbr.rel @p2 .LBB2_10-.Ltmp3, $4  }
0xd9: {  	v4 =	vld [tilespmem:s14+$0x0];
	v8 =	vmul.f32 v5, v7  }
0xda: {  	v5 =	vld [tilespmem:s14+$0x2000];
	v7 =	vmul.f32 v6, v7  }
0xdb: {  	v6 =	vld [tilespmem:s14+$0x1800];
	[tilespmem:s0+$0x2FD0] =	vst v8  }
0xdc: {  	[tilespmem:s0+$0x2800] =	vst v7;
	s0 =	smov.u32 s14  }
0xdd: {  	_ = 	snop  }
0xde: {  	v4 =	vand.u32 $0x7FFFFFFF, v4  }
0xdf: {  	v5 =	vmul.f32 v5, v4  }
0xe0: {  	s31 =	sadd.s32 $0xFA0, s22;
	v4 =	vmul.f32 v6, v4  }
0xe1: {  	s13 =	sadd.s32 s8, s31;
	[tilespmem:s0+$0x2FD0] =	vst v5  }
0xe2: {  	s13 =	sshrl.u32 s13, $0x3;
	[tilespmem:s0+$0x2800] =	vst v4;
	s0 =	sadd.s32 s19, s31  }
0xe3: {  	[spmem:s2] =	stream.indirect.scatter.add.f32 [tilespmem:s25], [sflag:$0x5], $0x1, s24, s23, $0xb8;
	[tilespmem:$0x1FA70] =	vst v63  }
0xe4: {  	s13 =	sadd.s32 s1, s13;
	s0 =	sshrl.u32 s0, $0x3  }
0xe5: {  	[tilespmem:s5], [sflag:$0x1] =	stream.linear.gather [hbm4b:s13+s5], $0x7D0, $0x38;
	[tilespmem:$0x1FA70] =	vst v63  }
0xe6: {  	s0 =	sadd.s32 s7, s0  }
0xe7: {  	[tilespmem:s20], [sflag:$0x1] =	stream.linear.gather [hbm4b:s0+s5], $0x7D0, $0x38;
	[tilespmem:$0x1FA70] =	vst v63  }
0xe8: {  	s0 =	sadd.s32 $0x186A0, s0  }
0xe9: {  	[tilespmem:s21], [sflag:$0x1] =	stream.linear.gather [hbm4b:s0+s5], $0x7D0, $0x38;
	[tilespmem:$0x1FA70] =	vst v63  }
0xea: {  	_ =	swait.ge [sflag:s30], $0x7D0  }
0xeb: {  	[sflag:s30] =	ssyncset.done $0x0  }
0xec: {  	[sflag:s30] =	ssyncadd.s32 $0xFFFFF830  }
0xed: {  	_ =	swait.ge [sflag:s30], $0x7D0  }
0xee: {  	[sflag:s30] =	ssyncset.done $0x0  }
0xef: {  	[sflag:s30] =	ssyncadd.s32 $0xFFFFF830  }
0xf0: {  	_ =	swait.ge [sflag:s30], $0x7D0  }
0xf1: {  	[sflag:s30] =	ssyncset.done $0x0  }
0xf2: {  	s0 =	simm.s32 @!p1 $0x6;
	[sflag:s30] =	ssyncadd.s32 $0xFFFFF830  }
0xf3: {  	_ =	swait.ge @!p1 [sflag:s0], $0x1770  }
0xf4: {  	[sflag:s0] =	ssyncset.done @!p1 $0x0  }
0xf5: {  	s13 =	simm.s32 $0x0;
	[sflag:s0] =	ssyncadd.s32 @!p1 $0xFFFFE890  }
0xf6: {  	v4 =	vld [tilespmem:s13+$0x5F00];
	_ =	sdelay $0x3  }
0xf7: {  	s22 =	simm.s32 $0x10;
	v5 =	vld [tilespmem:s13+$0x5700]  }
0xf8: {  	v6 =	vld [tilespmem:s22+$0x5F00];
	v4 =	vadd.s32 $0xC350, v4  }
0xf9: {  	v7 =	vld [tilespmem:s13+$0x6700];
	[tilespmem:s13+$0x6700] =	vst v4  }
0xfa: {  	v8 =	vld [tilespmem:s22+$0x5700];
	_ =	sdelay $0x2  }
0xfb: {  	s0 =	simm.s32 $0x20;
	vm0 =	vlt.f32 v5, $0.0e+00  }
0xfc: {  	v6 =	vadd.s32 $0xC350, v6;
	v7 =	vadd.s32 v3, v7;
	v9 =	vsel vm0, $0xC800, v2;
	v4 =	vld [tilespmem:s0+$0x5F00]  }
0xfd: {  	v5 =	vld [tilespmem:s22+$0x6700];
	[tilespmem:s22+$0x6700] =	vst v6;
	vm15 =	vlt.f32 v8, $0.0e+00;
	v8 =	vadd.s32 v9, v7  }
0xfe: {  	s14 =	simm.s32 $0xC0;
	v6 =	vld [tilespmem:s0+$0x5700];
	v7 =	vsel vm15, $0xC800, v2;
	[tilespmem:s13+$0x9680] =	vst v8;
	v9 =	vadd.s32 $0x64000, v8;
	v8 =	vadd.s32 $0xC8000, v8  }
.LBB2_12:
0xff: {  	p1 =	sne.s32 s14, $0x1F00;
	[tilespmem:s13+$0x9E50] =	vst v9;
	s16 =	smov.u32 s14;
	s14 =	sadd.s32 $0x40, s14  }
.Ltmp4:
0x100: {  	[tilespmem:s13+$0xA620] =	vst v8;
	s13 =	smov.u32 s22;
	s22 =	smov.u32 s0;
	(pc) =	sbr.rel @p1 .LBB2_12-.Ltmp4, $4  }
0x101: {  	s0 =	sshra.s32 s16, $0x2  }
0x102: {  	v8 =	vadd.s32 $0xC350, v4;
	v4 =	vld [tilespmem:s0+$0x5F00];
	v9 =	vadd.s32 v3, v5  }
0x103: {  	v5 =	vld [tilespmem:s22+$0x6700];
	vm0 =	vlt.f32 v6, $0.0e+00;
	[tilespmem:s22+$0x6700] =	vst v8;
	v8 =	vadd.s32 v7, v9  }
0x104: {  	v6 =	vld [tilespmem:s0+$0x5700];
	v7 =	vsel vm0, $0xC800, v2;
	[tilespmem:s13+$0x9680] =	vst v8;
	v9 =	vadd.s32 $0x64000, v8;
	v8 =	vadd.s32 $0xC8000, v8  }
0x105: {  	[tilespmem:s13+$0x9E50] =	vst v9  }
0x106: {  	[tilespmem:s13+$0xA620] =	vst v8  }
0x107: {  	v8 =	vld [tilespmem:s0+$0x6700];
	_ =	sdelay $0x1  }
0x108: {  	v4 =	vadd.s32 $0xC350, v4;
	v5 =	vadd.s32 v3, v5  }
0x109: {  	[tilespmem:s0+$0x6700] =	vst v4;
	v4 =	vadd.s32 v7, v5  }
0x10a: {  	vm0 =	vlt.f32 v6, $0.0e+00;
	[tilespmem:s22+$0x9680] =	vst v4;
	v5 =	vadd.s32 $0x64000, v4  }
0x10b: {  	v6 =	vsel vm0, $0xC800, v2;
	v4 =	vadd.s32 $0xC8000, v4;
	[tilespmem:s22+$0x9E50] =	vst v5;
	v5 =	vadd.s32 v3, v8  }
0x10c: {  	[tilespmem:s22+$0xA620] =	vst v4;
	v4 =	vadd.s32 v6, v5  }
0x10d: {  	[tilespmem:s0+$0x9680] =	vst v4;
	v5 =	vadd.s32 $0x64000, v4  }
0x10e: {  	v4 =	vadd.s32 $0xC8000, v4;
	[tilespmem:s0+$0x9E50] =	vst v5  }
0x10f: {  	s22 =	simm.s32 $0x6F00;
	[tilespmem:s0+$0xA620] =	vst v4  }
0x110: {  	[tilespmem:s22], [sflag:$0x4] =	stream.indirect.gather [spmem:s4], $0x1, s26, s10, $0xb8;
	[tilespmem:$0x1FA70] =	vst v63  }
0x111: {  	s31 =	simm.s32 $0x7700  }
0x112: {  	[tilespmem:s31], [sflag:$0x4] =	stream.indirect.gather [spmem:s4], $0x1, s28, s10, $0xb8;
	[tilespmem:$0x1FA70] =	vst v63  }
0x113: {  	_ =	swait.ge [sflag:s3], $0x7D0  }
0x114: {  	[sflag:s3] =	ssyncset.done $0x0  }
0x115: {  	[sflag:s3] =	ssyncadd.s32 $0xFFFFF830  }
0x116: {  	_ =	swait.ge [sflag:s3], $0x7D0  }
0x117: {  	[sflag:s3] =	ssyncset.done $0x0  }
0x118: {  	s0 =	simm.s32 $0x0;
	[sflag:s3] =	ssyncadd.s32 $0xFFFFF830  }
0x119: {  	v4 =	vld [tilespmem:s0+$0x5700]  }
0x11a: {  	v5 =	vld [tilespmem:s0+$0x7700]  }
0x11b: {  	v6 =	vld [tilespmem:s0+$0x6F00]  }
0x11c: {  	s13 =	simm.s32 $0x40  }
.LBB2_14:
0x11d: {  	p1 =	sne.s32 s13, $0x1F00  }
.Ltmp5:
0x11e: {  	s14 =	sshra.s32 s13, $0x2;
	s13 =	sadd.s32 $0x40, s13;
	v7 =	vand.u32 $0x7FFFFFFF, v4;
	(pc) =	sbr.rel @p1 .LBB2_14-.Ltmp5, $4  }
0x11f: {  	v4 =	vld [tilespmem:s14+$0x5700];
	v8 =	vmul.f32 v5, v7  }
0x120: {  	v5 =	vld [tilespmem:s14+$0x7700];
	v7 =	vmul.f32 v6, v7  }
0x121: {  	v6 =	vld [tilespmem:s14+$0x6F00];
	[tilespmem:s0+$0x86D0] =	vst v8  }
0x122: {  	[tilespmem:s0+$0x7F00] =	vst v7;
	s0 =	smov.u32 s14  }
0x123: {  	s12 =	sadd.s32 $0x1, s12  }
0x124: {  	v4 =	vand.u32 $0x7FFFFFFF, v4;
	p1 =	sne.s32 s12, $0xC  }
.Ltmp6:
0x125: {  	v5 =	vmul.f32 v5, v4;
	(pc) =	sbr.rel @p1 .LBB2_7-.Ltmp6, $4  }
0x126: {  	v4 =	vmul.f32 v6, v4  }
0x127: {  	[tilespmem:s0+$0x86D0] =	vst v5  }
0x128: {  	s31 =	simm.s32 $0x9680;
	s13 =	simm.s32 $0x7F00;
	[tilespmem:s0+$0x7F00] =	vst v4  }
0x129: {  	[spmem:s2] =	stream.indirect.scatter.add.f32 [tilespmem:s13], [sflag:$0x6], $0x1, s31, s23, $0xb8;
	[tilespmem:$0x1FA70] =	vst v63  }
0x12a: {  	_ =	swait.ge [sflag:s29], $0x7D0  }
0x12b: {  	[sflag:s29] =	ssyncset.done $0x0  }
0x12c: {  	[sflag:s29] =	ssyncadd.s32 $0xFFFFF830  }
0x12d: {  	_ =	swait.ge [sflag:s29], $0x7D0  }
0x12e: {  	[sflag:s29] =	ssyncset.done $0x0  }
0x12f: {  	[sflag:s29] =	ssyncadd.s32 $0xFFFFF830  }
0x130: {  	_ =	swait.ge [sflag:s29], $0x7D0  }
0x131: {  	[sflag:s29] =	ssyncset.done $0x0  }
0x132: {  	s16 =	simm.s32 $0x5;
	[sflag:s29] =	ssyncadd.s32 $0xFFFFF830  }
0x133: {  	_ =	swait.ge [sflag:s16], $0x1770  }
0x134: {  	[sflag:s16] =	ssyncset.done $0x0  }
0x135: {  	s12 =	simm.s32 $0x0;
	[sflag:s16] =	ssyncadd.s32 $0xFFFFE890  }
0x136: {  	v4 =	vld [tilespmem:s12+$0x800];
	_ =	sdelay $0x3  }
0x137: {  	s8 =	simm.s32 $0x10;
	v5 =	vld [tilespmem:s12+$0x0]  }
0x138: {  	v6 =	vld [tilespmem:s8+$0x800];
	v4 =	vadd.s32 $0xC350, v4  }
0x139: {  	v7 =	vld [tilespmem:s12+$0x1000];
	[tilespmem:s12+$0x1000] =	vst v4  }
0x13a: {  	v8 =	vld [tilespmem:s8+$0x0];
	_ =	sdelay $0x2  }
0x13b: {  	s0 =	simm.s32 $0x20;
	vm0 =	vlt.f32 v5, $0.0e+00  }
0x13c: {  	v6 =	vadd.s32 $0xC350, v6;
	v7 =	vadd.s32 v3, v7;
	v9 =	vsel vm0, $0xC800, v2;
	v4 =	vld [tilespmem:s0+$0x800]  }
0x13d: {  	v5 =	vld [tilespmem:s8+$0x1000];
	[tilespmem:s8+$0x1000] =	vst v6;
	vm15 =	vlt.f32 v8, $0.0e+00;
	v8 =	vadd.s32 v9, v7  }
0x13e: {  	s13 =	simm.s32 $0xC0;
	v6 =	vld [tilespmem:s0+$0x0];
	v7 =	vsel vm15, $0xC800, v2;
	[tilespmem:s12+$0x3F80] =	vst v8;
	v9 =	vadd.s32 $0x64000, v8;
	v8 =	vadd.s32 $0xC8000, v8  }
.LBB2_17:
0x13f: {  	p1 =	sne.s32 s13, $0x1F00;
	[tilespmem:s12+$0x4750] =	vst v9;
	s14 =	smov.u32 s13;
	s13 =	sadd.s32 $0x40, s13  }
.Ltmp7:
0x140: {  	[tilespmem:s12+$0x4F20] =	vst v8;
	s12 =	smov.u32 s8;
	s8 =	smov.u32 s0;
	(pc) =	sbr.rel @p1 .LBB2_17-.Ltmp7, $4  }
0x141: {  	s0 =	sshra.s32 s14, $0x2  }
0x142: {  	v8 =	vadd.s32 $0xC350, v4;
	v4 =	vld [tilespmem:s0+$0x800];
	v9 =	vadd.s32 v3, v5  }
0x143: {  	v5 =	vld [tilespmem:s8+$0x1000];
	vm0 =	vlt.f32 v6, $0.0e+00;
	[tilespmem:s8+$0x1000] =	vst v8;
	v8 =	vadd.s32 v7, v9  }
0x144: {  	v6 =	vld [tilespmem:s0+$0x0];
	v7 =	vsel vm0, $0xC800, v2;
	[tilespmem:s12+$0x3F80] =	vst v8;
	v9 =	vadd.s32 $0x64000, v8;
	v8 =	vadd.s32 $0xC8000, v8  }
0x145: {  	[tilespmem:s12+$0x4750] =	vst v9  }
0x146: {  	[tilespmem:s12+$0x4F20] =	vst v8  }
0x147: {  	v8 =	vld [tilespmem:s0+$0x1000];
	_ =	sdelay $0x1  }
0x148: {  	v4 =	vadd.s32 $0xC350, v4;
	v5 =	vadd.s32 v3, v5  }
0x149: {  	[tilespmem:s0+$0x1000] =	vst v4;
	v4 =	vadd.s32 v7, v5  }
0x14a: {  	vm0 =	vlt.f32 v6, $0.0e+00;
	[tilespmem:s8+$0x3F80] =	vst v4;
	v5 =	vadd.s32 $0x64000, v4  }
0x14b: {  	v6 =	vsel vm0, $0xC800, v2;
	v4 =	vadd.s32 $0xC8000, v4;
	[tilespmem:s8+$0x4750] =	vst v5;
	v3 =	vadd.s32 v3, v8  }
0x14c: {  	[tilespmem:s8+$0x4F20] =	vst v4;
	v3 =	vadd.s32 v6, v3  }
0x14d: {  	[tilespmem:s0+$0x3F80] =	vst v3;
	v4 =	vadd.s32 $0x64000, v3  }
0x14e: {  	v3 =	vadd.s32 $0xC8000, v3;
	[tilespmem:s0+$0x4750] =	vst v4  }
0x14f: {  	s31 =	simm.s32 $0x1800;
	[tilespmem:s0+$0x4F20] =	vst v3  }
0x150: {  	[tilespmem:s31], [sflag:$0x3] =	stream.indirect.gather [spmem:s4], $0x1, s20, s10, $0xb8;
	[tilespmem:$0x1FA70] =	vst v63  }
0x151: {  	_ = 	snop  }
0x152: {  	[tilespmem:s15], [sflag:$0x3] =	stream.indirect.gather [spmem:s4], $0x1, s21, s10, $0xb8;
	[tilespmem:$0x1FA70] =	vst v63  }
0x153: {  	_ =	swait.ge [sflag:s11], $0x7D0  }
0x154: {  	[sflag:s11] =	ssyncset.done $0x0  }
0x155: {  	[sflag:s11] =	ssyncadd.s32 $0xFFFFF830  }
0x156: {  	_ =	swait.ge [sflag:s11], $0x7D0  }
0x157: {  	[sflag:s11] =	ssyncset.done $0x0  }
0x158: {  	s0 =	simm.s32 $0x0;
	[sflag:s11] =	ssyncadd.s32 $0xFFFFF830  }
0x159: {  	v3 =	vld [tilespmem:s0+$0x0]  }
0x15a: {  	v4 =	vld [tilespmem:s0+$0x2000]  }
0x15b: {  	v5 =	vld [tilespmem:s0+$0x1800]  }
0x15c: {  	s8 =	simm.s32 $0x40  }
.LBB2_19:
0x15d: {  	p1 =	sne.s32 s8, $0x1F00  }
.Ltmp8:
0x15e: {  	s12 =	sshra.s32 s8, $0x2;
	s8 =	sadd.s32 $0x40, s8;
	v6 =	vand.u32 $0x7FFFFFFF, v3;
	(pc) =	sbr.rel @p1 .LBB2_19-.Ltmp8, $4  }
0x15f: {  	v3 =	vld [tilespmem:s12+$0x0];
	v7 =	vmul.f32 v4, v6  }
0x160: {  	v4 =	vld [tilespmem:s12+$0x2000];
	v6 =	vmul.f32 v5, v6  }
0x161: {  	v5 =	vld [tilespmem:s12+$0x1800];
	[tilespmem:s0+$0x2FD0] =	vst v7  }
0x162: {  	[tilespmem:s0+$0x2800] =	vst v6;
	s0 =	smov.u32 s12  }
0x163: {  	_ = 	snop  }
0x164: {  	v3 =	vand.u32 $0x7FFFFFFF, v3  }
0x165: {  	v4 =	vmul.f32 v4, v3  }
0x166: {  	v3 =	vmul.f32 v5, v3  }
0x167: {  	[tilespmem:s0+$0x2FD0] =	vst v4  }
0x168: {  	[tilespmem:s0+$0x2800] =	vst v3  }
0x169: {  	[spmem:s2] =	stream.indirect.scatter.add.f32 [tilespmem:s25], [sflag:$0x5], $0x1, s24, s23, $0xb8;
	[tilespmem:$0x1FA70] =	vst v63  }
0x16a: {  	_ =	swait.ge [sflag:s16], $0x1770  }
0x16b: {  	[sflag:s16] =	ssyncset.done $0x0  }
0x16c: {  	s22 =	simm.s32 $0x6;
	[sflag:s16] =	ssyncadd.s32 $0xFFFFE890  }
0x16d: {  	_ =	swait.ge [sflag:s22], $0x1770  }
0x16e: {  	s31 =	sld [smem:$0x7FC];
	_ =	sdelay $0x2  }
0x16f: {  	s16 =	sadd.s32 $0x1, s31  }
0x170: {  	p1 =	sne.s32 s16, $0x4  }
.Ltmp9:
0x171: {  	_ = 	snop;
	(pc) =	sbr.rel @p1 .LBB2_6-.Ltmp9, $3  }
0x172: {  	_ =	sdelay $0x1  }
0x173: {  	[sflag:s22] =	ssyncset.done $0x0  }
0x174: {  	[sflag:s22] =	ssyncadd.s32 $0xFFFFE890  }
0x175: {  	[bflag:$0x0] =	sbarrier.arrive $0xFFFF  }
0x176: {  	s0 =	sadd.s32 $0x0, s6;
	s8 =	rddreg [dreg:$0x15]  }
0x177: {  	s0 =	smul.u32 $0x64000, s0;
	s14 =	rddreg [dreg:$0x1f]  }
0x178: {  	[tilespmem:s18], [sflag:$0x7] =	stream.linear.gather [spmem:s8], $0x640, $0x38;
	[tilespmem:$0x1FA70] =	vst v63  }
0x179: {  	s0 =	sadd.s32 s0, s14;
	_ =	swait.ge [sflag:s17], $0x640  }
0x17a: {  	[sflag:s17] =	ssyncset.done $0x0;
	s0 =	sshrl.u32 s0, $0x3  }
0x17b: {  	[sflag:s17] =	ssyncadd.s32 $0xFFFFF9C0;
	s0 =	sadd.s32 s9, s0  }
0x17c: {  	[hbm4b:s0+s5] =	stream.linear.scatter [tilespmem:s18], [sflag:$0x7], $0x640, $0x38;
	[tilespmem:$0x1FA70] =	vst v63  }
0x17d: {  	s12 =	simm.s32 $0x2;
	s13 =	sadd.s32 $0x0, s6;
	_ =	swait.ge [sflag:s17], $0x640  }
0x17e: {  	s0 =	sadd.s32 $0x6400, s8;
	s8 =	sadd.s32 $0x6400, s14;
	[sflag:s17] =	ssyncset.done $0x0  }
.LBB2_22:
0x17f: {  	s13 =	smul.u32 $0x64000, s13  }
0x180: {  	[sflag:s17] =	ssyncadd.s32 $0xFFFFF9C0;
	s14 =	smov.u32 s12;
	s16 =	sadd.s32 $0x1, s12  }
0x181: {  	[tilespmem:s18], [sflag:$0x7] =	stream.linear.gather [spmem:s0], $0x640, $0x38;
	[tilespmem:$0x1FA70] =	vst v63  }
0x182: {  	p1 =	sne.s32 s12, $0x2F;
	s12 =	sadd.s32 s13, s8;
	_ =	swait.ge [sflag:s17], $0x640  }
.Ltmp10:
0x183: {  	[sflag:s17] =	ssyncset.done $0x0;
	s12 =	sshrl.u32 s12, $0x3;
	(pc) =	sbr.rel @p1 .LBB2_22-.Ltmp10, $4  }
0x184: {  	s0 =	sadd.s32 $0x6400, s0;
	[sflag:s17] =	ssyncadd.s32 $0xFFFFF9C0;
	s12 =	sadd.s32 s9, s12  }
0x185: {  	[hbm4b:s12+s5] =	stream.linear.scatter [tilespmem:s18], [sflag:$0x7], $0x640, $0x38;
	[tilespmem:$0x1FA70] =	vst v63  }
0x186: {  	s8 =	sadd.s32 $0x6400, s8;
	s12 =	sshrl.u32 s14, $0x4;
	_ =	swait.ge [sflag:s17], $0x640  }
0x187: {  	s13 =	sadd.s32 s12, s6;
	s12 =	smov.u32 s16;
	[sflag:s17] =	ssyncset.done $0x0  }
0x188: {  	s12 =	smul.u32 $0x64000, s13;
	[sflag:s17] =	ssyncadd.s32 $0xFFFFF9C0  }
0x189: {  	[tilespmem:s18], [sflag:$0x7] =	stream.linear.gather [spmem:s0], $0x640, $0x38;
	[tilespmem:$0x1FA70] =	vst v63  }
0x18a: {  	s19 =	sadd.s32 s12, s8;
	_ =	swait.ge [sflag:s17], $0x640  }
0x18b: {  	[sflag:s17] =	ssyncset.done $0x0;
	s0 =	sshrl.u32 s19, $0x3  }
0x18c: {  	[sflag:s17] =	ssyncadd.s32 $0xFFFFF9C0;
	s0 =	sadd.s32 s9, s0  }
0x18d: {  	[hbm4b:s0+s5] =	stream.linear.scatter [tilespmem:s18], [sflag:$0x7], $0x640, $0x38;
	[tilespmem:$0x1FA70] =	vst v63  }
0x18e: {  	_ =	swait.ge [sflag:s17], $0x640  }
0x18f: {  	s22 =	sld [smem:$0x7FD];
	_ =	sdelay $0x2  }
0x190: {  	s31 =	rddreg [dreg:$0x9];
	s8 =	sadd.s32 $0x1, s22  }
0x191: {  	p1 =	sne.s32 s8, s31  }
.Ltmp11:
0x192: {  	_ = 	snop;
	(pc) =	sbr.rel @p1 .LBB2_1-.Ltmp11, $3  }
0x193: {  	_ =	sdelay $0x1  }
0x194: {  	[sflag:s17] =	ssyncset.done $0x0  }
0x195: {  	[sflag:s17] =	ssyncadd.s32 $0xFFFFF9C0  }
0x196: {  	_ =	sfence.sel $0x180000  }
0x197: {  	[bflag:$0x0] =	sbarrier.arrive $0xFFFF  }
0x198: {  	_ =	strace $0x90000047  }
0x199: {  	s0 =	stileid.u32;
	[bflag:$0x2] =	sbarrier.arrive $0xFFFF  }
0x19a: {  	p0 =	sne.s32 s0, $0x0;
	s0 =	rddreg [dreg:$0x4]  }
0x19b: {  	s0 =	sadd.s32 @!p0 $0x100000, s0  }
0x19c: {  	[sflag:s0] =	ssyncadd.tile.s32 @!p0 $0x1;
	_ =	shalt  }
.Lfunc_end2:
_tile_overlayer_lowered:
.L_overlay_start_2:
0x19d: {  	(tag) =	ssettag $0x2  }
0x19e: {  	s0 =	rddreg [dreg:$0x0];
	s2 =	stileid.u32  }
0x19f: {  	s1 =	rddreg [dreg:$0x1];
	p0 =	sne.s32 s2, $0x0  }
0x1a0: {  	s3 =	rddreg [dreg:$0x2];
	[bflag:$0x3] =	sbarrier.arrive $0xFFFF;
	s2 =	simm.s32 @!p0 $0x1C07  }
0x1a1: {  	[timem:s3], [sflag:s2] =	dma.local @!p0 [hbm:s0], s1  }
0x1a2: {  	s0 =	simm.s32 @!p0 $0x7  }
0x1a3: {  	_ =	swait.ge @!p0 [sflag:s0], s1  }
0x1a4: {  	s1 =	ssub.s32 @!p0 $0x0, s1;
	[sflag:s0] =	ssyncset.done @!p0 $0x0  }
0x1a5: {  	[sflag:s0] =	ssyncadd.s32 @!p0 s1  }
0x1a6: {  	[bflag:$0x3] =	sbarrier.arrive $0xFFFF  }
0x1a7: {  	_ =	shalt  }

</sc_bundles>
